<compile_context>
chip_gen: v7x
topology: tpu7x:2x2x1
jax: 0.10.2.dev20260603
libtpu: 0.0.44.dev20260713+nightly
codegen_flags: <defaults>
</compile_context>

<pallas_src>
import functools

import jax
import jax.numpy as jnp
from jax import lax
from jax.experimental import pallas as pl
from jax.experimental.pallas import tpu as pltpu
from jax.experimental.pallas import tpu_sc as plsc

NUM_CONTEXTS = 1000000
CTX_DIM = 64
BATCH = 16384
N_FIELDS = 26
HIST = 200

NC = 2
NS = 16
L = 16
NW = NC * NS

B1 = BATCH * N_FIELDS
PER_W1 = B1 // NW

CC = 512
N_CHUNKS1 = PER_W1 // CC
GB = 128
N_BURSTS = CC // GB

SQ = BATCH // 4
SB = SQ // GB
UNITS_PER_W = HIST * 4 // NW


def _tanh16(x):
    e = jnp.exp(jnp.abs(x) * -2.0)
    t = (1.0 - e) / (1.0 + e)
    tb = plsc.bitcast(t, jnp.int32)
    sb = plsc.bitcast(x, jnp.int32) & jnp.int32(-2147483648)
    return plsc.bitcast(tb | sb, jnp.float32)


def _worker_id():
    return lax.axis_index("s") * NC + lax.axis_index("c")


def _fire_bursts(table, idx_v, rows_v, b, sem):
    for j in range(N_BURSTS):
        pltpu.async_copy(table.at[idx_v.at[b, j]],
                         rows_v.at[b, pl.ds(j * GB, GB)], sem)


def _wait_bursts(table, idx_v, rows_v, b, sem):
    for j in range(N_BURSTS):
        pltpu.make_async_copy(table.at[idx_v.at[b, j]],
                              rows_v.at[b, pl.ds(j * GB, GB)], sem).wait()


def _out1_slice(out1, wid, g):
    return out1.at[pl.ds(wid * PER_W1 + g * CC, CC)]


def _sc_body(topics2d, sa4, table, stable_pad, out1, out2,
             idx_v, rows_v, sidx_v, obuf, tt2, tt, sem, sem_o, sem_s):
    wid = _worker_id()

    pltpu.sync_copy(stable_pad, tt2)
    tt[...] = _tanh16(tt2[...])

    row0 = wid * (PER_W1 // GB)

    pltpu.sync_copy(topics2d.at[pl.ds(row0, N_BURSTS)], idx_v.at[0])
    _fire_bursts(table, idx_v, rows_v, 0, sem)

    @pl.loop(0, N_CHUNKS1)
    def _ctx_chunk(g):
        b = lax.rem(g, 2)
        nb = 1 - b

        @pl.when(g >= 1)
        def _drain_out():
            pltpu.make_async_copy(rows_v.at[nb], _out1_slice(out1, wid, g - 1),
                                  sem_o).wait()

        @pl.when(g + 1 < N_CHUNKS1)
        def _prefetch():
            r0 = row0 + (g + 1) * N_BURSTS
            pltpu.sync_copy(topics2d.at[pl.ds(r0, N_BURSTS)], idx_v.at[nb])
            _fire_bursts(table, idx_v, rows_v, nb, sem)

        _wait_bursts(table, idx_v, rows_v, b, sem)

        @pl.loop(0, CC, unroll=8)
        def _row(i):
            for s in range(CTX_DIM // L):
                sl = pl.ds(s * L, L)
                rows_v[b, i, sl] = _tanh16(rows_v[b, i, sl])

        pltpu.async_copy(rows_v.at[b], _out1_slice(out1, wid, g), sem_o)

    pltpu.make_async_copy(rows_v.at[lax.rem(N_CHUNKS1 - 1, 2)],
                          _out1_slice(out1, wid, N_CHUNKS1 - 1), sem_o).wait()

    def _unit_coords(g):
        h = g >> 2
        return h >> 3, h & 7, g & 3

    def _stage_sidx(g, bb):
        tr, r, q = _unit_coords(g)
        pltpu.async_copy(sa4.at[tr, pl.ds(q * SB, SB), r], sidx_v.at[bb],
                         sem_s)

    def _wait_sidx(g, bb):
        tr, r, q = _unit_coords(g)
        pltpu.make_async_copy(sa4.at[tr, pl.ds(q * SB, SB), r],
                              sidx_v.at[bb], sem_s).wait()

    def _out2_slice(out2, g):
        h = g >> 2
        q = g & 3
        return out2.at[pl.ds(h * (BATCH // GB) + q * SB, SB)]

    u0 = wid * UNITS_PER_W
    _stage_sidx(u0, 0)

    @pl.loop(0, UNITS_PER_W)
    def _str_unit(u):
        g = u0 + u
        b = lax.rem(u, 2)
        nb = 1 - b

        @pl.when(u >= 1)
        def _drain_out2():
            pltpu.make_async_copy(obuf.at[nb], _out2_slice(out2, g - 1),
                                  sem_s).wait()

        @pl.when(u + 1 < UNITS_PER_W)
        def _prefetch2():
            _stage_sidx(g + 1, nb)

        _wait_sidx(g, b)

        @pl.loop(0, SB)
        def _grp(i):
            for l in range(GB // L):
                g0 = sidx_v[b, i, pl.ds(l * L, L)] * 2
                sl = pl.ds(l * L, L)
                obuf[b, i, 0, sl] = plsc.load_gather(tt, [g0])
                obuf[b, i, 1, sl] = plsc.load_gather(tt, [g0 + 1])

        pltpu.async_copy(obuf.at[b], _out2_slice(out2, g), sem_s)

    pltpu.make_async_copy(obuf.at[lax.rem(UNITS_PER_W - 1, 2)],
                          _out2_slice(out2, u0 + UNITS_PER_W - 1),
                          sem_s).wait()


@jax.jit
def _run(topics2d, sa4, table, stable_pad):
    mesh = plsc.VectorSubcoreMesh(core_axis_name="c", subcore_axis_name="s",
                                  num_cores=NC, num_subcores=NS)
    f = pl.kernel(
        _sc_body,
        out_type=[
            jax.ShapeDtypeStruct((B1, CTX_DIM), jnp.float32),
            jax.ShapeDtypeStruct((HIST * BATCH // GB, 2, GB), jnp.float32),
        ],
        mesh=mesh,
        compiler_params=pltpu.CompilerParams(needs_layout_passes=False,
                                             use_tc_tiling_on_sc=False),
        scratch_types=[
            pltpu.VMEM((2, N_BURSTS, GB), jnp.int32),
            pltpu.VMEM((2, CC, CTX_DIM), jnp.float32),
            pltpu.VMEM((2, SB, GB), jnp.int32),
            pltpu.VMEM((2, SB, 2, GB), jnp.float32),
            pltpu.VMEM((L,), jnp.float32),
            pltpu.VMEM((L,), jnp.float32),
            pltpu.SemaphoreType.DMA,
            pltpu.SemaphoreType.DMA,
            pltpu.SemaphoreType.DMA,
        ],
    )
    return f(topics2d, sa4, table, stable_pad)


def kernel(topics, structure_abstracts, contextual_table, structural_table):
    topics2d = topics.reshape(B1 // GB, GB)
    sa4 = structure_abstracts.reshape(128, 128, 25, 8).transpose(2, 0, 3, 1)
    stable_pad = jnp.pad(structural_table.reshape(6), (0, L - 6))
    out1, out2 = _run(topics2d, sa4, contextual_table, stable_pad)
    out2 = out2.reshape(HIST, BATCH // GB, 2, GB).transpose(1, 3, 0, 2)
    return (out1.reshape(BATCH, 1, N_FIELDS * CTX_DIM),
            out2.reshape(BATCH, HIST, 2))

# --- scband reference (transcript-rebuilt; emitter-appended) ---
"""Pipeline reference for scband-context-encoder-45389214384299 (READ-ONLY COPY).

The authoritative reference and input builder live on the scoring server;
editing this copy changes nothing except your own understanding.
"""

import jax, jax.numpy as jnp
import numpy as np

NUM_CONTEXTS = 1000000
CTX_DIM = 64
BATCH = 16384
N_FIELDS = 26
HIST = 200

def setup_inputs(seed: int = 0) -> dict:
    key = jax.random.key(seed)
    k1, k2, k3, k4 = jax.random.split(key, 4)
    topics = jax.random.randint(k1, (BATCH, N_FIELDS), 0, NUM_CONTEXTS, dtype=jnp.int32)
    structure_abstracts = jax.random.randint(k2, (BATCH, HIST), 0, 3, dtype=jnp.int32)
    contextual_table = jax.random.normal(k3, (NUM_CONTEXTS, CTX_DIM), dtype=jnp.float32)
    structural_table = jax.random.normal(k4, (3, 2), dtype=jnp.float32)
    return {
        "topics": topics,
        "structure_abstracts": structure_abstracts,
        "contextual_table": contextual_table,
        "structural_table": structural_table,
    }

def reference(topics, structure_abstracts, contextual_table, structural_table):
    # contextual branch: embedding gather -> reshape [B, 1, N_FIELDS*CTX_DIM] -> tanh
    embedded = jnp.take(contextual_table, topics, axis=0)  # [B, N_FIELDS, CTX_DIM]
    embedded = embedded.reshape(embedded.shape[0], 1, -1)  # [B, 1, N_FIELDS*CTX_DIM]
    non_linearity1 = jnp.tanh(embedded)
    # structural branch: embedding gather (3 rows, dim 2) -> tanh
    structure_embedding = jnp.take(structural_table, structure_abstracts, axis=0)  # [B, HIST, 2]
    non_linearity2 = jnp.tanh(structure_embedding)
    return (non_linearity1, non_linearity2)

if __name__ == "__main__":
    import jax
    _d = setup_inputs()
    print(jax.jit(kernel)(*tuple(_d.values())))

</pallas_src>

<mosaic_0001>
#map = affine_map<(d0, d1) -> (0, 0)>
#map1 = affine_map<(d0, d1) -> (0, 0, 0, 0)>
#map2 = affine_map<(d0, d1) -> (0)>
#map3 = affine_map<(d0, d1) -> (0, 0, 0)>
module attributes {stable_mosaic.version = 14 : i64} {
  func.func @_sc_body(%arg0: i32, %arg1: i32, %arg2: memref<3328x128xi32, #tpu.memory_space<hbm>>, %arg3: memref<25x128x8x128xi32, #tpu.memory_space<hbm>>, %arg4: memref<1000000x64xf32, #tpu.memory_space<hbm>>, %arg5: memref<16xf32, #tpu.memory_space<hbm>>, %arg6: memref<425984x64xf32, #tpu.memory_space<hbm>>, %arg7: memref<25600x2x128xf32, #tpu.memory_space<hbm>>, %arg8: memref<2x4x128xi32, #tpu.memory_space<vmem>>, %arg9: memref<2x512x64xf32, #tpu.memory_space<vmem>>, %arg10: memref<2x32x128xi32, #tpu.memory_space<vmem>>, %arg11: memref<2x32x2x128xf32, #tpu.memory_space<vmem>>, %arg12: memref<16xf32, #tpu.memory_space<vmem>>, %arg13: memref<16xf32, #tpu.memory_space<vmem>>, %arg14: memref<!tpu.dma_semaphore, #tpu.memory_space<semaphore_mem>>, %arg15: memref<!tpu.dma_semaphore, #tpu.memory_space<semaphore_mem>>, %arg16: memref<!tpu.dma_semaphore, #tpu.memory_space<semaphore_mem>>) attributes {dimension_semantics = [#tpu.dimension_semantics<core_parallel>, #tpu.dimension_semantics<subcore_parallel>], iteration_bounds = array<i64: 2, 16>, scalar_prefetch = 0 : i64, scratch_operands = 9 : i64, tpu.core_type = #tpu.core_type<sc_vector_subcore>, window_params = [{transform_indices = #map}, {transform_indices = #map1}, {transform_indices = #map}, {transform_indices = #map2}, {transform_indices = #map}, {transform_indices = #map3}]} {
    %mul3A = arith.constant 2 : i32
    %mul3A_0 = arith.muli %arg1, %mul3A : i32
    %add3A = arith.addi %mul3A_0, %arg0 : i32
    "tpu.region"() ({
      %run_scoped3A_152 = tpu.sem_alloc : memref<!tpu.dma_semaphore, #tpu.memory_space<semaphore_mem>>
      tpu.enqueue_dma source(%arg5 : memref<16xf32, #tpu.memory_space<hbm>>) target(%arg12 : memref<16xf32, #tpu.memory_space<vmem>>) target_semaphore(%run_scoped3A_152 : memref<!tpu.dma_semaphore, #tpu.memory_space<semaphore_mem>>)
      tpu.wait_dma2 semaphore(%run_scoped3A_152 : memref<!tpu.dma_semaphore, #tpu.memory_space<semaphore_mem>>) src(%arg5 : memref<16xf32, #tpu.memory_space<hbm>>) dst(%arg12 : memref<16xf32, #tpu.memory_space<vmem>>)
      tpu.yield
    }) : () -> ()
    %get3A = arith.constant 0 : index
    %get3A_1 = tpu.vector_load %arg12[%get3A] {strides = array<i32>} : memref<16xf32, #tpu.memory_space<vmem>>, vector<16xf32>,
    %abs3A = math.absf %get3A_1 : vector<16xf32>
    %mul3A_2 = arith.constant -2.000000e+00 : f32
    %mul3A_3 = vector.broadcast %mul3A_2 : f32 to vector<16xf32>
    %mul3A_4 = arith.mulf %abs3A, %mul3A_3 : vector<16xf32>
    %exp3A = math.exp %mul3A_4 : vector<16xf32>
    %sub3A = arith.constant 1.000000e+00 : f32
    %sub3A_5 = vector.broadcast %sub3A : f32 to vector<16xf32>
    %sub3A_6 = arith.subf %sub3A_5, %exp3A : vector<16xf32>
    %add3A_7 = arith.constant 1.000000e+00 : f32
    %add3A_8 = vector.broadcast %add3A_7 : f32 to vector<16xf32>
    %add3A_9 = arith.addf %add3A_8, %exp3A : vector<16xf32>
    %div3A = arith.divf %sub3A_6, %add3A_9 : vector<16xf32>
    %bitcast3A = vector.bitcast %div3A : vector<16xf32> to vector<16xi32>
    %bitcast3A_10 = vector.bitcast %get3A_1 : vector<16xf32> to vector<16xi32>
    %and3A = arith.constant -2147483648 : i32
    %and3A_11 = vector.broadcast %and3A : i32 to vector<16xi32>
    %and3A_12 = arith.andi %bitcast3A_10, %and3A_11 : vector<16xi32>
    %or3A = arith.ori %bitcast3A, %and3A_12 : vector<16xi32>
    %bitcast3A_13 = vector.bitcast %or3A : vector<16xi32> to vector<16xf32>
    %swap3A = arith.constant 0 : index
    %swap3A_14 = tpu.vector_load %arg13[%swap3A] {strides = array<i32>} : memref<16xf32, #tpu.memory_space<vmem>>, vector<16xf32>,
    tpu.vector_store %arg13[%swap3A], %bitcast3A_13 {strides = array<i32>} : memref<16xf32, #tpu.memory_space<vmem>>, vector<16xf32>,
    %mul3A_15 = arith.constant 104 : i32
    %mul3A_16 = arith.muli %add3A, %mul3A_15 : i32
    %run_scoped3A = arith.constant 0 : i32
    "tpu.region"() ({
      %run_scoped3A_152 = tpu.sem_alloc : memref<!tpu.dma_semaphore, #tpu.memory_space<semaphore_mem>>
      %dma_start3A_153 = arith.constant 0 : i32
      %dma_start3A_154 = arith.constant 0 : i32
      %dma_start3A_155 = tpu.memref_slice %arg8[%run_scoped3A, %dma_start3A_153, %dma_start3A_154] : memref<2x4x128xi32, #tpu.memory_space<vmem>> -> memref<1x4x128xi32, #tpu.memory_space<vmem>>
      %dma_start3A_156 = tpu.memref_squeeze %dma_start3A_155 : memref<1x4x128xi32, #tpu.memory_space<vmem>> -> memref<4x128xi32, #tpu.memory_space<vmem>>
      %dma_start3A_157 = arith.constant 0 : i32
      %dma_start3A_158 = tpu.memref_slice %arg2[%mul3A_16, %dma_start3A_157] : memref<3328x128xi32, #tpu.memory_space<hbm>> -> memref<4x128xi32, #tpu.memory_space<hbm>>
      %dma_start3A_159 = arith.constant 0 : i32
      %dma_start3A_160 = arith.constant 0 : i32
      %dma_start3A_161 = tpu.memref_slice %arg8[%run_scoped3A, %dma_start3A_159, %dma_start3A_160] : memref<2x4x128xi32, #tpu.memory_space<vmem>> -> memref<1x4x128xi32, #tpu.memory_space<vmem>>
      %dma_start3A_162 = tpu.memref_squeeze %dma_start3A_161 : memref<1x4x128xi32, #tpu.memory_space<vmem>> -> memref<4x128xi32, #tpu.memory_space<vmem>>
      %dma_start3A_163 = arith.constant 0 : i32
      %dma_start3A_164 = tpu.memref_slice %arg2[%mul3A_16, %dma_start3A_163] : memref<3328x128xi32, #tpu.memory_space<hbm>> -> memref<4x128xi32, #tpu.memory_space<hbm>>
      tpu.enqueue_dma source(%dma_start3A_164 : memref<4x128xi32, #tpu.memory_space<hbm>>) target(%dma_start3A_162 : memref<4x128xi32, #tpu.memory_space<vmem>>) target_semaphore(%run_scoped3A_152 : memref<!tpu.dma_semaphore, #tpu.memory_space<semaphore_mem>>)
      %dma_wait3A_165 = arith.constant 0 : i32
      %dma_wait3A_166 = arith.constant 0 : i32
      %dma_wait3A_167 = tpu.memref_slice %arg8[%run_scoped3A, %dma_wait3A_165, %dma_wait3A_166] : memref<2x4x128xi32, #tpu.memory_space<vmem>> -> memref<1x4x128xi32, #tpu.memory_space<vmem>>
      %dma_wait3A_168 = tpu.memref_squeeze %dma_wait3A_167 : memref<1x4x128xi32, #tpu.memory_space<vmem>> -> memref<4x128xi32, #tpu.memory_space<vmem>>
      %dma_wait3A_169 = arith.constant 0 : i32
      %dma_wait3A_170 = tpu.memref_slice %arg2[%mul3A_16, %dma_wait3A_169] : memref<3328x128xi32, #tpu.memory_space<hbm>> -> memref<4x128xi32, #tpu.memory_space<hbm>>
      %dma_wait3A_171 = arith.constant 0 : i32
      %dma_wait3A_172 = arith.constant 0 : i32
      %dma_wait3A_173 = tpu.memref_slice %arg8[%run_scoped3A, %dma_wait3A_171, %dma_wait3A_172] : memref<2x4x128xi32, #tpu.memory_space<vmem>> -> memref<1x4x128xi32, #tpu.memory_space<vmem>>
      %dma_wait3A_174 = tpu.memref_squeeze %dma_wait3A_173 : memref<1x4x128xi32, #tpu.memory_space<vmem>> -> memref<4x128xi32, #tpu.memory_space<vmem>>
      %dma_wait3A_175 = arith.constant 0 : i32
      %dma_wait3A_176 = tpu.memref_slice %arg2[%mul3A_16, %dma_wait3A_175] : memref<3328x128xi32, #tpu.memory_space<hbm>> -> memref<4x128xi32, #tpu.memory_space<hbm>>
      tpu.wait_dma2 semaphore(%run_scoped3A_152 : memref<!tpu.dma_semaphore, #tpu.memory_space<semaphore_mem>>) src(%dma_wait3A_176 : memref<4x128xi32, #tpu.memory_space<hbm>>) dst(%dma_wait3A_174 : memref<4x128xi32, #tpu.memory_space<vmem>>)
      tpu.yield
    }) : () -> ()
    %dma_start3A = arith.constant 0 : i32
    %dma_start3A_17 = arith.constant 0 : i32
    %dma_start3A_18 = arith.constant 0 : i32
    %dma_start3A_19 = arith.constant 0 : i32
    %dma_start3A_20 = arith.constant 0 : i32
    %dma_start3A_21 = tpu.memref_slice %arg9[%dma_start3A_18, %dma_start3A_19, %dma_start3A_20] : memref<2x512x64xf32, #tpu.memory_space<vmem>> -> memref<1x128x64xf32, #tpu.memory_space<vmem>>
    %dma_start3A_22 = tpu.memref_squeeze %dma_start3A_21 : memref<1x128x64xf32, #tpu.memory_space<vmem>> -> memref<128x64xf32, #tpu.memory_space<vmem>>
    %dma_start3A_23 = arith.constant 0 : i32
    %dma_start3A_24 = tpu.memref_slice %arg8[%dma_start3A, %dma_start3A_17, %dma_start3A_23] : memref<2x4x128xi32, #tpu.memory_space<vmem>> -> memref<1x1x128xi32, #tpu.memory_space<vmem>>
    %dma_start3A_25 = tpu.memref_squeeze %dma_start3A_24 : memref<1x1x128xi32, #tpu.memory_space<vmem>> -> memref<128xi32, #tpu.memory_space<vmem>>
    %dma_start3A_26 = arith.constant 0 : i32
    %dma_start3A_27 = arith.constant 0 : i32
    %dma_start3A_28 = tpu.memref_slice %arg4[%dma_start3A_26, %dma_start3A_27] : memref<1000000x64xf32, #tpu.memory_space<hbm>> -> memref<1000000x64xf32, #tpu.memory_space<hbm>>
    tpu.enqueue_indirect_dma source(%dma_start3A_28 : memref<1000000x64xf32, #tpu.memory_space<hbm>>) target(%dma_start3A_22 : memref<128x64xf32, #tpu.memory_space<vmem>>) offsets(%dma_start3A_25 : memref<128xi32, #tpu.memory_space<vmem>>) semaphore(%arg14 : memref<!tpu.dma_semaphore, #tpu.memory_space<semaphore_mem>>)
    %dma_start3A_29 = arith.constant 0 : i32
    %dma_start3A_30 = arith.constant 1 : i32
    %dma_start3A_31 = arith.constant 0 : i32
    %dma_start3A_32 = arith.constant 128 : i32
    %dma_start3A_33 = arith.constant 0 : i32
    %dma_start3A_34 = tpu.memref_slice %arg9[%dma_start3A_31, %dma_start3A_32, %dma_start3A_33] : memref<2x512x64xf32, #tpu.memory_space<vmem>> -> memref<1x128x64xf32, #tpu.memory_space<vmem>>
    %dma_start3A_35 = tpu.memref_squeeze %dma_start3A_34 : memref<1x128x64xf32, #tpu.memory_space<vmem>> -> memref<128x64xf32, #tpu.memory_space<vmem>>
    %dma_start3A_36 = arith.constant 0 : i32
    %dma_start3A_37 = tpu.memref_slice %arg8[%dma_start3A_29, %dma_start3A_30, %dma_start3A_36] : memref<2x4x128xi32, #tpu.memory_space<vmem>> -> memref<1x1x128xi32, #tpu.memory_space<vmem>>
    %dma_start3A_38 = tpu.memref_squeeze %dma_start3A_37 : memref<1x1x128xi32, #tpu.memory_space<vmem>> -> memref<128xi32, #tpu.memory_space<vmem>>
    %dma_start3A_39 = arith.constant 0 : i32
    %dma_start3A_40 = arith.constant 0 : i32
    %dma_start3A_41 = tpu.memref_slice %arg4[%dma_start3A_39, %dma_start3A_40] : memref<1000000x64xf32, #tpu.memory_space<hbm>> -> memref<1000000x64xf32, #tpu.memory_space<hbm>>
    tpu.enqueue_indirect_dma source(%dma_start3A_41 : memref<1000000x64xf32, #tpu.memory_space<hbm>>) target(%dma_start3A_35 : memref<128x64xf32, #tpu.memory_space<vmem>>) offsets(%dma_start3A_38 : memref<128xi32, #tpu.memory_space<vmem>>) semaphore(%arg14 : memref<!tpu.dma_semaphore, #tpu.memory_space<semaphore_mem>>)
    %dma_start3A_42 = arith.constant 0 : i32
    %dma_start3A_43 = arith.constant 2 : i32
    %dma_start3A_44 = arith.constant 0 : i32
    %dma_start3A_45 = arith.constant 256 : i32
    %dma_start3A_46 = arith.constant 0 : i32
    %dma_start3A_47 = tpu.memref_slice %arg9[%dma_start3A_44, %dma_start3A_45, %dma_start3A_46] : memref<2x512x64xf32, #tpu.memory_space<vmem>> -> memref<1x128x64xf32, #tpu.memory_space<vmem>>
    %dma_start3A_48 = tpu.memref_squeeze %dma_start3A_47 : memref<1x128x64xf32, #tpu.memory_space<vmem>> -> memref<128x64xf32, #tpu.memory_space<vmem>>
    %dma_start3A_49 = arith.constant 0 : i32
    %dma_start3A_50 = tpu.memref_slice %arg8[%dma_start3A_42, %dma_start3A_43, %dma_start3A_49] : memref<2x4x128xi32, #tpu.memory_space<vmem>> -> memref<1x1x128xi32, #tpu.memory_space<vmem>>
    %dma_start3A_51 = tpu.memref_squeeze %dma_start3A_50 : memref<1x1x128xi32, #tpu.memory_space<vmem>> -> memref<128xi32, #tpu.memory_space<vmem>>
    %dma_start3A_52 = arith.constant 0 : i32
    %dma_start3A_53 = arith.constant 0 : i32
    %dma_start3A_54 = tpu.memref_slice %arg4[%dma_start3A_52, %dma_start3A_53] : memref<1000000x64xf32, #tpu.memory_space<hbm>> -> memref<1000000x64xf32, #tpu.memory_space<hbm>>
    tpu.enqueue_indirect_dma source(%dma_start3A_54 : memref<1000000x64xf32, #tpu.memory_space<hbm>>) target(%dma_start3A_48 : memref<128x64xf32, #tpu.memory_space<vmem>>) offsets(%dma_start3A_51 : memref<128xi32, #tpu.memory_space<vmem>>) semaphore(%arg14 : memref<!tpu.dma_semaphore, #tpu.memory_space<semaphore_mem>>)
    %dma_start3A_55 = arith.constant 0 : i32
    %dma_start3A_56 = arith.constant 3 : i32
    %dma_start3A_57 = arith.constant 0 : i32
    %dma_start3A_58 = arith.constant 384 : i32
    %dma_start3A_59 = arith.constant 0 : i32
    %dma_start3A_60 = tpu.memref_slice %arg9[%dma_start3A_57, %dma_start3A_58, %dma_start3A_59] : memref<2x512x64xf32, #tpu.memory_space<vmem>> -> memref<1x128x64xf32, #tpu.memory_space<vmem>>
    %dma_start3A_61 = tpu.memref_squeeze %dma_start3A_60 : memref<1x128x64xf32, #tpu.memory_space<vmem>> -> memref<128x64xf32, #tpu.memory_space<vmem>>
    %dma_start3A_62 = arith.constant 0 : i32
    %dma_start3A_63 = tpu.memref_slice %arg8[%dma_start3A_55, %dma_start3A_56, %dma_start3A_62] : memref<2x4x128xi32, #tpu.memory_space<vmem>> -> memref<1x1x128xi32, #tpu.memory_space<vmem>>
    %dma_start3A_64 = tpu.memref_squeeze %dma_start3A_63 : memref<1x1x128xi32, #tpu.memory_space<vmem>> -> memref<128xi32, #tpu.memory_space<vmem>>
    %dma_start3A_65 = arith.constant 0 : i32
    %dma_start3A_66 = arith.constant 0 : i32
    %dma_start3A_67 = tpu.memref_slice %arg4[%dma_start3A_65, %dma_start3A_66] : memref<1000000x64xf32, #tpu.memory_space<hbm>> -> memref<1000000x64xf32, #tpu.memory_space<hbm>>
    tpu.enqueue_indirect_dma source(%dma_start3A_67 : memref<1000000x64xf32, #tpu.memory_space<hbm>>) target(%dma_start3A_61 : memref<128x64xf32, #tpu.memory_space<vmem>>) offsets(%dma_start3A_64 : memref<128xi32, #tpu.memory_space<vmem>>) semaphore(%arg14 : memref<!tpu.dma_semaphore, #tpu.memory_space<semaphore_mem>>)
    %scan3A = arith.constant 0 : i32
    %scan3A_68 = arith.constant 26 : i32
    %scan3A_69 = arith.addi %scan3A, %scan3A_68 : i32
    %scan3A_70 = arith.constant 1 : i32
    scf.for %scan3A_152 = %scan3A to %scan3A_69 step %scan3A_70  : i32 {
      %mul3A_153 = arith.constant 1 : i32
      %mul3A_154 = arith.muli %scan3A_152, %mul3A_153 : i32
      %add3A_155 = arith.constant 0 : i32
      %add3A_156 = arith.addi %add3A_155, %mul3A_154 : i32
      %rem3A_157 = arith.constant 2 : i32
      %rem3A_158 = arith.remsi %add3A_156, %rem3A_157 : i32
      %sub3A_159 = arith.constant 1 : i32
      %sub3A_160 = arith.subi %sub3A_159, %rem3A_158 : i32
      %ge3A = arith.constant 1 : i32
      %ge3A_161 = arith.cmpi sge, %add3A_156, %ge3A : i32
      %convert_element_type3A = arith.extui %ge3A_161 : i1 to i32
      %cond3A = arith.constant 0 : i32
      %cond3A_162 = arith.cmpi ne, %convert_element_type3A, %cond3A : i32
      scf.if %cond3A_162 {
        %sub3A_235 = arith.constant 1 : i32
        %sub3A_236 = arith.subi %add3A_156, %sub3A_235 : i32
        %mul3A_237 = arith.constant 13312 : i32
        %mul3A_238 = arith.muli %add3A, %mul3A_237 : i32
        %mul3A_239 = arith.constant 512 : i32
        %mul3A_240 = arith.muli %sub3A_236, %mul3A_239 : i32
        %add3A_241 = arith.addi %mul3A_238, %mul3A_240 : i32
        %dma_wait3A_242 = arith.constant 0 : i32
        %dma_wait3A_243 = arith.constant 0 : i32
        %dma_wait3A_244 = tpu.memref_slice %arg9[%sub3A_160, %dma_wait3A_242, %dma_wait3A_243] : memref<2x512x64xf32, #tpu.memory_space<vmem>> -> memref<1x512x64xf32, #tpu.memory_space<vmem>>
        %dma_wait3A_245 = tpu.memref_squeeze %dma_wait3A_244 : memref<1x512x64xf32, #tpu.memory_space<vmem>> -> memref<512x64xf32, #tpu.memory_space<vmem>>
        %dma_wait3A_246 = arith.constant 0 : i32
        %dma_wait3A_247 = tpu.memref_slice %arg6[%add3A_241, %dma_wait3A_246] : memref<425984x64xf32, #tpu.memory_space<hbm>> -> memref<512x64xf32, #tpu.memory_space<hbm>>
        %dma_wait3A_248 = arith.constant 0 : i32
        %dma_wait3A_249 = tpu.memref_slice %arg6[%add3A_241, %dma_wait3A_248] : memref<425984x64xf32, #tpu.memory_space<hbm>> -> memref<512x64xf32, #tpu.memory_space<hbm>>
        %dma_wait3A_250 = arith.constant 0 : i32
        %dma_wait3A_251 = arith.constant 0 : i32
        %dma_wait3A_252 = tpu.memref_slice %arg9[%sub3A_160, %dma_wait3A_250, %dma_wait3A_251] : memref<2x512x64xf32, #tpu.memory_space<vmem>> -> memref<1x512x64xf32, #tpu.memory_space<vmem>>
        %dma_wait3A_253 = tpu.memref_squeeze %dma_wait3A_252 : memref<1x512x64xf32, #tpu.memory_space<vmem>> -> memref<512x64xf32, #tpu.memory_space<vmem>>
        tpu.wait_dma2 semaphore(%arg15 : memref<!tpu.dma_semaphore, #tpu.memory_space<semaphore_mem>>) src(%dma_wait3A_253 : memref<512x64xf32, #tpu.memory_space<vmem>>) dst(%dma_wait3A_249 : memref<512x64xf32, #tpu.memory_space<hbm>>)
      } else {
      }
      %add3A_163 = arith.constant 1 : i32
      %add3A_164 = arith.addi %add3A_156, %add3A_163 : i32
      %lt3A = arith.constant 26 : i32
      %lt3A_165 = arith.cmpi slt, %add3A_164, %lt3A : i32
      %convert_element_type3A_166 = arith.extui %lt3A_165 : i1 to i32
      %cond3A_167 = arith.constant 0 : i32
      %cond3A_168 = arith.cmpi ne, %convert_element_type3A_166, %cond3A_167 : i32
      scf.if %cond3A_168 {
        %add3A_235 = arith.constant 1 : i32
        %add3A_236 = arith.addi %add3A_156, %add3A_235 : i32
        %mul3A_237 = arith.constant 4 : i32
        %mul3A_238 = arith.muli %add3A_236, %mul3A_237 : i32
        %add3A_239 = arith.addi %mul3A_16, %mul3A_238 : i32
        "tpu.region"() ({
          %run_scoped3A_284 = tpu.sem_alloc : memref<!tpu.dma_semaphore, #tpu.memory_space<semaphore_mem>>
          %dma_start3A_285 = arith.constant 0 : i32
          %dma_start3A_286 = arith.constant 0 : i32
          %dma_start3A_287 = tpu.memref_slice %arg8[%sub3A_160, %dma_start3A_285, %dma_start3A_286] : memref<2x4x128xi32, #tpu.memory_space<vmem>> -> memref<1x4x128xi32, #tpu.memory_space<vmem>>
          %dma_start3A_288 = tpu.memref_squeeze %dma_start3A_287 : memref<1x4x128xi32, #tpu.memory_space<vmem>> -> memref<4x128xi32, #tpu.memory_space<vmem>>
          %dma_start3A_289 = arith.constant 0 : i32
          %dma_start3A_290 = tpu.memref_slice %arg2[%add3A_239, %dma_start3A_289] : memref<3328x128xi32, #tpu.memory_space<hbm>> -> memref<4x128xi32, #tpu.memory_space<hbm>>
          %dma_start3A_291 = arith.constant 0 : i32
          %dma_start3A_292 = arith.constant 0 : i32
          %dma_start3A_293 = tpu.memref_slice %arg8[%sub3A_160, %dma_start3A_291, %dma_start3A_292] : memref<2x4x128xi32, #tpu.memory_space<vmem>> -> memref<1x4x128xi32, #tpu.memory_space<vmem>>
          %dma_start3A_294 = tpu.memref_squeeze %dma_start3A_293 : memref<1x4x128xi32, #tpu.memory_space<vmem>> -> memref<4x128xi32, #tpu.memory_space<vmem>>
          %dma_start3A_295 = arith.constant 0 : i32
          %dma_start3A_296 = tpu.memref_slice %arg2[%add3A_239, %dma_start3A_295] : memref<3328x128xi32, #tpu.memory_space<hbm>> -> memref<4x128xi32, #tpu.memory_space<hbm>>
          tpu.enqueue_dma source(%dma_start3A_296 : memref<4x128xi32, #tpu.memory_space<hbm>>) target(%dma_start3A_294 : memref<4x128xi32, #tpu.memory_space<vmem>>) target_semaphore(%run_scoped3A_284 : memref<!tpu.dma_semaphore, #tpu.memory_space<semaphore_mem>>)
          %dma_wait3A_297 = arith.constant 0 : i32
          %dma_wait3A_298 = arith.constant 0 : i32
          %dma_wait3A_299 = tpu.memref_slice %arg8[%sub3A_160, %dma_wait3A_297, %dma_wait3A_298] : memref<2x4x128xi32, #tpu.memory_space<vmem>> -> memref<1x4x128xi32, #tpu.memory_space<vmem>>
          %dma_wait3A_300 = tpu.memref_squeeze %dma_wait3A_299 : memref<1x4x128xi32, #tpu.memory_space<vmem>> -> memref<4x128xi32, #tpu.memory_space<vmem>>
          %dma_wait3A_301 = arith.constant 0 : i32
          %dma_wait3A_302 = tpu.memref_slice %arg2[%add3A_239, %dma_wait3A_301] : memref<3328x128xi32, #tpu.memory_space<hbm>> -> memref<4x128xi32, #tpu.memory_space<hbm>>
          %dma_wait3A_303 = arith.constant 0 : i32
          %dma_wait3A_304 = arith.constant 0 : i32
          %dma_wait3A_305 = tpu.memref_slice %arg8[%sub3A_160, %dma_wait3A_303, %dma_wait3A_304] : memref<2x4x128xi32, #tpu.memory_space<vmem>> -> memref<1x4x128xi32, #tpu.memory_space<vmem>>
          %dma_wait3A_306 = tpu.memref_squeeze %dma_wait3A_305 : memref<1x4x128xi32, #tpu.memory_space<vmem>> -> memref<4x128xi32, #tpu.memory_space<vmem>>
          %dma_wait3A_307 = arith.constant 0 : i32
          %dma_wait3A_308 = tpu.memref_slice %arg2[%add3A_239, %dma_wait3A_307] : memref<3328x128xi32, #tpu.memory_space<hbm>> -> memref<4x128xi32, #tpu.memory_space<hbm>>
          tpu.wait_dma2 semaphore(%run_scoped3A_284 : memref<!tpu.dma_semaphore, #tpu.memory_space<semaphore_mem>>) src(%dma_wait3A_308 : memref<4x128xi32, #tpu.memory_space<hbm>>) dst(%dma_wait3A_306 : memref<4x128xi32, #tpu.memory_space<vmem>>)
          tpu.yield
        }) : () -> ()
        %dma_start3A_240 = arith.constant 0 : i32
        %dma_start3A_241 = arith.constant 0 : i32
        %dma_start3A_242 = arith.constant 0 : i32
        %dma_start3A_243 = tpu.memref_slice %arg9[%sub3A_160, %dma_start3A_241, %dma_start3A_242] : memref<2x512x64xf32, #tpu.memory_space<vmem>> -> memref<1x128x64xf32, #tpu.memory_space<vmem>>
        %dma_start3A_244 = tpu.memref_squeeze %dma_start3A_243 : memref<1x128x64xf32, #tpu.memory_space<vmem>> -> memref<128x64xf32, #tpu.memory_space<vmem>>
        %dma_start3A_245 = arith.constant 0 : i32
        %dma_start3A_246 = tpu.memref_slice %arg8[%sub3A_160, %dma_start3A_240, %dma_start3A_245] : memref<2x4x128xi32, #tpu.memory_space<vmem>> -> memref<1x1x128xi32, #tpu.memory_space<vmem>>
        %dma_start3A_247 = tpu.memref_squeeze %dma_start3A_246 : memref<1x1x128xi32, #tpu.memory_space<vmem>> -> memref<128xi32, #tpu.memory_space<vmem>>
        %dma_start3A_248 = arith.constant 0 : i32
        %dma_start3A_249 = arith.constant 0 : i32
        %dma_start3A_250 = tpu.memref_slice %arg4[%dma_start3A_248, %dma_start3A_249] : memref<1000000x64xf32, #tpu.memory_space<hbm>> -> memref<1000000x64xf32, #tpu.memory_space<hbm>>
        tpu.enqueue_indirect_dma source(%dma_start3A_250 : memref<1000000x64xf32, #tpu.memory_space<hbm>>) target(%dma_start3A_244 : memref<128x64xf32, #tpu.memory_space<vmem>>) offsets(%dma_start3A_247 : memref<128xi32, #tpu.memory_space<vmem>>) semaphore(%arg14 : memref<!tpu.dma_semaphore, #tpu.memory_space<semaphore_mem>>)
        %dma_start3A_251 = arith.constant 1 : i32
        %dma_start3A_252 = arith.constant 128 : i32
        %dma_start3A_253 = arith.constant 0 : i32
        %dma_start3A_254 = tpu.memref_slice %arg9[%sub3A_160, %dma_start3A_252, %dma_start3A_253] : memref<2x512x64xf32, #tpu.memory_space<vmem>> -> memref<1x128x64xf32, #tpu.memory_space<vmem>>
        %dma_start3A_255 = tpu.memref_squeeze %dma_start3A_254 : memref<1x128x64xf32, #tpu.memory_space<vmem>> -> memref<128x64xf32, #tpu.memory_space<vmem>>
        %dma_start3A_256 = arith.constant 0 : i32
        %dma_start3A_257 = tpu.memref_slice %arg8[%sub3A_160, %dma_start3A_251, %dma_start3A_256] : memref<2x4x128xi32, #tpu.memory_space<vmem>> -> memref<1x1x128xi32, #tpu.memory_space<vmem>>
        %dma_start3A_258 = tpu.memref_squeeze %dma_start3A_257 : memref<1x1x128xi32, #tpu.memory_space<vmem>> -> memref<128xi32, #tpu.memory_space<vmem>>
        %dma_start3A_259 = arith.constant 0 : i32
        %dma_start3A_260 = arith.constant 0 : i32
        %dma_start3A_261 = tpu.memref_slice %arg4[%dma_start3A_259, %dma_start3A_260] : memref<1000000x64xf32, #tpu.memory_space<hbm>> -> memref<1000000x64xf32, #tpu.memory_space<hbm>>
        tpu.enqueue_indirect_dma source(%dma_start3A_261 : memref<1000000x64xf32, #tpu.memory_space<hbm>>) target(%dma_start3A_255 : memref<128x64xf32, #tpu.memory_space<vmem>>) offsets(%dma_start3A_258 : memref<128xi32, #tpu.memory_space<vmem>>) semaphore(%arg14 : memref<!tpu.dma_semaphore, #tpu.memory_space<semaphore_mem>>)
        %dma_start3A_262 = arith.constant 2 : i32
        %dma_start3A_263 = arith.constant 256 : i32
        %dma_start3A_264 = arith.constant 0 : i32
        %dma_start3A_265 = tpu.memref_slice %arg9[%sub3A_160, %dma_start3A_263, %dma_start3A_264] : memref<2x512x64xf32, #tpu.memory_space<vmem>> -> memref<1x128x64xf32, #tpu.memory_space<vmem>>
        %dma_start3A_266 = tpu.memref_squeeze %dma_start3A_265 : memref<1x128x64xf32, #tpu.memory_space<vmem>> -> memref<128x64xf32, #tpu.memory_space<vmem>>
        %dma_start3A_267 = arith.constant 0 : i32
        %dma_start3A_268 = tpu.memref_slice %arg8[%sub3A_160, %dma_start3A_262, %dma_start3A_267] : memref<2x4x128xi32, #tpu.memory_space<vmem>> -> memref<1x1x128xi32, #tpu.memory_space<vmem>>
        %dma_start3A_269 = tpu.memref_squeeze %dma_start3A_268 : memref<1x1x128xi32, #tpu.memory_space<vmem>> -> memref<128xi32, #tpu.memory_space<vmem>>
        %dma_start3A_270 = arith.constant 0 : i32
        %dma_start3A_271 = arith.constant 0 : i32
        %dma_start3A_272 = tpu.memref_slice %arg4[%dma_start3A_270, %dma_start3A_271] : memref<1000000x64xf32, #tpu.memory_space<hbm>> -> memref<1000000x64xf32, #tpu.memory_space<hbm>>
        tpu.enqueue_indirect_dma source(%dma_start3A_272 : memref<1000000x64xf32, #tpu.memory_space<hbm>>) target(%dma_start3A_266 : memref<128x64xf32, #tpu.memory_space<vmem>>) offsets(%dma_start3A_269 : memref<128xi32, #tpu.memory_space<vmem>>) semaphore(%arg14 : memref<!tpu.dma_semaphore, #tpu.memory_space<semaphore_mem>>)
        %dma_start3A_273 = arith.constant 3 : i32
        %dma_start3A_274 = arith.constant 384 : i32
        %dma_start3A_275 = arith.constant 0 : i32
        %dma_start3A_276 = tpu.memref_slice %arg9[%sub3A_160, %dma_start3A_274, %dma_start3A_275] : memref<2x512x64xf32, #tpu.memory_space<vmem>> -> memref<1x128x64xf32, #tpu.memory_space<vmem>>
        %dma_start3A_277 = tpu.memref_squeeze %dma_start3A_276 : memref<1x128x64xf32, #tpu.memory_space<vmem>> -> memref<128x64xf32, #tpu.memory_space<vmem>>
        %dma_start3A_278 = arith.constant 0 : i32
        %dma_start3A_279 = tpu.memref_slice %arg8[%sub3A_160, %dma_start3A_273, %dma_start3A_278] : memref<2x4x128xi32, #tpu.memory_space<vmem>> -> memref<1x1x128xi32, #tpu.memory_space<vmem>>
        %dma_start3A_280 = tpu.memref_squeeze %dma_start3A_279 : memref<1x1x128xi32, #tpu.memory_space<vmem>> -> memref<128xi32, #tpu.memory_space<vmem>>
        %dma_start3A_281 = arith.constant 0 : i32
        %dma_start3A_282 = arith.constant 0 : i32
        %dma_start3A_283 = tpu.memref_slice %arg4[%dma_start3A_281, %dma_start3A_282] : memref<1000000x64xf32, #tpu.memory_space<hbm>> -> memref<1000000x64xf32, #tpu.memory_space<hbm>>
        tpu.enqueue_indirect_dma source(%dma_start3A_283 : memref<1000000x64xf32, #tpu.memory_space<hbm>>) target(%dma_start3A_277 : memref<128x64xf32, #tpu.memory_space<vmem>>) offsets(%dma_start3A_280 : memref<128xi32, #tpu.memory_space<vmem>>) semaphore(%arg14 : memref<!tpu.dma_semaphore, #tpu.memory_space<semaphore_mem>>)
      } else {
      }
      %dma_wait3A_169 = arith.constant 0 : i32
      %dma_wait3A_170 = arith.constant 0 : i32
      %dma_wait3A_171 = arith.constant 0 : i32
      %dma_wait3A_172 = tpu.memref_slice %arg9[%rem3A_158, %dma_wait3A_170, %dma_wait3A_171] : memref<2x512x64xf32, #tpu.memory_space<vmem>> -> memref<1x128x64xf32, #tpu.memory_space<vmem>>
      %dma_wait3A_173 = tpu.memref_squeeze %dma_wait3A_172 : memref<1x128x64xf32, #tpu.memory_space<vmem>> -> memref<128x64xf32, #tpu.memory_space<vmem>>
      %dma_wait3A_174 = arith.constant 0 : i32
      %dma_wait3A_175 = tpu.memref_slice %arg8[%rem3A_158, %dma_wait3A_169, %dma_wait3A_174] : memref<2x4x128xi32, #tpu.memory_space<vmem>> -> memref<1x1x128xi32, #tpu.memory_space<vmem>>
      %dma_wait3A_176 = tpu.memref_squeeze %dma_wait3A_175 : memref<1x1x128xi32, #tpu.memory_space<vmem>> -> memref<128xi32, #tpu.memory_space<vmem>>
      %dma_wait3A_177 = arith.constant 0 : i32
      %dma_wait3A_178 = arith.constant 0 : i32
      %dma_wait3A_179 = tpu.memref_slice %arg4[%dma_wait3A_177, %dma_wait3A_178] : memref<1000000x64xf32, #tpu.memory_space<hbm>> -> memref<1000000x64xf32, #tpu.memory_space<hbm>>
      tpu.wait_indirect_dma semaphore(%arg14 : memref<!tpu.dma_semaphore, #tpu.memory_space<semaphore_mem>>) src(%dma_wait3A_179 : memref<1000000x64xf32, #tpu.memory_space<hbm>>) dst(%dma_wait3A_173 : memref<128x64xf32, #tpu.memory_space<vmem>>)
      %dma_wait3A_180 = arith.constant 1 : i32
      %dma_wait3A_181 = arith.constant 128 : i32
      %dma_wait3A_182 = arith.constant 0 : i32
      %dma_wait3A_183 = tpu.memref_slice %arg9[%rem3A_158, %dma_wait3A_181, %dma_wait3A_182] : memref<2x512x64xf32, #tpu.memory_space<vmem>> -> memref<1x128x64xf32, #tpu.memory_space<vmem>>
      %dma_wait3A_184 = tpu.memref_squeeze %dma_wait3A_183 : memref<1x128x64xf32, #tpu.memory_space<vmem>> -> memref<128x64xf32, #tpu.memory_space<vmem>>
      %dma_wait3A_185 = arith.constant 0 : i32
      %dma_wait3A_186 = tpu.memref_slice %arg8[%rem3A_158, %dma_wait3A_180, %dma_wait3A_185] : memref<2x4x128xi32, #tpu.memory_space<vmem>> -> memref<1x1x128xi32, #tpu.memory_space<vmem>>
      %dma_wait3A_187 = tpu.memref_squeeze %dma_wait3A_186 : memref<1x1x128xi32, #tpu.memory_space<vmem>> -> memref<128xi32, #tpu.memory_space<vmem>>
      %dma_wait3A_188 = arith.constant 0 : i32
      %dma_wait3A_189 = arith.constant 0 : i32
      %dma_wait3A_190 = tpu.memref_slice %arg4[%dma_wait3A_188, %dma_wait3A_189] : memref<1000000x64xf32, #tpu.memory_space<hbm>> -> memref<1000000x64xf32, #tpu.memory_space<hbm>>
      tpu.wait_indirect_dma semaphore(%arg14 : memref<!tpu.dma_semaphore, #tpu.memory_space<semaphore_mem>>) src(%dma_wait3A_190 : memref<1000000x64xf32, #tpu.memory_space<hbm>>) dst(%dma_wait3A_184 : memref<128x64xf32, #tpu.memory_space<vmem>>)
      %dma_wait3A_191 = arith.constant 2 : i32
      %dma_wait3A_192 = arith.constant 256 : i32
      %dma_wait3A_193 = arith.constant 0 : i32
      %dma_wait3A_194 = tpu.memref_slice %arg9[%rem3A_158, %dma_wait3A_192, %dma_wait3A_193] : memref<2x512x64xf32, #tpu.memory_space<vmem>> -> memref<1x128x64xf32, #tpu.memory_space<vmem>>
      %dma_wait3A_195 = tpu.memref_squeeze %dma_wait3A_194 : memref<1x128x64xf32, #tpu.memory_space<vmem>> -> memref<128x64xf32, #tpu.memory_space<vmem>>
      %dma_wait3A_196 = arith.constant 0 : i32
      %dma_wait3A_197 = tpu.memref_slice %arg8[%rem3A_158, %dma_wait3A_191, %dma_wait3A_196] : memref<2x4x128xi32, #tpu.memory_space<vmem>> -> memref<1x1x128xi32, #tpu.memory_space<vmem>>
      %dma_wait3A_198 = tpu.memref_squeeze %dma_wait3A_197 : memref<1x1x128xi32, #tpu.memory_space<vmem>> -> memref<128xi32, #tpu.memory_space<vmem>>
      %dma_wait3A_199 = arith.constant 0 : i32
      %dma_wait3A_200 = arith.constant 0 : i32
      %dma_wait3A_201 = tpu.memref_slice %arg4[%dma_wait3A_199, %dma_wait3A_200] : memref<1000000x64xf32, #tpu.memory_space<hbm>> -> memref<1000000x64xf32, #tpu.memory_space<hbm>>
      tpu.wait_indirect_dma semaphore(%arg14 : memref<!tpu.dma_semaphore, #tpu.memory_space<semaphore_mem>>) src(%dma_wait3A_201 : memref<1000000x64xf32, #tpu.memory_space<hbm>>) dst(%dma_wait3A_195 : memref<128x64xf32, #tpu.memory_space<vmem>>)
      %dma_wait3A_202 = arith.constant 3 : i32
      %dma_wait3A_203 = arith.constant 384 : i32
      %dma_wait3A_204 = arith.constant 0 : i32
      %dma_wait3A_205 = tpu.memref_slice %arg9[%rem3A_158, %dma_wait3A_203, %dma_wait3A_204] : memref<2x512x64xf32, #tpu.memory_space<vmem>> -> memref<1x128x64xf32, #tpu.memory_space<vmem>>
      %dma_wait3A_206 = tpu.memref_squeeze %dma_wait3A_205 : memref<1x128x64xf32, #tpu.memory_space<vmem>> -> memref<128x64xf32, #tpu.memory_space<vmem>>
      %dma_wait3A_207 = arith.constant 0 : i32
      %dma_wait3A_208 = tpu.memref_slice %arg8[%rem3A_158, %dma_wait3A_202, %dma_wait3A_207] : memref<2x4x128xi32, #tpu.memory_space<vmem>> -> memref<1x1x128xi32, #tpu.memory_space<vmem>>
      %dma_wait3A_209 = tpu.memref_squeeze %dma_wait3A_208 : memref<1x1x128xi32, #tpu.memory_space<vmem>> -> memref<128xi32, #tpu.memory_space<vmem>>
      %dma_wait3A_210 = arith.constant 0 : i32
      %dma_wait3A_211 = arith.constant 0 : i32
      %dma_wait3A_212 = tpu.memref_slice %arg4[%dma_wait3A_210, %dma_wait3A_211] : memref<1000000x64xf32, #tpu.memory_space<hbm>> -> memref<1000000x64xf32, #tpu.memory_space<hbm>>
      tpu.wait_indirect_dma semaphore(%arg14 : memref<!tpu.dma_semaphore, #tpu.memory_space<semaphore_mem>>) src(%dma_wait3A_212 : memref<1000000x64xf32, #tpu.memory_space<hbm>>) dst(%dma_wait3A_206 : memref<128x64xf32, #tpu.memory_space<vmem>>)
      %scan3A_213 = arith.constant 0 : i32
      %scan3A_214 = arith.constant 512 : i32
      %scan3A_215 = arith.addi %scan3A_213, %scan3A_214 : i32
      %scan3A_216 = arith.constant 8 : i32
      scf.for %scan3A_235 = %scan3A_213 to %scan3A_215 step %scan3A_216  : i32 {
        %mul3A_236 = arith.constant 1 : i32
        %mul3A_237 = arith.muli %scan3A_235, %mul3A_236 : i32
        %add3A_238 = arith.constant 0 : i32
        %add3A_239 = arith.addi %add3A_238, %mul3A_237 : i32
        %get3A_240 = arith.index_cast %rem3A_158 : i32 to index
        %get3A_241 = arith.index_cast %add3A_239 : i32 to index
        %get3A_242 = arith.constant 0 : index
        %get3A_243 = tpu.vector_load %arg9[%get3A_240, %get3A_241, %get3A_242] {strides = array<i32>} : memref<2x512x64xf32, #tpu.memory_space<vmem>>, vector<16xf32>,
        %abs3A_244 = math.absf %get3A_243 : vector<16xf32>
        %mul3A_245 = arith.constant -2.000000e+00 : f32
        %mul3A_246 = vector.broadcast %mul3A_245 : f32 to vector<16xf32>
        %mul3A_247 = arith.mulf %abs3A_244, %mul3A_246 : vector<16xf32>
        %exp3A_248 = math.exp %mul3A_247 : vector<16xf32>
        %sub3A_249 = arith.constant 1.000000e+00 : f32
        %sub3A_250 = vector.broadcast %sub3A_249 : f32 to vector<16xf32>
        %sub3A_251 = arith.subf %sub3A_250, %exp3A_248 : vector<16xf32>
        %add3A_252 = arith.constant 1.000000e+00 : f32
        %add3A_253 = vector.broadcast %add3A_252 : f32 to vector<16xf32>
        %add3A_254 = arith.addf %add3A_253, %exp3A_248 : vector<16xf32>
        %div3A_255 = arith.divf %sub3A_251, %add3A_254 : vector<16xf32>
        %bitcast3A_256 = vector.bitcast %div3A_255 : vector<16xf32> to vector<16xi32>
        %bitcast3A_257 = vector.bitcast %get3A_243 : vector<16xf32> to vector<16xi32>
        %and3A_258 = arith.constant -2147483648 : i32
        %and3A_259 = vector.broadcast %and3A_258 : i32 to vector<16xi32>
        %and3A_260 = arith.andi %bitcast3A_257, %and3A_259 : vector<16xi32>
        %or3A_261 = arith.ori %bitcast3A_256, %and3A_260 : vector<16xi32>
        %bitcast3A_262 = vector.bitcast %or3A_261 : vector<16xi32> to vector<16xf32>
        %swap3A_263 = arith.index_cast %rem3A_158 : i32 to index
        %swap3A_264 = arith.index_cast %add3A_239 : i32 to index
        %swap3A_265 = arith.constant 0 : index
        %swap3A_266 = tpu.vector_load %arg9[%swap3A_263, %swap3A_264, %swap3A_265] {strides = array<i32>} : memref<2x512x64xf32, #tpu.memory_space<vmem>>, vector<16xf32>,
        tpu.vector_store %arg9[%swap3A_263, %swap3A_264, %swap3A_265], %bitcast3A_262 {strides = array<i32>} : memref<2x512x64xf32, #tpu.memory_space<vmem>>, vector<16xf32>,
        %get3A_267 = arith.index_cast %rem3A_158 : i32 to index
        %get3A_268 = arith.index_cast %add3A_239 : i32 to index
        %get3A_269 = arith.constant 16 : index
        %get3A_270 = tpu.vector_load %arg9[%get3A_267, %get3A_268, %get3A_269] {strides = array<i32>} : memref<2x512x64xf32, #tpu.memory_space<vmem>>, vector<16xf32>,
        %abs3A_271 = math.absf %get3A_270 : vector<16xf32>
        %mul3A_272 = arith.constant -2.000000e+00 : f32
        %mul3A_273 = vector.broadcast %mul3A_272 : f32 to vector<16xf32>
        %mul3A_274 = arith.mulf %abs3A_271, %mul3A_273 : vector<16xf32>
        %exp3A_275 = math.exp %mul3A_274 : vector<16xf32>
        %sub3A_276 = arith.constant 1.000000e+00 : f32
        %sub3A_277 = vector.broadcast %sub3A_276 : f32 to vector<16xf32>
        %sub3A_278 = arith.subf %sub3A_277, %exp3A_275 : vector<16xf32>
        %add3A_279 = arith.constant 1.000000e+00 : f32
        %add3A_280 = vector.broadcast %add3A_279 : f32 to vector<16xf32>
        %add3A_281 = arith.addf %add3A_280, %exp3A_275 : vector<16xf32>
        %div3A_282 = arith.divf %sub3A_278, %add3A_281 : vector<16xf32>
        %bitcast3A_283 = vector.bitcast %div3A_282 : vector<16xf32> to vector<16xi32>
        %bitcast3A_284 = vector.bitcast %get3A_270 : vector<16xf32> to vector<16xi32>
        %and3A_285 = arith.constant -2147483648 : i32
        %and3A_286 = vector.broadcast %and3A_285 : i32 to vector<16xi32>
        %and3A_287 = arith.andi %bitcast3A_284, %and3A_286 : vector<16xi32>
        %or3A_288 = arith.ori %bitcast3A_283, %and3A_287 : vector<16xi32>
        %bitcast3A_289 = vector.bitcast %or3A_288 : vector<16xi32> to vector<16xf32>
        %swap3A_290 = arith.index_cast %rem3A_158 : i32 to index
        %swap3A_291 = arith.index_cast %add3A_239 : i32 to index
        %swap3A_292 = arith.constant 16 : index
        %swap3A_293 = tpu.vector_load %arg9[%swap3A_290, %swap3A_291, %swap3A_292] {strides = array<i32>} : memref<2x512x64xf32, #tpu.memory_space<vmem>>, vector<16xf32>,
        tpu.vector_store %arg9[%swap3A_290, %swap3A_291, %swap3A_292], %bitcast3A_289 {strides = array<i32>} : memref<2x512x64xf32, #tpu.memory_space<vmem>>, vector<16xf32>,
        %get3A_294 = arith.index_cast %rem3A_158 : i32 to index
        %get3A_295 = arith.index_cast %add3A_239 : i32 to index
        %get3A_296 = arith.constant 32 : index
        %get3A_297 = tpu.vector_load %arg9[%get3A_294, %get3A_295, %get3A_296] {strides = array<i32>} : memref<2x512x64xf32, #tpu.memory_space<vmem>>, vector<16xf32>,
        %abs3A_298 = math.absf %get3A_297 : vector<16xf32>
        %mul3A_299 = arith.constant -2.000000e+00 : f32
        %mul3A_300 = vector.broadcast %mul3A_299 : f32 to vector<16xf32>
        %mul3A_301 = arith.mulf %abs3A_298, %mul3A_300 : vector<16xf32>
        %exp3A_302 = math.exp %mul3A_301 : vector<16xf32>
        %sub3A_303 = arith.constant 1.000000e+00 : f32
        %sub3A_304 = vector.broadcast %sub3A_303 : f32 to vector<16xf32>
        %sub3A_305 = arith.subf %sub3A_304, %exp3A_302 : vector<16xf32>
        %add3A_306 = arith.constant 1.000000e+00 : f32
        %add3A_307 = vector.broadcast %add3A_306 : f32 to vector<16xf32>
        %add3A_308 = arith.addf %add3A_307, %exp3A_302 : vector<16xf32>
        %div3A_309 = arith.divf %sub3A_305, %add3A_308 : vector<16xf32>
        %bitcast3A_310 = vector.bitcast %div3A_309 : vector<16xf32> to vector<16xi32>
        %bitcast3A_311 = vector.bitcast %get3A_297 : vector<16xf32> to vector<16xi32>
        %and3A_312 = arith.constant -2147483648 : i32
        %and3A_313 = vector.broadcast %and3A_312 : i32 to vector<16xi32>
        %and3A_314 = arith.andi %bitcast3A_311, %and3A_313 : vector<16xi32>
        %or3A_315 = arith.ori %bitcast3A_310, %and3A_314 : vector<16xi32>
        %bitcast3A_316 = vector.bitcast %or3A_315 : vector<16xi32> to vector<16xf32>
        %swap3A_317 = arith.index_cast %rem3A_158 : i32 to index
        %swap3A_318 = arith.index_cast %add3A_239 : i32 to index
        %swap3A_319 = arith.constant 32 : index
        %swap3A_320 = tpu.vector_load %arg9[%swap3A_317, %swap3A_318, %swap3A_319] {strides = array<i32>} : memref<2x512x64xf32, #tpu.memory_space<vmem>>, vector<16xf32>,
        tpu.vector_store %arg9[%swap3A_317, %swap3A_318, %swap3A_319], %bitcast3A_316 {strides = array<i32>} : memref<2x512x64xf32, #tpu.memory_space<vmem>>, vector<16xf32>,
        %get3A_321 = arith.index_cast %rem3A_158 : i32 to index
        %get3A_322 = arith.index_cast %add3A_239 : i32 to index
        %get3A_323 = arith.constant 48 : index
        %get3A_324 = tpu.vector_load %arg9[%get3A_321, %get3A_322, %get3A_323] {strides = array<i32>} : memref<2x512x64xf32, #tpu.memory_space<vmem>>, vector<16xf32>,
        %abs3A_325 = math.absf %get3A_324 : vector<16xf32>
        %mul3A_326 = arith.constant -2.000000e+00 : f32
        %mul3A_327 = vector.broadcast %mul3A_326 : f32 to vector<16xf32>
        %mul3A_328 = arith.mulf %abs3A_325, %mul3A_327 : vector<16xf32>
        %exp3A_329 = math.exp %mul3A_328 : vector<16xf32>
        %sub3A_330 = arith.constant 1.000000e+00 : f32
        %sub3A_331 = vector.broadcast %sub3A_330 : f32 to vector<16xf32>
        %sub3A_332 = arith.subf %sub3A_331, %exp3A_329 : vector<16xf32>
        %add3A_333 = arith.constant 1.000000e+00 : f32
        %add3A_334 = vector.broadcast %add3A_333 : f32 to vector<16xf32>
        %add3A_335 = arith.addf %add3A_334, %exp3A_329 : vector<16xf32>
        %div3A_336 = arith.divf %sub3A_332, %add3A_335 : vector<16xf32>
        %bitcast3A_337 = vector.bitcast %div3A_336 : vector<16xf32> to vector<16xi32>
        %bitcast3A_338 = vector.bitcast %get3A_324 : vector<16xf32> to vector<16xi32>
        %and3A_339 = arith.constant -2147483648 : i32
        %and3A_340 = vector.broadcast %and3A_339 : i32 to vector<16xi32>
        %and3A_341 = arith.andi %bitcast3A_338, %and3A_340 : vector<16xi32>
        %or3A_342 = arith.ori %bitcast3A_337, %and3A_341 : vector<16xi32>
        %bitcast3A_343 = vector.bitcast %or3A_342 : vector<16xi32> to vector<16xf32>
        %swap3A_344 = arith.index_cast %rem3A_158 : i32 to index
        %swap3A_345 = arith.index_cast %add3A_239 : i32 to index
        %swap3A_346 = arith.constant 48 : index
        %swap3A_347 = tpu.vector_load %arg9[%swap3A_344, %swap3A_345, %swap3A_346] {strides = array<i32>} : memref<2x512x64xf32, #tpu.memory_space<vmem>>, vector<16xf32>,
        tpu.vector_store %arg9[%swap3A_344, %swap3A_345, %swap3A_346], %bitcast3A_343 {strides = array<i32>} : memref<2x512x64xf32, #tpu.memory_space<vmem>>, vector<16xf32>,
        %scan3A_348 = arith.constant 1 : i32
        %scan3A_349 = arith.addi %scan3A_235, %scan3A_348 : i32
        %mul3A_350 = arith.constant 1 : i32
        %mul3A_351 = arith.muli %scan3A_349, %mul3A_350 : i32
        %add3A_352 = arith.constant 0 : i32
        %add3A_353 = arith.addi %add3A_352, %mul3A_351 : i32
        %get3A_354 = arith.index_cast %rem3A_158 : i32 to index
        %get3A_355 = arith.index_cast %add3A_353 : i32 to index
        %get3A_356 = arith.constant 0 : index
        %get3A_357 = tpu.vector_load %arg9[%get3A_354, %get3A_355, %get3A_356] {strides = array<i32>} : memref<2x512x64xf32, #tpu.memory_space<vmem>>, vector<16xf32>,
        %abs3A_358 = math.absf %get3A_357 : vector<16xf32>
        %mul3A_359 = arith.constant -2.000000e+00 : f32
        %mul3A_360 = vector.broadcast %mul3A_359 : f32 to vector<16xf32>
        %mul3A_361 = arith.mulf %abs3A_358, %mul3A_360 : vector<16xf32>
        %exp3A_362 = math.exp %mul3A_361 : vector<16xf32>
        %sub3A_363 = arith.constant 1.000000e+00 : f32
        %sub3A_364 = vector.broadcast %sub3A_363 : f32 to vector<16xf32>
        %sub3A_365 = arith.subf %sub3A_364, %exp3A_362 : vector<16xf32>
        %add3A_366 = arith.constant 1.000000e+00 : f32
        %add3A_367 = vector.broadcast %add3A_366 : f32 to vector<16xf32>
        %add3A_368 = arith.addf %add3A_367, %exp3A_362 : vector<16xf32>
        %div3A_369 = arith.divf %sub3A_365, %add3A_368 : vector<16xf32>
        %bitcast3A_370 = vector.bitcast %div3A_369 : vector<16xf32> to vector<16xi32>
        %bitcast3A_371 = vector.bitcast %get3A_357 : vector<16xf32> to vector<16xi32>
        %and3A_372 = arith.constant -2147483648 : i32
        %and3A_373 = vector.broadcast %and3A_372 : i32 to vector<16xi32>
        %and3A_374 = arith.andi %bitcast3A_371, %and3A_373 : vector<16xi32>
        %or3A_375 = arith.ori %bitcast3A_370, %and3A_374 : vector<16xi32>
        %bitcast3A_376 = vector.bitcast %or3A_375 : vector<16xi32> to vector<16xf32>
        %swap3A_377 = arith.index_cast %rem3A_158 : i32 to index
        %swap3A_378 = arith.index_cast %add3A_353 : i32 to index
        %swap3A_379 = arith.constant 0 : index
        %swap3A_380 = tpu.vector_load %arg9[%swap3A_377, %swap3A_378, %swap3A_379] {strides = array<i32>} : memref<2x512x64xf32, #tpu.memory_space<vmem>>, vector<16xf32>,
        tpu.vector_store %arg9[%swap3A_377, %swap3A_378, %swap3A_379], %bitcast3A_376 {strides = array<i32>} : memref<2x512x64xf32, #tpu.memory_space<vmem>>, vector<16xf32>,
        %get3A_381 = arith.index_cast %rem3A_158 : i32 to index
        %get3A_382 = arith.index_cast %add3A_353 : i32 to index
        %get3A_383 = arith.constant 16 : index
        %get3A_384 = tpu.vector_load %arg9[%get3A_381, %get3A_382, %get3A_383] {strides = array<i32>} : memref<2x512x64xf32, #tpu.memory_space<vmem>>, vector<16xf32>,
        %abs3A_385 = math.absf %get3A_384 : vector<16xf32>
        %mul3A_386 = arith.constant -2.000000e+00 : f32
        %mul3A_387 = vector.broadcast %mul3A_386 : f32 to vector<16xf32>
        %mul3A_388 = arith.mulf %abs3A_385, %mul3A_387 : vector<16xf32>
        %exp3A_389 = math.exp %mul3A_388 : vector<16xf32>
        %sub3A_390 = arith.constant 1.000000e+00 : f32
        %sub3A_391 = vector.broadcast %sub3A_390 : f32 to vector<16xf32>
        %sub3A_392 = arith.subf %sub3A_391, %exp3A_389 : vector<16xf32>
        %add3A_393 = arith.constant 1.000000e+00 : f32
        %add3A_394 = vector.broadcast %add3A_393 : f32 to vector<16xf32>
        %add3A_395 = arith.addf %add3A_394, %exp3A_389 : vector<16xf32>
        %div3A_396 = arith.divf %sub3A_392, %add3A_395 : vector<16xf32>
        %bitcast3A_397 = vector.bitcast %div3A_396 : vector<16xf32> to vector<16xi32>
        %bitcast3A_398 = vector.bitcast %get3A_384 : vector<16xf32> to vector<16xi32>
        %and3A_399 = arith.constant -2147483648 : i32
        %and3A_400 = vector.broadcast %and3A_399 : i32 to vector<16xi32>
        %and3A_401 = arith.andi %bitcast3A_398, %and3A_400 : vector<16xi32>
        %or3A_402 = arith.ori %bitcast3A_397, %and3A_401 : vector<16xi32>
        %bitcast3A_403 = vector.bitcast %or3A_402 : vector<16xi32> to vector<16xf32>
        %swap3A_404 = arith.index_cast %rem3A_158 : i32 to index
        %swap3A_405 = arith.index_cast %add3A_353 : i32 to index
        %swap3A_406 = arith.constant 16 : index
        %swap3A_407 = tpu.vector_load %arg9[%swap3A_404, %swap3A_405, %swap3A_406] {strides = array<i32>} : memref<2x512x64xf32, #tpu.memory_space<vmem>>, vector<16xf32>,
        tpu.vector_store %arg9[%swap3A_404, %swap3A_405, %swap3A_406], %bitcast3A_403 {strides = array<i32>} : memref<2x512x64xf32, #tpu.memory_space<vmem>>, vector<16xf32>,
        %get3A_408 = arith.index_cast %rem3A_158 : i32 to index
        %get3A_409 = arith.index_cast %add3A_353 : i32 to index
        %get3A_410 = arith.constant 32 : index
        %get3A_411 = tpu.vector_load %arg9[%get3A_408, %get3A_409, %get3A_410] {strides = array<i32>} : memref<2x512x64xf32, #tpu.memory_space<vmem>>, vector<16xf32>,
        %abs3A_412 = math.absf %get3A_411 : vector<16xf32>
        %mul3A_413 = arith.constant -2.000000e+00 : f32
        %mul3A_414 = vector.broadcast %mul3A_413 : f32 to vector<16xf32>
        %mul3A_415 = arith.mulf %abs3A_412, %mul3A_414 : vector<16xf32>
        %exp3A_416 = math.exp %mul3A_415 : vector<16xf32>
        %sub3A_417 = arith.constant 1.000000e+00 : f32
        %sub3A_418 = vector.broadcast %sub3A_417 : f32 to vector<16xf32>
        %sub3A_419 = arith.subf %sub3A_418, %exp3A_416 : vector<16xf32>
        %add3A_420 = arith.constant 1.000000e+00 : f32
        %add3A_421 = vector.broadcast %add3A_420 : f32 to vector<16xf32>
        %add3A_422 = arith.addf %add3A_421, %exp3A_416 : vector<16xf32>
        %div3A_423 = arith.divf %sub3A_419, %add3A_422 : vector<16xf32>
        %bitcast3A_424 = vector.bitcast %div3A_423 : vector<16xf32> to vector<16xi32>
        %bitcast3A_425 = vector.bitcast %get3A_411 : vector<16xf32> to vector<16xi32>
        %and3A_426 = arith.constant -2147483648 : i32
        %and3A_427 = vector.broadcast %and3A_426 : i32 to vector<16xi32>
        %and3A_428 = arith.andi %bitcast3A_425, %and3A_427 : vector<16xi32>
        %or3A_429 = arith.ori %bitcast3A_424, %and3A_428 : vector<16xi32>
        %bitcast3A_430 = vector.bitcast %or3A_429 : vector<16xi32> to vector<16xf32>
        %swap3A_431 = arith.index_cast %rem3A_158 : i32 to index
        %swap3A_432 = arith.index_cast %add3A_353 : i32 to index
        %swap3A_433 = arith.constant 32 : index
        %swap3A_434 = tpu.vector_load %arg9[%swap3A_431, %swap3A_432, %swap3A_433] {strides = array<i32>} : memref<2x512x64xf32, #tpu.memory_space<vmem>>, vector<16xf32>,
        tpu.vector_store %arg9[%swap3A_431, %swap3A_432, %swap3A_433], %bitcast3A_430 {strides = array<i32>} : memref<2x512x64xf32, #tpu.memory_space<vmem>>, vector<16xf32>,
        %get3A_435 = arith.index_cast %rem3A_158 : i32 to index
        %get3A_436 = arith.index_cast %add3A_353 : i32 to index
        %get3A_437 = arith.constant 48 : index
        %get3A_438 = tpu.vector_load %arg9[%get3A_435, %get3A_436, %get3A_437] {strides = array<i32>} : memref<2x512x64xf32, #tpu.memory_space<vmem>>, vector<16xf32>,
        %abs3A_439 = math.absf %get3A_438 : vector<16xf32>
        %mul3A_440 = arith.constant -2.000000e+00 : f32
        %mul3A_441 = vector.broadcast %mul3A_440 : f32 to vector<16xf32>
        %mul3A_442 = arith.mulf %abs3A_439, %mul3A_441 : vector<16xf32>
        %exp3A_443 = math.exp %mul3A_442 : vector<16xf32>
        %sub3A_444 = arith.constant 1.000000e+00 : f32
        %sub3A_445 = vector.broadcast %sub3A_444 : f32 to vector<16xf32>
        %sub3A_446 = arith.subf %sub3A_445, %exp3A_443 : vector<16xf32>
        %add3A_447 = arith.constant 1.000000e+00 : f32
        %add3A_448 = vector.broadcast %add3A_447 : f32 to vector<16xf32>
        %add3A_449 = arith.addf %add3A_448, %exp3A_443 : vector<16xf32>
        %div3A_450 = arith.divf %sub3A_446, %add3A_449 : vector<16xf32>
        %bitcast3A_451 = vector.bitcast %div3A_450 : vector<16xf32> to vector<16xi32>
        %bitcast3A_452 = vector.bitcast %get3A_438 : vector<16xf32> to vector<16xi32>
        %and3A_453 = arith.constant -2147483648 : i32
        %and3A_454 = vector.broadcast %and3A_453 : i32 to vector<16xi32>
        %and3A_455 = arith.andi %bitcast3A_452, %and3A_454 : vector<16xi32>
        %or3A_456 = arith.ori %bitcast3A_451, %and3A_455 : vector<16xi32>
        %bitcast3A_457 = vector.bitcast %or3A_456 : vector<16xi32> to vector<16xf32>
        %swap3A_458 = arith.index_cast %rem3A_158 : i32 to index
        %swap3A_459 = arith.index_cast %add3A_353 : i32 to index
        %swap3A_460 = arith.constant 48 : index
        %swap3A_461 = tpu.vector_load %arg9[%swap3A_458, %swap3A_459, %swap3A_460] {strides = array<i32>} : memref<2x512x64xf32, #tpu.memory_space<vmem>>, vector<16xf32>,
        tpu.vector_store %arg9[%swap3A_458, %swap3A_459, %swap3A_460], %bitcast3A_457 {strides = array<i32>} : memref<2x512x64xf32, #tpu.memory_space<vmem>>, vector<16xf32>,
        %scan3A_462 = arith.constant 2 : i32
        %scan3A_463 = arith.addi %scan3A_235, %scan3A_462 : i32
        %mul3A_464 = arith.constant 1 : i32
        %mul3A_465 = arith.muli %scan3A_463, %mul3A_464 : i32
        %add3A_466 = arith.constant 0 : i32
        %add3A_467 = arith.addi %add3A_466, %mul3A_465 : i32
        %get3A_468 = arith.index_cast %rem3A_158 : i32 to index
        %get3A_469 = arith.index_cast %add3A_467 : i32 to index
        %get3A_470 = arith.constant 0 : index
        %get3A_471 = tpu.vector_load %arg9[%get3A_468, %get3A_469, %get3A_470] {strides = array<i32>} : memref<2x512x64xf32, #tpu.memory_space<vmem>>, vector<16xf32>,
        %abs3A_472 = math.absf %get3A_471 : vector<16xf32>
        %mul3A_473 = arith.constant -2.000000e+00 : f32
        %mul3A_474 = vector.broadcast %mul3A_473 : f32 to vector<16xf32>
        %mul3A_475 = arith.mulf %abs3A_472, %mul3A_474 : vector<16xf32>
        %exp3A_476 = math.exp %mul3A_475 : vector<16xf32>
        %sub3A_477 = arith.constant 1.000000e+00 : f32
        %sub3A_478 = vector.broadcast %sub3A_477 : f32 to vector<16xf32>
        %sub3A_479 = arith.subf %sub3A_478, %exp3A_476 : vector<16xf32>
        %add3A_480 = arith.constant 1.000000e+00 : f32
        %add3A_481 = vector.broadcast %add3A_480 : f32 to vector<16xf32>
        %add3A_482 = arith.addf %add3A_481, %exp3A_476 : vector<16xf32>
        %div3A_483 = arith.divf %sub3A_479, %add3A_482 : vector<16xf32>
        %bitcast3A_484 = vector.bitcast %div3A_483 : vector<16xf32> to vector<16xi32>
        %bitcast3A_485 = vector.bitcast %get3A_471 : vector<16xf32> to vector<16xi32>
        %and3A_486 = arith.constant -2147483648 : i32
        %and3A_487 = vector.broadcast %and3A_486 : i32 to vector<16xi32>
        %and3A_488 = arith.andi %bitcast3A_485, %and3A_487 : vector<16xi32>
        %or3A_489 = arith.ori %bitcast3A_484, %and3A_488 : vector<16xi32>
        %bitcast3A_490 = vector.bitcast %or3A_489 : vector<16xi32> to vector<16xf32>
        %swap3A_491 = arith.index_cast %rem3A_158 : i32 to index
        %swap3A_492 = arith.index_cast %add3A_467 : i32 to index
        %swap3A_493 = arith.constant 0 : index
        %swap3A_494 = tpu.vector_load %arg9[%swap3A_491, %swap3A_492, %swap3A_493] {strides = array<i32>} : memref<2x512x64xf32, #tpu.memory_space<vmem>>, vector<16xf32>,
        tpu.vector_store %arg9[%swap3A_491, %swap3A_492, %swap3A_493], %bitcast3A_490 {strides = array<i32>} : memref<2x512x64xf32, #tpu.memory_space<vmem>>, vector<16xf32>,
        %get3A_495 = arith.index_cast %rem3A_158 : i32 to index
        %get3A_496 = arith.index_cast %add3A_467 : i32 to index
        %get3A_497 = arith.constant 16 : index
        %get3A_498 = tpu.vector_load %arg9[%get3A_495, %get3A_496, %get3A_497] {strides = array<i32>} : memref<2x512x64xf32, #tpu.memory_space<vmem>>, vector<16xf32>,
        %abs3A_499 = math.absf %get3A_498 : vector<16xf32>
        %mul3A_500 = arith.constant -2.000000e+00 : f32
        %mul3A_501 = vector.broadcast %mul3A_500 : f32 to vector<16xf32>
        %mul3A_502 = arith.mulf %abs3A_499, %mul3A_501 : vector<16xf32>
        %exp3A_503 = math.exp %mul3A_502 : vector<16xf32>
        %sub3A_504 = arith.constant 1.000000e+00 : f32
        %sub3A_505 = vector.broadcast %sub3A_504 : f32 to vector<16xf32>
        %sub3A_506 = arith.subf %sub3A_505, %exp3A_503 : vector<16xf32>
        %add3A_507 = arith.constant 1.000000e+00 : f32
        %add3A_508 = vector.broadcast %add3A_507 : f32 to vector<16xf32>
        %add3A_509 = arith.addf %add3A_508, %exp3A_503 : vector<16xf32>
        %div3A_510 = arith.divf %sub3A_506, %add3A_509 : vector<16xf32>
        %bitcast3A_511 = vector.bitcast %div3A_510 : vector<16xf32> to vector<16xi32>
        %bitcast3A_512 = vector.bitcast %get3A_498 : vector<16xf32> to vector<16xi32>
        %and3A_513 = arith.constant -2147483648 : i32
        %and3A_514 = vector.broadcast %and3A_513 : i32 to vector<16xi32>
        %and3A_515 = arith.andi %bitcast3A_512, %and3A_514 : vector<16xi32>
        %or3A_516 = arith.ori %bitcast3A_511, %and3A_515 : vector<16xi32>
        %bitcast3A_517 = vector.bitcast %or3A_516 : vector<16xi32> to vector<16xf32>
        %swap3A_518 = arith.index_cast %rem3A_158 : i32 to index
        %swap3A_519 = arith.index_cast %add3A_467 : i32 to index
        %swap3A_520 = arith.constant 16 : index
        %swap3A_521 = tpu.vector_load %arg9[%swap3A_518, %swap3A_519, %swap3A_520] {strides = array<i32>} : memref<2x512x64xf32, #tpu.memory_space<vmem>>, vector<16xf32>,
        tpu.vector_store %arg9[%swap3A_518, %swap3A_519, %swap3A_520], %bitcast3A_517 {strides = array<i32>} : memref<2x512x64xf32, #tpu.memory_space<vmem>>, vector<16xf32>,
        %get3A_522 = arith.index_cast %rem3A_158 : i32 to index
        %get3A_523 = arith.index_cast %add3A_467 : i32 to index
        %get3A_524 = arith.constant 32 : index
        %get3A_525 = tpu.vector_load %arg9[%get3A_522, %get3A_523, %get3A_524] {strides = array<i32>} : memref<2x512x64xf32, #tpu.memory_space<vmem>>, vector<16xf32>,
        %abs3A_526 = math.absf %get3A_525 : vector<16xf32>
        %mul3A_527 = arith.constant -2.000000e+00 : f32
        %mul3A_528 = vector.broadcast %mul3A_527 : f32 to vector<16xf32>
        %mul3A_529 = arith.mulf %abs3A_526, %mul3A_528 : vector<16xf32>
        %exp3A_530 = math.exp %mul3A_529 : vector<16xf32>
        %sub3A_531 = arith.constant 1.000000e+00 : f32
        %sub3A_532 = vector.broadcast %sub3A_531 : f32 to vector<16xf32>
        %sub3A_533 = arith.subf %sub3A_532, %exp3A_530 : vector<16xf32>
        %add3A_534 = arith.constant 1.000000e+00 : f32
        %add3A_535 = vector.broadcast %add3A_534 : f32 to vector<16xf32>
        %add3A_536 = arith.addf %add3A_535, %exp3A_530 : vector<16xf32>
        %div3A_537 = arith.divf %sub3A_533, %add3A_536 : vector<16xf32>
        %bitcast3A_538 = vector.bitcast %div3A_537 : vector<16xf32> to vector<16xi32>
        %bitcast3A_539 = vector.bitcast %get3A_525 : vector<16xf32> to vector<16xi32>
        %and3A_540 = arith.constant -2147483648 : i32
        %and3A_541 = vector.broadcast %and3A_540 : i32 to vector<16xi32>
        %and3A_542 = arith.andi %bitcast3A_539, %and3A_541 : vector<16xi32>
        %or3A_543 = arith.ori %bitcast3A_538, %and3A_542 : vector<16xi32>
        %bitcast3A_544 = vector.bitcast %or3A_543 : vector<16xi32> to vector<16xf32>
        %swap3A_545 = arith.index_cast %rem3A_158 : i32 to index
        %swap3A_546 = arith.index_cast %add3A_467 : i32 to index
        %swap3A_547 = arith.constant 32 : index
        %swap3A_548 = tpu.vector_load %arg9[%swap3A_545, %swap3A_546, %swap3A_547] {strides = array<i32>} : memref<2x512x64xf32, #tpu.memory_space<vmem>>, vector<16xf32>,
        tpu.vector_store %arg9[%swap3A_545, %swap3A_546, %swap3A_547], %bitcast3A_544 {strides = array<i32>} : memref<2x512x64xf32, #tpu.memory_space<vmem>>, vector<16xf32>,
        %get3A_549 = arith.index_cast %rem3A_158 : i32 to index
        %get3A_550 = arith.index_cast %add3A_467 : i32 to index
        %get3A_551 = arith.constant 48 : index
        %get3A_552 = tpu.vector_load %arg9[%get3A_549, %get3A_550, %get3A_551] {strides = array<i32>} : memref<2x512x64xf32, #tpu.memory_space<vmem>>, vector<16xf32>,
        %abs3A_553 = math.absf %get3A_552 : vector<16xf32>
        %mul3A_554 = arith.constant -2.000000e+00 : f32
        %mul3A_555 = vector.broadcast %mul3A_554 : f32 to vector<16xf32>
        %mul3A_556 = arith.mulf %abs3A_553, %mul3A_555 : vector<16xf32>
        %exp3A_557 = math.exp %mul3A_556 : vector<16xf32>
        %sub3A_558 = arith.constant 1.000000e+00 : f32
        %sub3A_559 = vector.broadcast %sub3A_558 : f32 to vector<16xf32>
        %sub3A_560 = arith.subf %sub3A_559, %exp3A_557 : vector<16xf32>
        %add3A_561 = arith.constant 1.000000e+00 : f32
        %add3A_562 = vector.broadcast %add3A_561 : f32 to vector<16xf32>
        %add3A_563 = arith.addf %add3A_562, %exp3A_557 : vector<16xf32>
        %div3A_564 = arith.divf %sub3A_560, %add3A_563 : vector<16xf32>
        %bitcast3A_565 = vector.bitcast %div3A_564 : vector<16xf32> to vector<16xi32>
        %bitcast3A_566 = vector.bitcast %get3A_552 : vector<16xf32> to vector<16xi32>
        %and3A_567 = arith.constant -2147483648 : i32
        %and3A_568 = vector.broadcast %and3A_567 : i32 to vector<16xi32>
        %and3A_569 = arith.andi %bitcast3A_566, %and3A_568 : vector<16xi32>
        %or3A_570 = arith.ori %bitcast3A_565, %and3A_569 : vector<16xi32>
        %bitcast3A_571 = vector.bitcast %or3A_570 : vector<16xi32> to vector<16xf32>
        %swap3A_572 = arith.index_cast %rem3A_158 : i32 to index
        %swap3A_573 = arith.index_cast %add3A_467 : i32 to index
        %swap3A_574 = arith.constant 48 : index
        %swap3A_575 = tpu.vector_load %arg9[%swap3A_572, %swap3A_573, %swap3A_574] {strides = array<i32>} : memref<2x512x64xf32, #tpu.memory_space<vmem>>, vector<16xf32>,
        tpu.vector_store %arg9[%swap3A_572, %swap3A_573, %swap3A_574], %bitcast3A_571 {strides = array<i32>} : memref<2x512x64xf32, #tpu.memory_space<vmem>>, vector<16xf32>,
        %scan3A_576 = arith.constant 3 : i32
        %scan3A_577 = arith.addi %scan3A_235, %scan3A_576 : i32
        %mul3A_578 = arith.constant 1 : i32
        %mul3A_579 = arith.muli %scan3A_577, %mul3A_578 : i32
        %add3A_580 = arith.constant 0 : i32
        %add3A_581 = arith.addi %add3A_580, %mul3A_579 : i32
        %get3A_582 = arith.index_cast %rem3A_158 : i32 to index
        %get3A_583 = arith.index_cast %add3A_581 : i32 to index
        %get3A_584 = arith.constant 0 : index
        %get3A_585 = tpu.vector_load %arg9[%get3A_582, %get3A_583, %get3A_584] {strides = array<i32>} : memref<2x512x64xf32, #tpu.memory_space<vmem>>, vector<16xf32>,
        %abs3A_586 = math.absf %get3A_585 : vector<16xf32>
        %mul3A_587 = arith.constant -2.000000e+00 : f32
        %mul3A_588 = vector.broadcast %mul3A_587 : f32 to vector<16xf32>
        %mul3A_589 = arith.mulf %abs3A_586, %mul3A_588 : vector<16xf32>
        %exp3A_590 = math.exp %mul3A_589 : vector<16xf32>
        %sub3A_591 = arith.constant 1.000000e+00 : f32
        %sub3A_592 = vector.broadcast %sub3A_591 : f32 to vector<16xf32>
        %sub3A_593 = arith.subf %sub3A_592, %exp3A_590 : vector<16xf32>
        %add3A_594 = arith.constant 1.000000e+00 : f32
        %add3A_595 = vector.broadcast %add3A_594 : f32 to vector<16xf32>
        %add3A_596 = arith.addf %add3A_595, %exp3A_590 : vector<16xf32>
        %div3A_597 = arith.divf %sub3A_593, %add3A_596 : vector<16xf32>
        %bitcast3A_598 = vector.bitcast %div3A_597 : vector<16xf32> to vector<16xi32>
        %bitcast3A_599 = vector.bitcast %get3A_585 : vector<16xf32> to vector<16xi32>
        %and3A_600 = arith.constant -2147483648 : i32
        %and3A_601 = vector.broadcast %and3A_600 : i32 to vector<16xi32>
        %and3A_602 = arith.andi %bitcast3A_599, %and3A_601 : vector<16xi32>
        %or3A_603 = arith.ori %bitcast3A_598, %and3A_602 : vector<16xi32>
        %bitcast3A_604 = vector.bitcast %or3A_603 : vector<16xi32> to vector<16xf32>
        %swap3A_605 = arith.index_cast %rem3A_158 : i32 to index
        %swap3A_606 = arith.index_cast %add3A_581 : i32 to index
        %swap3A_607 = arith.constant 0 : index
        %swap3A_608 = tpu.vector_load %arg9[%swap3A_605, %swap3A_606, %swap3A_607] {strides = array<i32>} : memref<2x512x64xf32, #tpu.memory_space<vmem>>, vector<16xf32>,
        tpu.vector_store %arg9[%swap3A_605, %swap3A_606, %swap3A_607], %bitcast3A_604 {strides = array<i32>} : memref<2x512x64xf32, #tpu.memory_space<vmem>>, vector<16xf32>,
        %get3A_609 = arith.index_cast %rem3A_158 : i32 to index
        %get3A_610 = arith.index_cast %add3A_581 : i32 to index
        %get3A_611 = arith.constant 16 : index
        %get3A_612 = tpu.vector_load %arg9[%get3A_609, %get3A_610, %get3A_611] {strides = array<i32>} : memref<2x512x64xf32, #tpu.memory_space<vmem>>, vector<16xf32>,
        %abs3A_613 = math.absf %get3A_612 : vector<16xf32>
        %mul3A_614 = arith.constant -2.000000e+00 : f32
        %mul3A_615 = vector.broadcast %mul3A_614 : f32 to vector<16xf32>
        %mul3A_616 = arith.mulf %abs3A_613, %mul3A_615 : vector<16xf32>
        %exp3A_617 = math.exp %mul3A_616 : vector<16xf32>
        %sub3A_618 = arith.constant 1.000000e+00 : f32
        %sub3A_619 = vector.broadcast %sub3A_618 : f32 to vector<16xf32>
        %sub3A_620 = arith.subf %sub3A_619, %exp3A_617 : vector<16xf32>
        %add3A_621 = arith.constant 1.000000e+00 : f32
        %add3A_622 = vector.broadcast %add3A_621 : f32 to vector<16xf32>
        %add3A_623 = arith.addf %add3A_622, %exp3A_617 : vector<16xf32>
        %div3A_624 = arith.divf %sub3A_620, %add3A_623 : vector<16xf32>
        %bitcast3A_625 = vector.bitcast %div3A_624 : vector<16xf32> to vector<16xi32>
        %bitcast3A_626 = vector.bitcast %get3A_612 : vector<16xf32> to vector<16xi32>
        %and3A_627 = arith.constant -2147483648 : i32
        %and3A_628 = vector.broadcast %and3A_627 : i32 to vector<16xi32>
        %and3A_629 = arith.andi %bitcast3A_626, %and3A_628 : vector<16xi32>
        %or3A_630 = arith.ori %bitcast3A_625, %and3A_629 : vector<16xi32>
        %bitcast3A_631 = vector.bitcast %or3A_630 : vector<16xi32> to vector<16xf32>
        %swap3A_632 = arith.index_cast %rem3A_158 : i32 to index
        %swap3A_633 = arith.index_cast %add3A_581 : i32 to index
        %swap3A_634 = arith.constant 16 : index
        %swap3A_635 = tpu.vector_load %arg9[%swap3A_632, %swap3A_633, %swap3A_634] {strides = array<i32>} : memref<2x512x64xf32, #tpu.memory_space<vmem>>, vector<16xf32>,
        tpu.vector_store %arg9[%swap3A_632, %swap3A_633, %swap3A_634], %bitcast3A_631 {strides = array<i32>} : memref<2x512x64xf32, #tpu.memory_space<vmem>>, vector<16xf32>,
        %get3A_636 = arith.index_cast %rem3A_158 : i32 to index
        %get3A_637 = arith.index_cast %add3A_581 : i32 to index
        %get3A_638 = arith.constant 32 : index
        %get3A_639 = tpu.vector_load %arg9[%get3A_636, %get3A_637, %get3A_638] {strides = array<i32>} : memref<2x512x64xf32, #tpu.memory_space<vmem>>, vector<16xf32>,
        %abs3A_640 = math.absf %get3A_639 : vector<16xf32>
        %mul3A_641 = arith.constant -2.000000e+00 : f32
        %mul3A_642 = vector.broadcast %mul3A_641 : f32 to vector<16xf32>
        %mul3A_643 = arith.mulf %abs3A_640, %mul3A_642 : vector<16xf32>
        %exp3A_644 = math.exp %mul3A_643 : vector<16xf32>
        %sub3A_645 = arith.constant 1.000000e+00 : f32
        %sub3A_646 = vector.broadcast %sub3A_645 : f32 to vector<16xf32>
        %sub3A_647 = arith.subf %sub3A_646, %exp3A_644 : vector<16xf32>
        %add3A_648 = arith.constant 1.000000e+00 : f32
        %add3A_649 = vector.broadcast %add3A_648 : f32 to vector<16xf32>
        %add3A_650 = arith.addf %add3A_649, %exp3A_644 : vector<16xf32>
        %div3A_651 = arith.divf %sub3A_647, %add3A_650 : vector<16xf32>
        %bitcast3A_652 = vector.bitcast %div3A_651 : vector<16xf32> to vector<16xi32>
        %bitcast3A_653 = vector.bitcast %get3A_639 : vector<16xf32> to vector<16xi32>
        %and3A_654 = arith.constant -2147483648 : i32
        %and3A_655 = vector.broadcast %and3A_654 : i32 to vector<16xi32>
        %and3A_656 = arith.andi %bitcast3A_653, %and3A_655 : vector<16xi32>
        %or3A_657 = arith.ori %bitcast3A_652, %and3A_656 : vector<16xi32>
        %bitcast3A_658 = vector.bitcast %or3A_657 : vector<16xi32> to vector<16xf32>
        %swap3A_659 = arith.index_cast %rem3A_158 : i32 to index
        %swap3A_660 = arith.index_cast %add3A_581 : i32 to index
        %swap3A_661 = arith.constant 32 : index
        %swap3A_662 = tpu.vector_load %arg9[%swap3A_659, %swap3A_660, %swap3A_661] {strides = array<i32>} : memref<2x512x64xf32, #tpu.memory_space<vmem>>, vector<16xf32>,
        tpu.vector_store %arg9[%swap3A_659, %swap3A_660, %swap3A_661], %bitcast3A_658 {strides = array<i32>} : memref<2x512x64xf32, #tpu.memory_space<vmem>>, vector<16xf32>,
        %get3A_663 = arith.index_cast %rem3A_158 : i32 to index
        %get3A_664 = arith.index_cast %add3A_581 : i32 to index
        %get3A_665 = arith.constant 48 : index
        %get3A_666 = tpu.vector_load %arg9[%get3A_663, %get3A_664, %get3A_665] {strides = array<i32>} : memref<2x512x64xf32, #tpu.memory_space<vmem>>, vector<16xf32>,
        %abs3A_667 = math.absf %get3A_666 : vector<16xf32>
        %mul3A_668 = arith.constant -2.000000e+00 : f32
        %mul3A_669 = vector.broadcast %mul3A_668 : f32 to vector<16xf32>
        %mul3A_670 = arith.mulf %abs3A_667, %mul3A_669 : vector<16xf32>
        %exp3A_671 = math.exp %mul3A_670 : vector<16xf32>
        %sub3A_672 = arith.constant 1.000000e+00 : f32
        %sub3A_673 = vector.broadcast %sub3A_672 : f32 to vector<16xf32>
        %sub3A_674 = arith.subf %sub3A_673, %exp3A_671 : vector<16xf32>
        %add3A_675 = arith.constant 1.000000e+00 : f32
        %add3A_676 = vector.broadcast %add3A_675 : f32 to vector<16xf32>
        %add3A_677 = arith.addf %add3A_676, %exp3A_671 : vector<16xf32>
        %div3A_678 = arith.divf %sub3A_674, %add3A_677 : vector<16xf32>
        %bitcast3A_679 = vector.bitcast %div3A_678 : vector<16xf32> to vector<16xi32>
        %bitcast3A_680 = vector.bitcast %get3A_666 : vector<16xf32> to vector<16xi32>
        %and3A_681 = arith.constant -2147483648 : i32
        %and3A_682 = vector.broadcast %and3A_681 : i32 to vector<16xi32>
        %and3A_683 = arith.andi %bitcast3A_680, %and3A_682 : vector<16xi32>
        %or3A_684 = arith.ori %bitcast3A_679, %and3A_683 : vector<16xi32>
        %bitcast3A_685 = vector.bitcast %or3A_684 : vector<16xi32> to vector<16xf32>
        %swap3A_686 = arith.index_cast %rem3A_158 : i32 to index
        %swap3A_687 = arith.index_cast %add3A_581 : i32 to index
        %swap3A_688 = arith.constant 48 : index
        %swap3A_689 = tpu.vector_load %arg9[%swap3A_686, %swap3A_687, %swap3A_688] {strides = array<i32>} : memref<2x512x64xf32, #tpu.memory_space<vmem>>, vector<16xf32>,
        tpu.vector_store %arg9[%swap3A_686, %swap3A_687, %swap3A_688], %bitcast3A_685 {strides = array<i32>} : memref<2x512x64xf32, #tpu.memory_space<vmem>>, vector<16xf32>,
        %scan3A_690 = arith.constant 4 : i32
        %scan3A_691 = arith.addi %scan3A_235, %scan3A_690 : i32
        %mul3A_692 = arith.constant 1 : i32
        %mul3A_693 = arith.muli %scan3A_691, %mul3A_692 : i32
        %add3A_694 = arith.constant 0 : i32
        %add3A_695 = arith.addi %add3A_694, %mul3A_693 : i32
        %get3A_696 = arith.index_cast %rem3A_158 : i32 to index
        %get3A_697 = arith.index_cast %add3A_695 : i32 to index
        %get3A_698 = arith.constant 0 : index
        %get3A_699 = tpu.vector_load %arg9[%get3A_696, %get3A_697, %get3A_698] {strides = array<i32>} : memref<2x512x64xf32, #tpu.memory_space<vmem>>, vector<16xf32>,
        %abs3A_700 = math.absf %get3A_699 : vector<16xf32>
        %mul3A_701 = arith.constant -2.000000e+00 : f32
        %mul3A_702 = vector.broadcast %mul3A_701 : f32 to vector<16xf32>
        %mul3A_703 = arith.mulf %abs3A_700, %mul3A_702 : vector<16xf32>
        %exp3A_704 = math.exp %mul3A_703 : vector<16xf32>
        %sub3A_705 = arith.constant 1.000000e+00 : f32
        %sub3A_706 = vector.broadcast %sub3A_705 : f32 to vector<16xf32>
        %sub3A_707 = arith.subf %sub3A_706, %exp3A_704 : vector<16xf32>
        %add3A_708 = arith.constant 1.000000e+00 : f32
        %add3A_709 = vector.broadcast %add3A_708 : f32 to vector<16xf32>
        %add3A_710 = arith.addf %add3A_709, %exp3A_704 : vector<16xf32>
        %div3A_711 = arith.divf %sub3A_707, %add3A_710 : vector<16xf32>
        %bitcast3A_712 = vector.bitcast %div3A_711 : vector<16xf32> to vector<16xi32>
        %bitcast3A_713 = vector.bitcast %get3A_699 : vector<16xf32> to vector<16xi32>
        %and3A_714 = arith.constant -2147483648 : i32
        %and3A_715 = vector.broadcast %and3A_714 : i32 to vector<16xi32>
        %and3A_716 = arith.andi %bitcast3A_713, %and3A_715 : vector<16xi32>
        %or3A_717 = arith.ori %bitcast3A_712, %and3A_716 : vector<16xi32>
        %bitcast3A_718 = vector.bitcast %or3A_717 : vector<16xi32> to vector<16xf32>
        %swap3A_719 = arith.index_cast %rem3A_158 : i32 to index
        %swap3A_720 = arith.index_cast %add3A_695 : i32 to index
        %swap3A_721 = arith.constant 0 : index
        %swap3A_722 = tpu.vector_load %arg9[%swap3A_719, %swap3A_720, %swap3A_721] {strides = array<i32>} : memref<2x512x64xf32, #tpu.memory_space<vmem>>, vector<16xf32>,
        tpu.vector_store %arg9[%swap3A_719, %swap3A_720, %swap3A_721], %bitcast3A_718 {strides = array<i32>} : memref<2x512x64xf32, #tpu.memory_space<vmem>>, vector<16xf32>,
        %get3A_723 = arith.index_cast %rem3A_158 : i32 to index
        %get3A_724 = arith.index_cast %add3A_695 : i32 to index
        %get3A_725 = arith.constant 16 : index
        %get3A_726 = tpu.vector_load %arg9[%get3A_723, %get3A_724, %get3A_725] {strides = array<i32>} : memref<2x512x64xf32, #tpu.memory_space<vmem>>, vector<16xf32>,
        %abs3A_727 = math.absf %get3A_726 : vector<16xf32>
        %mul3A_728 = arith.constant -2.000000e+00 : f32
        %mul3A_729 = vector.broadcast %mul3A_728 : f32 to vector<16xf32>
        %mul3A_730 = arith.mulf %abs3A_727, %mul3A_729 : vector<16xf32>
        %exp3A_731 = math.exp %mul3A_730 : vector<16xf32>
        %sub3A_732 = arith.constant 1.000000e+00 : f32
        %sub3A_733 = vector.broadcast %sub3A_732 : f32 to vector<16xf32>
        %sub3A_734 = arith.subf %sub3A_733, %exp3A_731 : vector<16xf32>
        %add3A_735 = arith.constant 1.000000e+00 : f32
        %add3A_736 = vector.broadcast %add3A_735 : f32 to vector<16xf32>
        %add3A_737 = arith.addf %add3A_736, %exp3A_731 : vector<16xf32>
        %div3A_738 = arith.divf %sub3A_734, %add3A_737 : vector<16xf32>
        %bitcast3A_739 = vector.bitcast %div3A_738 : vector<16xf32> to vector<16xi32>
        %bitcast3A_740 = vector.bitcast %get3A_726 : vector<16xf32> to vector<16xi32>
        %and3A_741 = arith.constant -2147483648 : i32
        %and3A_742 = vector.broadcast %and3A_741 : i32 to vector<16xi32>
        %and3A_743 = arith.andi %bitcast3A_740, %and3A_742 : vector<16xi32>
        %or3A_744 = arith.ori %bitcast3A_739, %and3A_743 : vector<16xi32>
        %bitcast3A_745 = vector.bitcast %or3A_744 : vector<16xi32> to vector<16xf32>
        %swap3A_746 = arith.index_cast %rem3A_158 : i32 to index
        %swap3A_747 = arith.index_cast %add3A_695 : i32 to index
        %swap3A_748 = arith.constant 16 : index
        %swap3A_749 = tpu.vector_load %arg9[%swap3A_746, %swap3A_747, %swap3A_748] {strides = array<i32>} : memref<2x512x64xf32, #tpu.memory_space<vmem>>, vector<16xf32>,
        tpu.vector_store %arg9[%swap3A_746, %swap3A_747, %swap3A_748], %bitcast3A_745 {strides = array<i32>} : memref<2x512x64xf32, #tpu.memory_space<vmem>>, vector<16xf32>,
        %get3A_750 = arith.index_cast %rem3A_158 : i32 to index
        %get3A_751 = arith.index_cast %add3A_695 : i32 to index
        %get3A_752 = arith.constant 32 : index
        %get3A_753 = tpu.vector_load %arg9[%get3A_750, %get3A_751, %get3A_752] {strides = array<i32>} : memref<2x512x64xf32, #tpu.memory_space<vmem>>, vector<16xf32>,
        %abs3A_754 = math.absf %get3A_753 : vector<16xf32>
        %mul3A_755 = arith.constant -2.000000e+00 : f32
        %mul3A_756 = vector.broadcast %mul3A_755 : f32 to vector<16xf32>
        %mul3A_757 = arith.mulf %abs3A_754, %mul3A_756 : vector<16xf32>
        %exp3A_758 = math.exp %mul3A_757 : vector<16xf32>
        %sub3A_759 = arith.constant 1.000000e+00 : f32
        %sub3A_760 = vector.broadcast %sub3A_759 : f32 to vector<16xf32>
        %sub3A_761 = arith.subf %sub3A_760, %exp3A_758 : vector<16xf32>
        %add3A_762 = arith.constant 1.000000e+00 : f32
        %add3A_763 = vector.broadcast %add3A_762 : f32 to vector<16xf32>
        %add3A_764 = arith.addf %add3A_763, %exp3A_758 : vector<16xf32>
        %div3A_765 = arith.divf %sub3A_761, %add3A_764 : vector<16xf32>
        %bitcast3A_766 = vector.bitcast %div3A_765 : vector<16xf32> to vector<16xi32>
        %bitcast3A_767 = vector.bitcast %get3A_753 : vector<16xf32> to vector<16xi32>
        %and3A_768 = arith.constant -2147483648 : i32
        %and3A_769 = vector.broadcast %and3A_768 : i32 to vector<16xi32>
        %and3A_770 = arith.andi %bitcast3A_767, %and3A_769 : vector<16xi32>
        %or3A_771 = arith.ori %bitcast3A_766, %and3A_770 : vector<16xi32>
        %bitcast3A_772 = vector.bitcast %or3A_771 : vector<16xi32> to vector<16xf32>
        %swap3A_773 = arith.index_cast %rem3A_158 : i32 to index
        %swap3A_774 = arith.index_cast %add3A_695 : i32 to index
        %swap3A_775 = arith.constant 32 : index
        %swap3A_776 = tpu.vector_load %arg9[%swap3A_773, %swap3A_774, %swap3A_775] {strides = array<i32>} : memref<2x512x64xf32, #tpu.memory_space<vmem>>, vector<16xf32>,
        tpu.vector_store %arg9[%swap3A_773, %swap3A_774, %swap3A_775], %bitcast3A_772 {strides = array<i32>} : memref<2x512x64xf32, #tpu.memory_space<vmem>>, vector<16xf32>,
        %get3A_777 = arith.index_cast %rem3A_158 : i32 to index
        %get3A_778 = arith.index_cast %add3A_695 : i32 to index
        %get3A_779 = arith.constant 48 : index
        %get3A_780 = tpu.vector_load %arg9[%get3A_777, %get3A_778, %get3A_779] {strides = array<i32>} : memref<2x512x64xf32, #tpu.memory_space<vmem>>, vector<16xf32>,
        %abs3A_781 = math.absf %get3A_780 : vector<16xf32>
        %mul3A_782 = arith.constant -2.000000e+00 : f32
        %mul3A_783 = vector.broadcast %mul3A_782 : f32 to vector<16xf32>
        %mul3A_784 = arith.mulf %abs3A_781, %mul3A_783 : vector<16xf32>
        %exp3A_785 = math.exp %mul3A_784 : vector<16xf32>
        %sub3A_786 = arith.constant 1.000000e+00 : f32
        %sub3A_787 = vector.broadcast %sub3A_786 : f32 to vector<16xf32>
        %sub3A_788 = arith.subf %sub3A_787, %exp3A_785 : vector<16xf32>
        %add3A_789 = arith.constant 1.000000e+00 : f32
        %add3A_790 = vector.broadcast %add3A_789 : f32 to vector<16xf32>
        %add3A_791 = arith.addf %add3A_790, %exp3A_785 : vector<16xf32>
        %div3A_792 = arith.divf %sub3A_788, %add3A_791 : vector<16xf32>
        %bitcast3A_793 = vector.bitcast %div3A_792 : vector<16xf32> to vector<16xi32>
        %bitcast3A_794 = vector.bitcast %get3A_780 : vector<16xf32> to vector<16xi32>
        %and3A_795 = arith.constant -2147483648 : i32
        %and3A_796 = vector.broadcast %and3A_795 : i32 to vector<16xi32>
        %and3A_797 = arith.andi %bitcast3A_794, %and3A_796 : vector<16xi32>
        %or3A_798 = arith.ori %bitcast3A_793, %and3A_797 : vector<16xi32>
        %bitcast3A_799 = vector.bitcast %or3A_798 : vector<16xi32> to vector<16xf32>
        %swap3A_800 = arith.index_cast %rem3A_158 : i32 to index
        %swap3A_801 = arith.index_cast %add3A_695 : i32 to index
        %swap3A_802 = arith.constant 48 : index
        %swap3A_803 = tpu.vector_load %arg9[%swap3A_800, %swap3A_801, %swap3A_802] {strides = array<i32>} : memref<2x512x64xf32, #tpu.memory_space<vmem>>, vector<16xf32>,
        tpu.vector_store %arg9[%swap3A_800, %swap3A_801, %swap3A_802], %bitcast3A_799 {strides = array<i32>} : memref<2x512x64xf32, #tpu.memory_space<vmem>>, vector<16xf32>,
        %scan3A_804 = arith.constant 5 : i32
        %scan3A_805 = arith.addi %scan3A_235, %scan3A_804 : i32
        %mul3A_806 = arith.constant 1 : i32
        %mul3A_807 = arith.muli %scan3A_805, %mul3A_806 : i32
        %add3A_808 = arith.constant 0 : i32
        %add3A_809 = arith.addi %add3A_808, %mul3A_807 : i32
        %get3A_810 = arith.index_cast %rem3A_158 : i32 to index
        %get3A_811 = arith.index_cast %add3A_809 : i32 to index
        %get3A_812 = arith.constant 0 : index
        %get3A_813 = tpu.vector_load %arg9[%get3A_810, %get3A_811, %get3A_812] {strides = array<i32>} : memref<2x512x64xf32, #tpu.memory_space<vmem>>, vector<16xf32>,
        %abs3A_814 = math.absf %get3A_813 : vector<16xf32>
        %mul3A_815 = arith.constant -2.000000e+00 : f32
        %mul3A_816 = vector.broadcast %mul3A_815 : f32 to vector<16xf32>
        %mul3A_817 = arith.mulf %abs3A_814, %mul3A_816 : vector<16xf32>
        %exp3A_818 = math.exp %mul3A_817 : vector<16xf32>
        %sub3A_819 = arith.constant 1.000000e+00 : f32
        %sub3A_820 = vector.broadcast %sub3A_819 : f32 to vector<16xf32>
        %sub3A_821 = arith.subf %sub3A_820, %exp3A_818 : vector<16xf32>
        %add3A_822 = arith.constant 1.000000e+00 : f32
        %add3A_823 = vector.broadcast %add3A_822 : f32 to vector<16xf32>
        %add3A_824 = arith.addf %add3A_823, %exp3A_818 : vector<16xf32>
        %div3A_825 = arith.divf %sub3A_821, %add3A_824 : vector<16xf32>
        %bitcast3A_826 = vector.bitcast %div3A_825 : vector<16xf32> to vector<16xi32>
        %bitcast3A_827 = vector.bitcast %get3A_813 : vector<16xf32> to vector<16xi32>
        %and3A_828 = arith.constant -2147483648 : i32
        %and3A_829 = vector.broadcast %and3A_828 : i32 to vector<16xi32>
        %and3A_830 = arith.andi %bitcast3A_827, %and3A_829 : vector<16xi32>
        %or3A_831 = arith.ori %bitcast3A_826, %and3A_830 : vector<16xi32>
        %bitcast3A_832 = vector.bitcast %or3A_831 : vector<16xi32> to vector<16xf32>
        %swap3A_833 = arith.index_cast %rem3A_158 : i32 to index
        %swap3A_834 = arith.index_cast %add3A_809 : i32 to index
        %swap3A_835 = arith.constant 0 : index
        %swap3A_836 = tpu.vector_load %arg9[%swap3A_833, %swap3A_834, %swap3A_835] {strides = array<i32>} : memref<2x512x64xf32, #tpu.memory_space<vmem>>, vector<16xf32>,
        tpu.vector_store %arg9[%swap3A_833, %swap3A_834, %swap3A_835], %bitcast3A_832 {strides = array<i32>} : memref<2x512x64xf32, #tpu.memory_space<vmem>>, vector<16xf32>,
        %get3A_837 = arith.index_cast %rem3A_158 : i32 to index
        %get3A_838 = arith.index_cast %add3A_809 : i32 to index
        %get3A_839 = arith.constant 16 : index
        %get3A_840 = tpu.vector_load %arg9[%get3A_837, %get3A_838, %get3A_839] {strides = array<i32>} : memref<2x512x64xf32, #tpu.memory_space<vmem>>, vector<16xf32>,
        %abs3A_841 = math.absf %get3A_840 : vector<16xf32>
        %mul3A_842 = arith.constant -2.000000e+00 : f32
        %mul3A_843 = vector.broadcast %mul3A_842 : f32 to vector<16xf32>
        %mul3A_844 = arith.mulf %abs3A_841, %mul3A_843 : vector<16xf32>
        %exp3A_845 = math.exp %mul3A_844 : vector<16xf32>
        %sub3A_846 = arith.constant 1.000000e+00 : f32
        %sub3A_847 = vector.broadcast %sub3A_846 : f32 to vector<16xf32>
        %sub3A_848 = arith.subf %sub3A_847, %exp3A_845 : vector<16xf32>
        %add3A_849 = arith.constant 1.000000e+00 : f32
        %add3A_850 = vector.broadcast %add3A_849 : f32 to vector<16xf32>
        %add3A_851 = arith.addf %add3A_850, %exp3A_845 : vector<16xf32>
        %div3A_852 = arith.divf %sub3A_848, %add3A_851 : vector<16xf32>
        %bitcast3A_853 = vector.bitcast %div3A_852 : vector<16xf32> to vector<16xi32>
        %bitcast3A_854 = vector.bitcast %get3A_840 : vector<16xf32> to vector<16xi32>
        %and3A_855 = arith.constant -2147483648 : i32
        %and3A_856 = vector.broadcast %and3A_855 : i32 to vector<16xi32>
        %and3A_857 = arith.andi %bitcast3A_854, %and3A_856 : vector<16xi32>
        %or3A_858 = arith.ori %bitcast3A_853, %and3A_857 : vector<16xi32>
        %bitcast3A_859 = vector.bitcast %or3A_858 : vector<16xi32> to vector<16xf32>
        %swap3A_860 = arith.index_cast %rem3A_158 : i32 to index
        %swap3A_861 = arith.index_cast %add3A_809 : i32 to index
        %swap3A_862 = arith.constant 16 : index
        %swap3A_863 = tpu.vector_load %arg9[%swap3A_860, %swap3A_861, %swap3A_862] {strides = array<i32>} : memref<2x512x64xf32, #tpu.memory_space<vmem>>, vector<16xf32>,
        tpu.vector_store %arg9[%swap3A_860, %swap3A_861, %swap3A_862], %bitcast3A_859 {strides = array<i32>} : memref<2x512x64xf32, #tpu.memory_space<vmem>>, vector<16xf32>,
        %get3A_864 = arith.index_cast %rem3A_158 : i32 to index
        %get3A_865 = arith.index_cast %add3A_809 : i32 to index
        %get3A_866 = arith.constant 32 : index
        %get3A_867 = tpu.vector_load %arg9[%get3A_864, %get3A_865, %get3A_866] {strides = array<i32>} : memref<2x512x64xf32, #tpu.memory_space<vmem>>, vector<16xf32>,
        %abs3A_868 = math.absf %get3A_867 : vector<16xf32>
        %mul3A_869 = arith.constant -2.000000e+00 : f32
        %mul3A_870 = vector.broadcast %mul3A_869 : f32 to vector<16xf32>
        %mul3A_871 = arith.mulf %abs3A_868, %mul3A_870 : vector<16xf32>
        %exp3A_872 = math.exp %mul3A_871 : vector<16xf32>
        %sub3A_873 = arith.constant 1.000000e+00 : f32
        %sub3A_874 = vector.broadcast %sub3A_873 : f32 to vector<16xf32>
        %sub3A_875 = arith.subf %sub3A_874, %exp3A_872 : vector<16xf32>
        %add3A_876 = arith.constant 1.000000e+00 : f32
        %add3A_877 = vector.broadcast %add3A_876 : f32 to vector<16xf32>
        %add3A_878 = arith.addf %add3A_877, %exp3A_872 : vector<16xf32>
        %div3A_879 = arith.divf %sub3A_875, %add3A_878 : vector<16xf32>
        %bitcast3A_880 = vector.bitcast %div3A_879 : vector<16xf32> to vector<16xi32>
        %bitcast3A_881 = vector.bitcast %get3A_867 : vector<16xf32> to vector<16xi32>
        %and3A_882 = arith.constant -2147483648 : i32
        %and3A_883 = vector.broadcast %and3A_882 : i32 to vector<16xi32>
        %and3A_884 = arith.andi %bitcast3A_881, %and3A_883 : vector<16xi32>
        %or3A_885 = arith.ori %bitcast3A_880, %and3A_884 : vector<16xi32>
        %bitcast3A_886 = vector.bitcast %or3A_885 : vector<16xi32> to vector<16xf32>
        %swap3A_887 = arith.index_cast %rem3A_158 : i32 to index
        %swap3A_888 = arith.index_cast %add3A_809 : i32 to index
        %swap3A_889 = arith.constant 32 : index
        %swap3A_890 = tpu.vector_load %arg9[%swap3A_887, %swap3A_888, %swap3A_889] {strides = array<i32>} : memref<2x512x64xf32, #tpu.memory_space<vmem>>, vector<16xf32>,
        tpu.vector_store %arg9[%swap3A_887, %swap3A_888, %swap3A_889], %bitcast3A_886 {strides = array<i32>} : memref<2x512x64xf32, #tpu.memory_space<vmem>>, vector<16xf32>,
        %get3A_891 = arith.index_cast %rem3A_158 : i32 to index
        %get3A_892 = arith.index_cast %add3A_809 : i32 to index
        %get3A_893 = arith.constant 48 : index
        %get3A_894 = tpu.vector_load %arg9[%get3A_891, %get3A_892, %get3A_893] {strides = array<i32>} : memref<2x512x64xf32, #tpu.memory_space<vmem>>, vector<16xf32>,
        %abs3A_895 = math.absf %get3A_894 : vector<16xf32>
        %mul3A_896 = arith.constant -2.000000e+00 : f32
        %mul3A_897 = vector.broadcast %mul3A_896 : f32 to vector<16xf32>
        %mul3A_898 = arith.mulf %abs3A_895, %mul3A_897 : vector<16xf32>
        %exp3A_899 = math.exp %mul3A_898 : vector<16xf32>
        %sub3A_900 = arith.constant 1.000000e+00 : f32
        %sub3A_901 = vector.broadcast %sub3A_900 : f32 to vector<16xf32>
        %sub3A_902 = arith.subf %sub3A_901, %exp3A_899 : vector<16xf32>
        %add3A_903 = arith.constant 1.000000e+00 : f32
        %add3A_904 = vector.broadcast %add3A_903 : f32 to vector<16xf32>
        %add3A_905 = arith.addf %add3A_904, %exp3A_899 : vector<16xf32>
        %div3A_906 = arith.divf %sub3A_902, %add3A_905 : vector<16xf32>
        %bitcast3A_907 = vector.bitcast %div3A_906 : vector<16xf32> to vector<16xi32>
        %bitcast3A_908 = vector.bitcast %get3A_894 : vector<16xf32> to vector<16xi32>
        %and3A_909 = arith.constant -2147483648 : i32
        %and3A_910 = vector.broadcast %and3A_909 : i32 to vector<16xi32>
        %and3A_911 = arith.andi %bitcast3A_908, %and3A_910 : vector<16xi32>
        %or3A_912 = arith.ori %bitcast3A_907, %and3A_911 : vector<16xi32>
        %bitcast3A_913 = vector.bitcast %or3A_912 : vector<16xi32> to vector<16xf32>
        %swap3A_914 = arith.index_cast %rem3A_158 : i32 to index
        %swap3A_915 = arith.index_cast %add3A_809 : i32 to index
        %swap3A_916 = arith.constant 48 : index
        %swap3A_917 = tpu.vector_load %arg9[%swap3A_914, %swap3A_915, %swap3A_916] {strides = array<i32>} : memref<2x512x64xf32, #tpu.memory_space<vmem>>, vector<16xf32>,
        tpu.vector_store %arg9[%swap3A_914, %swap3A_915, %swap3A_916], %bitcast3A_913 {strides = array<i32>} : memref<2x512x64xf32, #tpu.memory_space<vmem>>, vector<16xf32>,
        %scan3A_918 = arith.constant 6 : i32
        %scan3A_919 = arith.addi %scan3A_235, %scan3A_918 : i32
        %mul3A_920 = arith.constant 1 : i32
        %mul3A_921 = arith.muli %scan3A_919, %mul3A_920 : i32
        %add3A_922 = arith.constant 0 : i32
        %add3A_923 = arith.addi %add3A_922, %mul3A_921 : i32
        %get3A_924 = arith.index_cast %rem3A_158 : i32 to index
        %get3A_925 = arith.index_cast %add3A_923 : i32 to index
        %get3A_926 = arith.constant 0 : index
        %get3A_927 = tpu.vector_load %arg9[%get3A_924, %get3A_925, %get3A_926] {strides = array<i32>} : memref<2x512x64xf32, #tpu.memory_space<vmem>>, vector<16xf32>,
        %abs3A_928 = math.absf %get3A_927 : vector<16xf32>
        %mul3A_929 = arith.constant -2.000000e+00 : f32
        %mul3A_930 = vector.broadcast %mul3A_929 : f32 to vector<16xf32>
        %mul3A_931 = arith.mulf %abs3A_928, %mul3A_930 : vector<16xf32>
        %exp3A_932 = math.exp %mul3A_931 : vector<16xf32>
        %sub3A_933 = arith.constant 1.000000e+00 : f32
        %sub3A_934 = vector.broadcast %sub3A_933 : f32 to vector<16xf32>
        %sub3A_935 = arith.subf %sub3A_934, %exp3A_932 : vector<16xf32>
        %add3A_936 = arith.constant 1.000000e+00 : f32
        %add3A_937 = vector.broadcast %add3A_936 : f32 to vector<16xf32>
        %add3A_938 = arith.addf %add3A_937, %exp3A_932 : vector<16xf32>
        %div3A_939 = arith.divf %sub3A_935, %add3A_938 : vector<16xf32>
        %bitcast3A_940 = vector.bitcast %div3A_939 : vector<16xf32> to vector<16xi32>
        %bitcast3A_941 = vector.bitcast %get3A_927 : vector<16xf32> to vector<16xi32>
        %and3A_942 = arith.constant -2147483648 : i32
        %and3A_943 = vector.broadcast %and3A_942 : i32 to vector<16xi32>
        %and3A_944 = arith.andi %bitcast3A_941, %and3A_943 : vector<16xi32>
        %or3A_945 = arith.ori %bitcast3A_940, %and3A_944 : vector<16xi32>
        %bitcast3A_946 = vector.bitcast %or3A_945 : vector<16xi32> to vector<16xf32>
        %swap3A_947 = arith.index_cast %rem3A_158 : i32 to index
        %swap3A_948 = arith.index_cast %add3A_923 : i32 to index
        %swap3A_949 = arith.constant 0 : index
        %swap3A_950 = tpu.vector_load %arg9[%swap3A_947, %swap3A_948, %swap3A_949] {strides = array<i32>} : memref<2x512x64xf32, #tpu.memory_space<vmem>>, vector<16xf32>,
        tpu.vector_store %arg9[%swap3A_947, %swap3A_948, %swap3A_949], %bitcast3A_946 {strides = array<i32>} : memref<2x512x64xf32, #tpu.memory_space<vmem>>, vector<16xf32>,
        %get3A_951 = arith.index_cast %rem3A_158 : i32 to index
        %get3A_952 = arith.index_cast %add3A_923 : i32 to index
        %get3A_953 = arith.constant 16 : index
        %get3A_954 = tpu.vector_load %arg9[%get3A_951, %get3A_952, %get3A_953] {strides = array<i32>} : memref<2x512x64xf32, #tpu.memory_space<vmem>>, vector<16xf32>,
        %abs3A_955 = math.absf %get3A_954 : vector<16xf32>
        %mul3A_956 = arith.constant -2.000000e+00 : f32
        %mul3A_957 = vector.broadcast %mul3A_956 : f32 to vector<16xf32>
        %mul3A_958 = arith.mulf %abs3A_955, %mul3A_957 : vector<16xf32>
        %exp3A_959 = math.exp %mul3A_958 : vector<16xf32>
        %sub3A_960 = arith.constant 1.000000e+00 : f32
        %sub3A_961 = vector.broadcast %sub3A_960 : f32 to vector<16xf32>
        %sub3A_962 = arith.subf %sub3A_961, %exp3A_959 : vector<16xf32>
        %add3A_963 = arith.constant 1.000000e+00 : f32
        %add3A_964 = vector.broadcast %add3A_963 : f32 to vector<16xf32>
        %add3A_965 = arith.addf %add3A_964, %exp3A_959 : vector<16xf32>
        %div3A_966 = arith.divf %sub3A_962, %add3A_965 : vector<16xf32>
        %bitcast3A_967 = vector.bitcast %div3A_966 : vector<16xf32> to vector<16xi32>
        %bitcast3A_968 = vector.bitcast %get3A_954 : vector<16xf32> to vector<16xi32>
        %and3A_969 = arith.constant -2147483648 : i32
        %and3A_970 = vector.broadcast %and3A_969 : i32 to vector<16xi32>
        %and3A_971 = arith.andi %bitcast3A_968, %and3A_970 : vector<16xi32>
        %or3A_972 = arith.ori %bitcast3A_967, %and3A_971 : vector<16xi32>
        %bitcast3A_973 = vector.bitcast %or3A_972 : vector<16xi32> to vector<16xf32>
        %swap3A_974 = arith.index_cast %rem3A_158 : i32 to index
        %swap3A_975 = arith.index_cast %add3A_923 : i32 to index
        %swap3A_976 = arith.constant 16 : index
        %swap3A_977 = tpu.vector_load %arg9[%swap3A_974, %swap3A_975, %swap3A_976] {strides = array<i32>} : memref<2x512x64xf32, #tpu.memory_space<vmem>>, vector<16xf32>,
        tpu.vector_store %arg9[%swap3A_974, %swap3A_975, %swap3A_976], %bitcast3A_973 {strides = array<i32>} : memref<2x512x64xf32, #tpu.memory_space<vmem>>, vector<16xf32>,
        %get3A_978 = arith.index_cast %rem3A_158 : i32 to index
        %get3A_979 = arith.index_cast %add3A_923 : i32 to index
        %get3A_980 = arith.constant 32 : index
        %get3A_981 = tpu.vector_load %arg9[%get3A_978, %get3A_979, %get3A_980] {strides = array<i32>} : memref<2x512x64xf32, #tpu.memory_space<vmem>>, vector<16xf32>,
        %abs3A_982 = math.absf %get3A_981 : vector<16xf32>
        %mul3A_983 = arith.constant -2.000000e+00 : f32
        %mul3A_984 = vector.broadcast %mul3A_983 : f32 to vector<16xf32>
        %mul3A_985 = arith.mulf %abs3A_982, %mul3A_984 : vector<16xf32>
        %exp3A_986 = math.exp %mul3A_985 : vector<16xf32>
        %sub3A_987 = arith.constant 1.000000e+00 : f32
        %sub3A_988 = vector.broadcast %sub3A_987 : f32 to vector<16xf32>
        %sub3A_989 = arith.subf %sub3A_988, %exp3A_986 : vector<16xf32>
        %add3A_990 = arith.constant 1.000000e+00 : f32
        %add3A_991 = vector.broadcast %add3A_990 : f32 to vector<16xf32>
        %add3A_992 = arith.addf %add3A_991, %exp3A_986 : vector<16xf32>
        %div3A_993 = arith.divf %sub3A_989, %add3A_992 : vector<16xf32>
        %bitcast3A_994 = vector.bitcast %div3A_993 : vector<16xf32> to vector<16xi32>
        %bitcast3A_995 = vector.bitcast %get3A_981 : vector<16xf32> to vector<16xi32>
        %and3A_996 = arith.constant -2147483648 : i32
        %and3A_997 = vector.broadcast %and3A_996 : i32 to vector<16xi32>
        %and3A_998 = arith.andi %bitcast3A_995, %and3A_997 : vector<16xi32>
        %or3A_999 = arith.ori %bitcast3A_994, %and3A_998 : vector<16xi32>
        %bitcast3A_1000 = vector.bitcast %or3A_999 : vector<16xi32> to vector<16xf32>
        %swap3A_1001 = arith.index_cast %rem3A_158 : i32 to index
        %swap3A_1002 = arith.index_cast %add3A_923 : i32 to index
        %swap3A_1003 = arith.constant 32 : index
        %swap3A_1004 = tpu.vector_load %arg9[%swap3A_1001, %swap3A_1002, %swap3A_1003] {strides = array<i32>} : memref<2x512x64xf32, #tpu.memory_space<vmem>>, vector<16xf32>,
        tpu.vector_store %arg9[%swap3A_1001, %swap3A_1002, %swap3A_1003], %bitcast3A_1000 {strides = array<i32>} : memref<2x512x64xf32, #tpu.memory_space<vmem>>, vector<16xf32>,
        %get3A_1005 = arith.index_cast %rem3A_158 : i32 to index
        %get3A_1006 = arith.index_cast %add3A_923 : i32 to index
        %get3A_1007 = arith.constant 48 : index
        %get3A_1008 = tpu.vector_load %arg9[%get3A_1005, %get3A_1006, %get3A_1007] {strides = array<i32>} : memref<2x512x64xf32, #tpu.memory_space<vmem>>, vector<16xf32>,
        %abs3A_1009 = math.absf %get3A_1008 : vector<16xf32>
        %mul3A_1010 = arith.constant -2.000000e+00 : f32
        %mul3A_1011 = vector.broadcast %mul3A_1010 : f32 to vector<16xf32>
        %mul3A_1012 = arith.mulf %abs3A_1009, %mul3A_1011 : vector<16xf32>
        %exp3A_1013 = math.exp %mul3A_1012 : vector<16xf32>
        %sub3A_1014 = arith.constant 1.000000e+00 : f32
        %sub3A_1015 = vector.broadcast %sub3A_1014 : f32 to vector<16xf32>
        %sub3A_1016 = arith.subf %sub3A_1015, %exp3A_1013 : vector<16xf32>
        %add3A_1017 = arith.constant 1.000000e+00 : f32
        %add3A_1018 = vector.broadcast %add3A_1017 : f32 to vector<16xf32>
        %add3A_1019 = arith.addf %add3A_1018, %exp3A_1013 : vector<16xf32>
        %div3A_1020 = arith.divf %sub3A_1016, %add3A_1019 : vector<16xf32>
        %bitcast3A_1021 = vector.bitcast %div3A_1020 : vector<16xf32> to vector<16xi32>
        %bitcast3A_1022 = vector.bitcast %get3A_1008 : vector<16xf32> to vector<16xi32>
        %and3A_1023 = arith.constant -2147483648 : i32
        %and3A_1024 = vector.broadcast %and3A_1023 : i32 to vector<16xi32>
        %and3A_1025 = arith.andi %bitcast3A_1022, %and3A_1024 : vector<16xi32>
        %or3A_1026 = arith.ori %bitcast3A_1021, %and3A_1025 : vector<16xi32>
        %bitcast3A_1027 = vector.bitcast %or3A_1026 : vector<16xi32> to vector<16xf32>
        %swap3A_1028 = arith.index_cast %rem3A_158 : i32 to index
        %swap3A_1029 = arith.index_cast %add3A_923 : i32 to index
        %swap3A_1030 = arith.constant 48 : index
        %swap3A_1031 = tpu.vector_load %arg9[%swap3A_1028, %swap3A_1029, %swap3A_1030] {strides = array<i32>} : memref<2x512x64xf32, #tpu.memory_space<vmem>>, vector<16xf32>,
        tpu.vector_store %arg9[%swap3A_1028, %swap3A_1029, %swap3A_1030], %bitcast3A_1027 {strides = array<i32>} : memref<2x512x64xf32, #tpu.memory_space<vmem>>, vector<16xf32>,
        %scan3A_1032 = arith.constant 7 : i32
        %scan3A_1033 = arith.addi %scan3A_235, %scan3A_1032 : i32
        %mul3A_1034 = arith.constant 1 : i32
        %mul3A_1035 = arith.muli %scan3A_1033, %mul3A_1034 : i32
        %add3A_1036 = arith.constant 0 : i32
        %add3A_1037 = arith.addi %add3A_1036, %mul3A_1035 : i32
        %get3A_1038 = arith.index_cast %rem3A_158 : i32 to index
        %get3A_1039 = arith.index_cast %add3A_1037 : i32 to index
        %get3A_1040 = arith.constant 0 : index
        %get3A_1041 = tpu.vector_load %arg9[%get3A_1038, %get3A_1039, %get3A_1040] {strides = array<i32>} : memref<2x512x64xf32, #tpu.memory_space<vmem>>, vector<16xf32>,
        %abs3A_1042 = math.absf %get3A_1041 : vector<16xf32>
        %mul3A_1043 = arith.constant -2.000000e+00 : f32
        %mul3A_1044 = vector.broadcast %mul3A_1043 : f32 to vector<16xf32>
        %mul3A_1045 = arith.mulf %abs3A_1042, %mul3A_1044 : vector<16xf32>
        %exp3A_1046 = math.exp %mul3A_1045 : vector<16xf32>
        %sub3A_1047 = arith.constant 1.000000e+00 : f32
        %sub3A_1048 = vector.broadcast %sub3A_1047 : f32 to vector<16xf32>
        %sub3A_1049 = arith.subf %sub3A_1048, %exp3A_1046 : vector<16xf32>
        %add3A_1050 = arith.constant 1.000000e+00 : f32
        %add3A_1051 = vector.broadcast %add3A_1050 : f32 to vector<16xf32>
        %add3A_1052 = arith.addf %add3A_1051, %exp3A_1046 : vector<16xf32>
        %div3A_1053 = arith.divf %sub3A_1049, %add3A_1052 : vector<16xf32>
        %bitcast3A_1054 = vector.bitcast %div3A_1053 : vector<16xf32> to vector<16xi32>
        %bitcast3A_1055 = vector.bitcast %get3A_1041 : vector<16xf32> to vector<16xi32>
        %and3A_1056 = arith.constant -2147483648 : i32
        %and3A_1057 = vector.broadcast %and3A_1056 : i32 to vector<16xi32>
        %and3A_1058 = arith.andi %bitcast3A_1055, %and3A_1057 : vector<16xi32>
        %or3A_1059 = arith.ori %bitcast3A_1054, %and3A_1058 : vector<16xi32>
        %bitcast3A_1060 = vector.bitcast %or3A_1059 : vector<16xi32> to vector<16xf32>
        %swap3A_1061 = arith.index_cast %rem3A_158 : i32 to index
        %swap3A_1062 = arith.index_cast %add3A_1037 : i32 to index
        %swap3A_1063 = arith.constant 0 : index
        %swap3A_1064 = tpu.vector_load %arg9[%swap3A_1061, %swap3A_1062, %swap3A_1063] {strides = array<i32>} : memref<2x512x64xf32, #tpu.memory_space<vmem>>, vector<16xf32>,
        tpu.vector_store %arg9[%swap3A_1061, %swap3A_1062, %swap3A_1063], %bitcast3A_1060 {strides = array<i32>} : memref<2x512x64xf32, #tpu.memory_space<vmem>>, vector<16xf32>,
        %get3A_1065 = arith.index_cast %rem3A_158 : i32 to index
        %get3A_1066 = arith.index_cast %add3A_1037 : i32 to index
        %get3A_1067 = arith.constant 16 : index
        %get3A_1068 = tpu.vector_load %arg9[%get3A_1065, %get3A_1066, %get3A_1067] {strides = array<i32>} : memref<2x512x64xf32, #tpu.memory_space<vmem>>, vector<16xf32>,
        %abs3A_1069 = math.absf %get3A_1068 : vector<16xf32>
        %mul3A_1070 = arith.constant -2.000000e+00 : f32
        %mul3A_1071 = vector.broadcast %mul3A_1070 : f32 to vector<16xf32>
        %mul3A_1072 = arith.mulf %abs3A_1069, %mul3A_1071 : vector<16xf32>
        %exp3A_1073 = math.exp %mul3A_1072 : vector<16xf32>
        %sub3A_1074 = arith.constant 1.000000e+00 : f32
        %sub3A_1075 = vector.broadcast %sub3A_1074 : f32 to vector<16xf32>
        %sub3A_1076 = arith.subf %sub3A_1075, %exp3A_1073 : vector<16xf32>
        %add3A_1077 = arith.constant 1.000000e+00 : f32
        %add3A_1078 = vector.broadcast %add3A_1077 : f32 to vector<16xf32>
        %add3A_1079 = arith.addf %add3A_1078, %exp3A_1073 : vector<16xf32>
        %div3A_1080 = arith.divf %sub3A_1076, %add3A_1079 : vector<16xf32>
        %bitcast3A_1081 = vector.bitcast %div3A_1080 : vector<16xf32> to vector<16xi32>
        %bitcast3A_1082 = vector.bitcast %get3A_1068 : vector<16xf32> to vector<16xi32>
        %and3A_1083 = arith.constant -2147483648 : i32
        %and3A_1084 = vector.broadcast %and3A_1083 : i32 to vector<16xi32>
        %and3A_1085 = arith.andi %bitcast3A_1082, %and3A_1084 : vector<16xi32>
        %or3A_1086 = arith.ori %bitcast3A_1081, %and3A_1085 : vector<16xi32>
        %bitcast3A_1087 = vector.bitcast %or3A_1086 : vector<16xi32> to vector<16xf32>
        %swap3A_1088 = arith.index_cast %rem3A_158 : i32 to index
        %swap3A_1089 = arith.index_cast %add3A_1037 : i32 to index
        %swap3A_1090 = arith.constant 16 : index
        %swap3A_1091 = tpu.vector_load %arg9[%swap3A_1088, %swap3A_1089, %swap3A_1090] {strides = array<i32>} : memref<2x512x64xf32, #tpu.memory_space<vmem>>, vector<16xf32>,
        tpu.vector_store %arg9[%swap3A_1088, %swap3A_1089, %swap3A_1090], %bitcast3A_1087 {strides = array<i32>} : memref<2x512x64xf32, #tpu.memory_space<vmem>>, vector<16xf32>,
        %get3A_1092 = arith.index_cast %rem3A_158 : i32 to index
        %get3A_1093 = arith.index_cast %add3A_1037 : i32 to index
        %get3A_1094 = arith.constant 32 : index
        %get3A_1095 = tpu.vector_load %arg9[%get3A_1092, %get3A_1093, %get3A_1094] {strides = array<i32>} : memref<2x512x64xf32, #tpu.memory_space<vmem>>, vector<16xf32>,
        %abs3A_1096 = math.absf %get3A_1095 : vector<16xf32>
        %mul3A_1097 = arith.constant -2.000000e+00 : f32
        %mul3A_1098 = vector.broadcast %mul3A_1097 : f32 to vector<16xf32>
        %mul3A_1099 = arith.mulf %abs3A_1096, %mul3A_1098 : vector<16xf32>
        %exp3A_1100 = math.exp %mul3A_1099 : vector<16xf32>
        %sub3A_1101 = arith.constant 1.000000e+00 : f32
        %sub3A_1102 = vector.broadcast %sub3A_1101 : f32 to vector<16xf32>
        %sub3A_1103 = arith.subf %sub3A_1102, %exp3A_1100 : vector<16xf32>
        %add3A_1104 = arith.constant 1.000000e+00 : f32
        %add3A_1105 = vector.broadcast %add3A_1104 : f32 to vector<16xf32>
        %add3A_1106 = arith.addf %add3A_1105, %exp3A_1100 : vector<16xf32>
        %div3A_1107 = arith.divf %sub3A_1103, %add3A_1106 : vector<16xf32>
        %bitcast3A_1108 = vector.bitcast %div3A_1107 : vector<16xf32> to vector<16xi32>
        %bitcast3A_1109 = vector.bitcast %get3A_1095 : vector<16xf32> to vector<16xi32>
        %and3A_1110 = arith.constant -2147483648 : i32
        %and3A_1111 = vector.broadcast %and3A_1110 : i32 to vector<16xi32>
        %and3A_1112 = arith.andi %bitcast3A_1109, %and3A_1111 : vector<16xi32>
        %or3A_1113 = arith.ori %bitcast3A_1108, %and3A_1112 : vector<16xi32>
        %bitcast3A_1114 = vector.bitcast %or3A_1113 : vector<16xi32> to vector<16xf32>
        %swap3A_1115 = arith.index_cast %rem3A_158 : i32 to index
        %swap3A_1116 = arith.index_cast %add3A_1037 : i32 to index
        %swap3A_1117 = arith.constant 32 : index
        %swap3A_1118 = tpu.vector_load %arg9[%swap3A_1115, %swap3A_1116, %swap3A_1117] {strides = array<i32>} : memref<2x512x64xf32, #tpu.memory_space<vmem>>, vector<16xf32>,
        tpu.vector_store %arg9[%swap3A_1115, %swap3A_1116, %swap3A_1117], %bitcast3A_1114 {strides = array<i32>} : memref<2x512x64xf32, #tpu.memory_space<vmem>>, vector<16xf32>,
        %get3A_1119 = arith.index_cast %rem3A_158 : i32 to index
        %get3A_1120 = arith.index_cast %add3A_1037 : i32 to index
        %get3A_1121 = arith.constant 48 : index
        %get3A_1122 = tpu.vector_load %arg9[%get3A_1119, %get3A_1120, %get3A_1121] {strides = array<i32>} : memref<2x512x64xf32, #tpu.memory_space<vmem>>, vector<16xf32>,
        %abs3A_1123 = math.absf %get3A_1122 : vector<16xf32>
        %mul3A_1124 = arith.constant -2.000000e+00 : f32
        %mul3A_1125 = vector.broadcast %mul3A_1124 : f32 to vector<16xf32>
        %mul3A_1126 = arith.mulf %abs3A_1123, %mul3A_1125 : vector<16xf32>
        %exp3A_1127 = math.exp %mul3A_1126 : vector<16xf32>
        %sub3A_1128 = arith.constant 1.000000e+00 : f32
        %sub3A_1129 = vector.broadcast %sub3A_1128 : f32 to vector<16xf32>
        %sub3A_1130 = arith.subf %sub3A_1129, %exp3A_1127 : vector<16xf32>
        %add3A_1131 = arith.constant 1.000000e+00 : f32
        %add3A_1132 = vector.broadcast %add3A_1131 : f32 to vector<16xf32>
        %add3A_1133 = arith.addf %add3A_1132, %exp3A_1127 : vector<16xf32>
        %div3A_1134 = arith.divf %sub3A_1130, %add3A_1133 : vector<16xf32>
        %bitcast3A_1135 = vector.bitcast %div3A_1134 : vector<16xf32> to vector<16xi32>
        %bitcast3A_1136 = vector.bitcast %get3A_1122 : vector<16xf32> to vector<16xi32>
        %and3A_1137 = arith.constant -2147483648 : i32
        %and3A_1138 = vector.broadcast %and3A_1137 : i32 to vector<16xi32>
        %and3A_1139 = arith.andi %bitcast3A_1136, %and3A_1138 : vector<16xi32>
        %or3A_1140 = arith.ori %bitcast3A_1135, %and3A_1139 : vector<16xi32>
        %bitcast3A_1141 = vector.bitcast %or3A_1140 : vector<16xi32> to vector<16xf32>
        %swap3A_1142 = arith.index_cast %rem3A_158 : i32 to index
        %swap3A_1143 = arith.index_cast %add3A_1037 : i32 to index
        %swap3A_1144 = arith.constant 48 : index
        %swap3A_1145 = tpu.vector_load %arg9[%swap3A_1142, %swap3A_1143, %swap3A_1144] {strides = array<i32>} : memref<2x512x64xf32, #tpu.memory_space<vmem>>, vector<16xf32>,
        tpu.vector_store %arg9[%swap3A_1142, %swap3A_1143, %swap3A_1144], %bitcast3A_1141 {strides = array<i32>} : memref<2x512x64xf32, #tpu.memory_space<vmem>>, vector<16xf32>,
      }
      %scan3A_217 = arith.constant 512 : i32
      %mul3A_218 = arith.constant 13312 : i32
      %mul3A_219 = arith.muli %add3A, %mul3A_218 : i32
      %mul3A_220 = arith.constant 512 : i32
      %mul3A_221 = arith.muli %add3A_156, %mul3A_220 : i32
      %add3A_222 = arith.addi %mul3A_219, %mul3A_221 : i32
      %dma_start3A_223 = arith.constant 0 : i32
      %dma_start3A_224 = arith.constant 0 : i32
      %dma_start3A_225 = tpu.memref_slice %arg9[%rem3A_158, %dma_start3A_223, %dma_start3A_224] : memref<2x512x64xf32, #tpu.memory_space<vmem>> -> memref<1x512x64xf32, #tpu.memory_space<vmem>>
      %dma_start3A_226 = tpu.memref_squeeze %dma_start3A_225 : memref<1x512x64xf32, #tpu.memory_space<vmem>> -> memref<512x64xf32, #tpu.memory_space<vmem>>
      %dma_start3A_227 = arith.constant 0 : i32
      %dma_start3A_228 = tpu.memref_slice %arg6[%add3A_222, %dma_start3A_227] : memref<425984x64xf32, #tpu.memory_space<hbm>> -> memref<512x64xf32, #tpu.memory_space<hbm>>
      %dma_start3A_229 = arith.constant 0 : i32
      %dma_start3A_230 = tpu.memref_slice %arg6[%add3A_222, %dma_start3A_229] : memref<425984x64xf32, #tpu.memory_space<hbm>> -> memref<512x64xf32, #tpu.memory_space<hbm>>
      %dma_start3A_231 = arith.constant 0 : i32
      %dma_start3A_232 = arith.constant 0 : i32
      %dma_start3A_233 = tpu.memref_slice %arg9[%rem3A_158, %dma_start3A_231, %dma_start3A_232] : memref<2x512x64xf32, #tpu.memory_space<vmem>> -> memref<1x512x64xf32, #tpu.memory_space<vmem>>
      %dma_start3A_234 = tpu.memref_squeeze %dma_start3A_233 : memref<1x512x64xf32, #tpu.memory_space<vmem>> -> memref<512x64xf32, #tpu.memory_space<vmem>>
      tpu.enqueue_dma source(%dma_start3A_234 : memref<512x64xf32, #tpu.memory_space<vmem>>) target(%dma_start3A_230 : memref<512x64xf32, #tpu.memory_space<hbm>>) target_semaphore(%arg15 : memref<!tpu.dma_semaphore, #tpu.memory_space<semaphore_mem>>)
    }
    %scan3A_71 = arith.constant 26 : i32
    %rem3A = arith.constant 25 : i32
    %rem3A_72 = arith.constant 2 : i32
    %rem3A_73 = arith.remsi %rem3A, %rem3A_72 : i32
    %mul3A_74 = arith.constant 13312 : i32
    %mul3A_75 = arith.muli %add3A, %mul3A_74 : i32
    %add3A_76 = arith.constant 12800 : i32
    %add3A_77 = arith.addi %mul3A_75, %add3A_76 : i32
    %dma_wait3A = arith.constant 0 : i32
    %dma_wait3A_78 = arith.constant 0 : i32
    %dma_wait3A_79 = tpu.memref_slice %arg9[%rem3A_73, %dma_wait3A, %dma_wait3A_78] : memref<2x512x64xf32, #tpu.memory_space<vmem>> -> memref<1x512x64xf32, #tpu.memory_space<vmem>>
    %dma_wait3A_80 = tpu.memref_squeeze %dma_wait3A_79 : memref<1x512x64xf32, #tpu.memory_space<vmem>> -> memref<512x64xf32, #tpu.memory_space<vmem>>
    %dma_wait3A_81 = arith.constant 0 : i32
    %dma_wait3A_82 = tpu.memref_slice %arg6[%add3A_77, %dma_wait3A_81] : memref<425984x64xf32, #tpu.memory_space<hbm>> -> memref<512x64xf32, #tpu.memory_space<hbm>>
    %dma_wait3A_83 = arith.constant 0 : i32
    %dma_wait3A_84 = tpu.memref_slice %arg6[%add3A_77, %dma_wait3A_83] : memref<425984x64xf32, #tpu.memory_space<hbm>> -> memref<512x64xf32, #tpu.memory_space<hbm>>
    %dma_wait3A_85 = arith.constant 0 : i32
    %dma_wait3A_86 = arith.constant 0 : i32
    %dma_wait3A_87 = tpu.memref_slice %arg9[%rem3A_73, %dma_wait3A_85, %dma_wait3A_86] : memref<2x512x64xf32, #tpu.memory_space<vmem>> -> memref<1x512x64xf32, #tpu.memory_space<vmem>>
    %dma_wait3A_88 = tpu.memref_squeeze %dma_wait3A_87 : memref<1x512x64xf32, #tpu.memory_space<vmem>> -> memref<512x64xf32, #tpu.memory_space<vmem>>
    tpu.wait_dma2 semaphore(%arg15 : memref<!tpu.dma_semaphore, #tpu.memory_space<semaphore_mem>>) src(%dma_wait3A_88 : memref<512x64xf32, #tpu.memory_space<vmem>>) dst(%dma_wait3A_84 : memref<512x64xf32, #tpu.memory_space<hbm>>)
    %mul3A_89 = arith.constant 25 : i32
    %mul3A_90 = arith.muli %add3A, %mul3A_89 : i32
    %shift_right_arithmetic3A = arith.constant 2 : i32
    %shift_right_arithmetic3A_91 = arith.shrsi %mul3A_90, %shift_right_arithmetic3A : i32
    %shift_right_arithmetic3A_92 = arith.constant 3 : i32
    %shift_right_arithmetic3A_93 = arith.shrsi %shift_right_arithmetic3A_91, %shift_right_arithmetic3A_92 : i32
    %and3A_94 = arith.constant 7 : i32
    %and3A_95 = arith.andi %shift_right_arithmetic3A_91, %and3A_94 : i32
    %and3A_96 = arith.constant 3 : i32
    %and3A_97 = arith.andi %mul3A_90, %and3A_96 : i32
    %mul3A_98 = arith.constant 32 : i32
    %mul3A_99 = arith.muli %and3A_97, %mul3A_98 : i32
    %dma_start3A_100 = arith.constant 0 : i32
    %dma_start3A_101 = arith.constant 0 : i32
    %dma_start3A_102 = arith.constant 0 : i32
    %dma_start3A_103 = tpu.memref_slice %arg10[%dma_start3A_100, %dma_start3A_101, %dma_start3A_102] : memref<2x32x128xi32, #tpu.memory_space<vmem>> -> memref<1x32x128xi32, #tpu.memory_space<vmem>>
    %dma_start3A_104 = tpu.memref_squeeze %dma_start3A_103 : memref<1x32x128xi32, #tpu.memory_space<vmem>> -> memref<32x128xi32, #tpu.memory_space<vmem>>
    %dma_start3A_105 = arith.constant 0 : i32
    %dma_start3A_106 = tpu.memref_slice %arg3[%shift_right_arithmetic3A_93, %mul3A_99, %and3A_95, %dma_start3A_105] : memref<25x128x8x128xi32, #tpu.memory_space<hbm>> -> memref<1x32x1x128xi32, #tpu.memory_space<hbm>>
    %dma_start3A_107 = tpu.memref_squeeze %dma_start3A_106 : memref<1x32x1x128xi32, #tpu.memory_space<hbm>> -> memref<32x128xi32, #tpu.memory_space<hbm>>
    %dma_start3A_108 = arith.constant 0 : i32
    %dma_start3A_109 = arith.constant 0 : i32
    %dma_start3A_110 = tpu.memref_slice %arg10[%dma_start3A_100, %dma_start3A_108, %dma_start3A_109] : memref<2x32x128xi32, #tpu.memory_space<vmem>> -> memref<1x32x128xi32, #tpu.memory_space<vmem>>
    %dma_start3A_111 = tpu.memref_squeeze %dma_start3A_110 : memref<1x32x128xi32, #tpu.memory_space<vmem>> -> memref<32x128xi32, #tpu.memory_space<vmem>>
    %dma_start3A_112 = arith.constant 0 : i32
    %dma_start3A_113 = tpu.memref_slice %arg3[%shift_right_arithmetic3A_93, %mul3A_99, %and3A_95, %dma_start3A_112] : memref<25x128x8x128xi32, #tpu.memory_space<hbm>> -> memref<1x32x1x128xi32, #tpu.memory_space<hbm>>
    %dma_start3A_114 = tpu.memref_squeeze %dma_start3A_113 : memref<1x32x1x128xi32, #tpu.memory_space<hbm>> -> memref<32x128xi32, #tpu.memory_space<hbm>>
    tpu.enqueue_dma source(%dma_start3A_114 : memref<32x128xi32, #tpu.memory_space<hbm>>) target(%dma_start3A_111 : memref<32x128xi32, #tpu.memory_space<vmem>>) target_semaphore(%arg16 : memref<!tpu.dma_semaphore, #tpu.memory_space<semaphore_mem>>)
    %scan3A_115 = arith.constant 0 : i32
    %scan3A_116 = arith.constant 25 : i32
    %scan3A_117 = arith.addi %scan3A_115, %scan3A_116 : i32
    %scan3A_118 = arith.constant 1 : i32
    scf.for %scan3A_152 = %scan3A_115 to %scan3A_117 step %scan3A_118  : i32 {
      %mul3A_153 = arith.constant 1 : i32
      %mul3A_154 = arith.muli %scan3A_152, %mul3A_153 : i32
      %add3A_155 = arith.constant 0 : i32
      %add3A_156 = arith.addi %add3A_155, %mul3A_154 : i32
      %add3A_157 = arith.addi %mul3A_90, %add3A_156 : i32
      %rem3A_158 = arith.constant 2 : i32
      %rem3A_159 = arith.remsi %add3A_156, %rem3A_158 : i32
      %sub3A_160 = arith.constant 1 : i32
      %sub3A_161 = arith.subi %sub3A_160, %rem3A_159 : i32
      %ge3A = arith.constant 1 : i32
      %ge3A_162 = arith.cmpi sge, %add3A_156, %ge3A : i32
      %convert_element_type3A = arith.extui %ge3A_162 : i1 to i32
      %cond3A = arith.constant 0 : i32
      %cond3A_163 = arith.cmpi ne, %convert_element_type3A, %cond3A : i32
      scf.if %cond3A_163 {
        %sub3A_224 = arith.constant 1 : i32
        %sub3A_225 = arith.subi %add3A_157, %sub3A_224 : i32
        %shift_right_arithmetic3A_226 = arith.constant 2 : i32
        %shift_right_arithmetic3A_227 = arith.shrsi %sub3A_225, %shift_right_arithmetic3A_226 : i32
        %and3A_228 = arith.constant 3 : i32
        %and3A_229 = arith.andi %sub3A_225, %and3A_228 : i32
        %mul3A_230 = arith.constant 128 : i32
        %mul3A_231 = arith.muli %shift_right_arithmetic3A_227, %mul3A_230 : i32
        %mul3A_232 = arith.constant 32 : i32
        %mul3A_233 = arith.muli %and3A_229, %mul3A_232 : i32
        %add3A_234 = arith.addi %mul3A_231, %mul3A_233 : i32
        %dma_wait3A_235 = arith.constant 0 : i32
        %dma_wait3A_236 = arith.constant 0 : i32
        %dma_wait3A_237 = arith.constant 0 : i32
        %dma_wait3A_238 = tpu.memref_slice %arg11[%sub3A_161, %dma_wait3A_235, %dma_wait3A_236, %dma_wait3A_237] : memref<2x32x2x128xf32, #tpu.memory_space<vmem>> -> memref<1x32x2x128xf32, #tpu.memory_space<vmem>>
        %dma_wait3A_239 = tpu.memref_squeeze %dma_wait3A_238 : memref<1x32x2x128xf32, #tpu.memory_space<vmem>> -> memref<32x2x128xf32, #tpu.memory_space<vmem>>
        %dma_wait3A_240 = arith.constant 0 : i32
        %dma_wait3A_241 = arith.constant 0 : i32
        %dma_wait3A_242 = tpu.memref_slice %arg7[%add3A_234, %dma_wait3A_240, %dma_wait3A_241] : memref<25600x2x128xf32, #tpu.memory_space<hbm>> -> memref<32x2x128xf32, #tpu.memory_space<hbm>>
        %dma_wait3A_243 = arith.constant 0 : i32
        %dma_wait3A_244 = arith.constant 0 : i32
        %dma_wait3A_245 = tpu.memref_slice %arg7[%add3A_234, %dma_wait3A_243, %dma_wait3A_244] : memref<25600x2x128xf32, #tpu.memory_space<hbm>> -> memref<32x2x128xf32, #tpu.memory_space<hbm>>
        %dma_wait3A_246 = arith.constant 0 : i32
        %dma_wait3A_247 = arith.constant 0 : i32
        %dma_wait3A_248 = arith.constant 0 : i32
        %dma_wait3A_249 = tpu.memref_slice %arg11[%sub3A_161, %dma_wait3A_246, %dma_wait3A_247, %dma_wait3A_248] : memref<2x32x2x128xf32, #tpu.memory_space<vmem>> -> memref<1x32x2x128xf32, #tpu.memory_space<vmem>>
        %dma_wait3A_250 = tpu.memref_squeeze %dma_wait3A_249 : memref<1x32x2x128xf32, #tpu.memory_space<vmem>> -> memref<32x2x128xf32, #tpu.memory_space<vmem>>
        tpu.wait_dma2 semaphore(%arg16 : memref<!tpu.dma_semaphore, #tpu.memory_space<semaphore_mem>>) src(%dma_wait3A_250 : memref<32x2x128xf32, #tpu.memory_space<vmem>>) dst(%dma_wait3A_245 : memref<32x2x128xf32, #tpu.memory_space<hbm>>)
      } else {
      }
      %add3A_164 = arith.constant 1 : i32
      %add3A_165 = arith.addi %add3A_156, %add3A_164 : i32
      %lt3A = arith.constant 25 : i32
      %lt3A_166 = arith.cmpi slt, %add3A_165, %lt3A : i32
      %convert_element_type3A_167 = arith.extui %lt3A_166 : i1 to i32
      %cond3A_168 = arith.constant 0 : i32
      %cond3A_169 = arith.cmpi ne, %convert_element_type3A_167, %cond3A_168 : i32
      scf.if %cond3A_169 {
        %add3A_224 = arith.constant 1 : i32
        %add3A_225 = arith.addi %add3A_157, %add3A_224 : i32
        %shift_right_arithmetic3A_226 = arith.constant 2 : i32
        %shift_right_arithmetic3A_227 = arith.shrsi %add3A_225, %shift_right_arithmetic3A_226 : i32
        %shift_right_arithmetic3A_228 = arith.constant 3 : i32
        %shift_right_arithmetic3A_229 = arith.shrsi %shift_right_arithmetic3A_227, %shift_right_arithmetic3A_228 : i32
        %and3A_230 = arith.constant 7 : i32
        %and3A_231 = arith.andi %shift_right_arithmetic3A_227, %and3A_230 : i32
        %and3A_232 = arith.constant 3 : i32
        %and3A_233 = arith.andi %add3A_225, %and3A_232 : i32
        %mul3A_234 = arith.constant 32 : i32
        %mul3A_235 = arith.muli %and3A_233, %mul3A_234 : i32
        %dma_start3A_236 = arith.constant 0 : i32
        %dma_start3A_237 = arith.constant 0 : i32
        %dma_start3A_238 = tpu.memref_slice %arg10[%sub3A_161, %dma_start3A_236, %dma_start3A_237] : memref<2x32x128xi32, #tpu.memory_space<vmem>> -> memref<1x32x128xi32, #tpu.memory_space<vmem>>
        %dma_start3A_239 = tpu.memref_squeeze %dma_start3A_238 : memref<1x32x128xi32, #tpu.memory_space<vmem>> -> memref<32x128xi32, #tpu.memory_space<vmem>>
        %dma_start3A_240 = arith.constant 0 : i32
        %dma_start3A_241 = tpu.memref_slice %arg3[%shift_right_arithmetic3A_229, %mul3A_235, %and3A_231, %dma_start3A_240] : memref<25x128x8x128xi32, #tpu.memory_space<hbm>> -> memref<1x32x1x128xi32, #tpu.memory_space<hbm>>
        %dma_start3A_242 = tpu.memref_squeeze %dma_start3A_241 : memref<1x32x1x128xi32, #tpu.memory_space<hbm>> -> memref<32x128xi32, #tpu.memory_space<hbm>>
        %dma_start3A_243 = arith.constant 0 : i32
        %dma_start3A_244 = arith.constant 0 : i32
        %dma_start3A_245 = tpu.memref_slice %arg10[%sub3A_161, %dma_start3A_243, %dma_start3A_244] : memref<2x32x128xi32, #tpu.memory_space<vmem>> -> memref<1x32x128xi32, #tpu.memory_space<vmem>>
        %dma_start3A_246 = tpu.memref_squeeze %dma_start3A_245 : memref<1x32x128xi32, #tpu.memory_space<vmem>> -> memref<32x128xi32, #tpu.memory_space<vmem>>
        %dma_start3A_247 = arith.constant 0 : i32
        %dma_start3A_248 = tpu.memref_slice %arg3[%shift_right_arithmetic3A_229, %mul3A_235, %and3A_231, %dma_start3A_247] : memref<25x128x8x128xi32, #tpu.memory_space<hbm>> -> memref<1x32x1x128xi32, #tpu.memory_space<hbm>>
        %dma_start3A_249 = tpu.memref_squeeze %dma_start3A_248 : memref<1x32x1x128xi32, #tpu.memory_space<hbm>> -> memref<32x128xi32, #tpu.memory_space<hbm>>
        tpu.enqueue_dma source(%dma_start3A_249 : memref<32x128xi32, #tpu.memory_space<hbm>>) target(%dma_start3A_246 : memref<32x128xi32, #tpu.memory_space<vmem>>) target_semaphore(%arg16 : memref<!tpu.dma_semaphore, #tpu.memory_space<semaphore_mem>>)
      } else {
      }
      %shift_right_arithmetic3A_170 = arith.constant 2 : i32
      %shift_right_arithmetic3A_171 = arith.shrsi %add3A_157, %shift_right_arithmetic3A_170 : i32
      %shift_right_arithmetic3A_172 = arith.constant 3 : i32
      %shift_right_arithmetic3A_173 = arith.shrsi %shift_right_arithmetic3A_171, %shift_right_arithmetic3A_172 : i32
      %and3A_174 = arith.constant 7 : i32
      %and3A_175 = arith.andi %shift_right_arithmetic3A_171, %and3A_174 : i32
      %and3A_176 = arith.constant 3 : i32
      %and3A_177 = arith.andi %add3A_157, %and3A_176 : i32
      %mul3A_178 = arith.constant 32 : i32
      %mul3A_179 = arith.muli %and3A_177, %mul3A_178 : i32
      %dma_wait3A_180 = arith.constant 0 : i32
      %dma_wait3A_181 = arith.constant 0 : i32
      %dma_wait3A_182 = tpu.memref_slice %arg10[%rem3A_159, %dma_wait3A_180, %dma_wait3A_181] : memref<2x32x128xi32, #tpu.memory_space<vmem>> -> memref<1x32x128xi32, #tpu.memory_space<vmem>>
      %dma_wait3A_183 = tpu.memref_squeeze %dma_wait3A_182 : memref<1x32x128xi32, #tpu.memory_space<vmem>> -> memref<32x128xi32, #tpu.memory_space<vmem>>
      %dma_wait3A_184 = arith.constant 0 : i32
      %dma_wait3A_185 = tpu.memref_slice %arg3[%shift_right_arithmetic3A_173, %mul3A_179, %and3A_175, %dma_wait3A_184] : memref<25x128x8x128xi32, #tpu.memory_space<hbm>> -> memref<1x32x1x128xi32, #tpu.memory_space<hbm>>
      %dma_wait3A_186 = tpu.memref_squeeze %dma_wait3A_185 : memref<1x32x1x128xi32, #tpu.memory_space<hbm>> -> memref<32x128xi32, #tpu.memory_space<hbm>>
      %dma_wait3A_187 = arith.constant 0 : i32
      %dma_wait3A_188 = arith.constant 0 : i32
      %dma_wait3A_189 = tpu.memref_slice %arg10[%rem3A_159, %dma_wait3A_187, %dma_wait3A_188] : memref<2x32x128xi32, #tpu.memory_space<vmem>> -> memref<1x32x128xi32, #tpu.memory_space<vmem>>
      %dma_wait3A_190 = tpu.memref_squeeze %dma_wait3A_189 : memref<1x32x128xi32, #tpu.memory_space<vmem>> -> memref<32x128xi32, #tpu.memory_space<vmem>>
      %dma_wait3A_191 = arith.constant 0 : i32
      %dma_wait3A_192 = tpu.memref_slice %arg3[%shift_right_arithmetic3A_173, %mul3A_179, %and3A_175, %dma_wait3A_191] : memref<25x128x8x128xi32, #tpu.memory_space<hbm>> -> memref<1x32x1x128xi32, #tpu.memory_space<hbm>>
      %dma_wait3A_193 = tpu.memref_squeeze %dma_wait3A_192 : memref<1x32x1x128xi32, #tpu.memory_space<hbm>> -> memref<32x128xi32, #tpu.memory_space<hbm>>
      tpu.wait_dma2 semaphore(%arg16 : memref<!tpu.dma_semaphore, #tpu.memory_space<semaphore_mem>>) src(%dma_wait3A_193 : memref<32x128xi32, #tpu.memory_space<hbm>>) dst(%dma_wait3A_190 : memref<32x128xi32, #tpu.memory_space<vmem>>)
      %scan3A_194 = arith.constant 0 : i32
      %scan3A_195 = arith.constant 32 : i32
      %scan3A_196 = arith.addi %scan3A_194, %scan3A_195 : i32
      %scan3A_197 = arith.constant 1 : i32
      scf.for %scan3A_224 = %scan3A_194 to %scan3A_196 step %scan3A_197  : i32 {
        %mul3A_225 = arith.constant 1 : i32
        %mul3A_226 = arith.muli %scan3A_224, %mul3A_225 : i32
        %add3A_227 = arith.constant 0 : i32
        %add3A_228 = arith.addi %add3A_227, %mul3A_226 : i32
        %get3A_229 = arith.index_cast %rem3A_159 : i32 to index
        %get3A_230 = arith.index_cast %add3A_228 : i32 to index
        %get3A_231 = arith.constant 0 : index
        %get3A_232 = tpu.vector_load %arg10[%get3A_229, %get3A_230, %get3A_231] {strides = array<i32>} : memref<2x32x128xi32, #tpu.memory_space<vmem>>, vector<16xi32>,
        %mul3A_233 = arith.constant 2 : i32
        %mul3A_234 = vector.broadcast %mul3A_233 : i32 to vector<16xi32>
        %mul3A_235 = arith.muli %get3A_232, %mul3A_234 : vector<16xi32>
        %gather3A = tpu.vector_load_idx %arg13[%mul3A_235] : memref<16xf32, #tpu.memory_space<vmem>>[vector<16xi32>], vector<16xf32>,
        %swap3A_236 = arith.constant 0 : i32
        %swap3A_237 = arith.index_cast %rem3A_159 : i32 to index
        %swap3A_238 = arith.index_cast %add3A_228 : i32 to index
        %swap3A_239 = arith.index_cast %swap3A_236 : i32 to index
        %swap3A_240 = arith.constant 0 : index
        %swap3A_241 = tpu.vector_load %arg11[%swap3A_237, %swap3A_238, %swap3A_239, %swap3A_240] {strides = array<i32>} : memref<2x32x2x128xf32, #tpu.memory_space<vmem>>, vector<16xf32>,
        tpu.vector_store %arg11[%swap3A_237, %swap3A_238, %swap3A_239, %swap3A_240], %gather3A {strides = array<i32>} : memref<2x32x2x128xf32, #tpu.memory_space<vmem>>, vector<16xf32>,
        %add3A_242 = arith.constant 1 : i32
        %add3A_243 = vector.broadcast %add3A_242 : i32 to vector<16xi32>
        %add3A_244 = arith.addi %mul3A_235, %add3A_243 : vector<16xi32>
        %gather3A_245 = tpu.vector_load_idx %arg13[%add3A_244] : memref<16xf32, #tpu.memory_space<vmem>>[vector<16xi32>], vector<16xf32>,
        %swap3A_246 = arith.constant 1 : i32
        %swap3A_247 = arith.index_cast %rem3A_159 : i32 to index
        %swap3A_248 = arith.index_cast %add3A_228 : i32 to index
        %swap3A_249 = arith.index_cast %swap3A_246 : i32 to index
        %swap3A_250 = arith.constant 0 : index
        %swap3A_251 = tpu.vector_load %arg11[%swap3A_247, %swap3A_248, %swap3A_249, %swap3A_250] {strides = array<i32>} : memref<2x32x2x128xf32, #tpu.memory_space<vmem>>, vector<16xf32>,
        tpu.vector_store %arg11[%swap3A_247, %swap3A_248, %swap3A_249, %swap3A_250], %gather3A_245 {strides = array<i32>} : memref<2x32x2x128xf32, #tpu.memory_space<vmem>>, vector<16xf32>,
        %get3A_252 = arith.index_cast %rem3A_159 : i32 to index
        %get3A_253 = arith.index_cast %add3A_228 : i32 to index
        %get3A_254 = arith.constant 16 : index
        %get3A_255 = tpu.vector_load %arg10[%get3A_252, %get3A_253, %get3A_254] {strides = array<i32>} : memref<2x32x128xi32, #tpu.memory_space<vmem>>, vector<16xi32>,
        %mul3A_256 = arith.constant 2 : i32
        %mul3A_257 = vector.broadcast %mul3A_256 : i32 to vector<16xi32>
        %mul3A_258 = arith.muli %get3A_255, %mul3A_257 : vector<16xi32>
        %gather3A_259 = tpu.vector_load_idx %arg13[%mul3A_258] : memref<16xf32, #tpu.memory_space<vmem>>[vector<16xi32>], vector<16xf32>,
        %swap3A_260 = arith.constant 0 : i32
        %swap3A_261 = arith.index_cast %rem3A_159 : i32 to index
        %swap3A_262 = arith.index_cast %add3A_228 : i32 to index
        %swap3A_263 = arith.index_cast %swap3A_260 : i32 to index
        %swap3A_264 = arith.constant 16 : index
        %swap3A_265 = tpu.vector_load %arg11[%swap3A_261, %swap3A_262, %swap3A_263, %swap3A_264] {strides = array<i32>} : memref<2x32x2x128xf32, #tpu.memory_space<vmem>>, vector<16xf32>,
        tpu.vector_store %arg11[%swap3A_261, %swap3A_262, %swap3A_263, %swap3A_264], %gather3A_259 {strides = array<i32>} : memref<2x32x2x128xf32, #tpu.memory_space<vmem>>, vector<16xf32>,
        %add3A_266 = arith.constant 1 : i32
        %add3A_267 = vector.broadcast %add3A_266 : i32 to vector<16xi32>
        %add3A_268 = arith.addi %mul3A_258, %add3A_267 : vector<16xi32>
        %gather3A_269 = tpu.vector_load_idx %arg13[%add3A_268] : memref<16xf32, #tpu.memory_space<vmem>>[vector<16xi32>], vector<16xf32>,
        %swap3A_270 = arith.constant 1 : i32
        %swap3A_271 = arith.index_cast %rem3A_159 : i32 to index
        %swap3A_272 = arith.index_cast %add3A_228 : i32 to index
        %swap3A_273 = arith.index_cast %swap3A_270 : i32 to index
        %swap3A_274 = arith.constant 16 : index
        %swap3A_275 = tpu.vector_load %arg11[%swap3A_271, %swap3A_272, %swap3A_273, %swap3A_274] {strides = array<i32>} : memref<2x32x2x128xf32, #tpu.memory_space<vmem>>, vector<16xf32>,
        tpu.vector_store %arg11[%swap3A_271, %swap3A_272, %swap3A_273, %swap3A_274], %gather3A_269 {strides = array<i32>} : memref<2x32x2x128xf32, #tpu.memory_space<vmem>>, vector<16xf32>,
        %get3A_276 = arith.index_cast %rem3A_159 : i32 to index
        %get3A_277 = arith.index_cast %add3A_228 : i32 to index
        %get3A_278 = arith.constant 32 : index
        %get3A_279 = tpu.vector_load %arg10[%get3A_276, %get3A_277, %get3A_278] {strides = array<i32>} : memref<2x32x128xi32, #tpu.memory_space<vmem>>, vector<16xi32>,
        %mul3A_280 = arith.constant 2 : i32
        %mul3A_281 = vector.broadcast %mul3A_280 : i32 to vector<16xi32>
        %mul3A_282 = arith.muli %get3A_279, %mul3A_281 : vector<16xi32>
        %gather3A_283 = tpu.vector_load_idx %arg13[%mul3A_282] : memref<16xf32, #tpu.memory_space<vmem>>[vector<16xi32>], vector<16xf32>,
        %swap3A_284 = arith.constant 0 : i32
        %swap3A_285 = arith.index_cast %rem3A_159 : i32 to index
        %swap3A_286 = arith.index_cast %add3A_228 : i32 to index
        %swap3A_287 = arith.index_cast %swap3A_284 : i32 to index
        %swap3A_288 = arith.constant 32 : index
        %swap3A_289 = tpu.vector_load %arg11[%swap3A_285, %swap3A_286, %swap3A_287, %swap3A_288] {strides = array<i32>} : memref<2x32x2x128xf32, #tpu.memory_space<vmem>>, vector<16xf32>,
        tpu.vector_store %arg11[%swap3A_285, %swap3A_286, %swap3A_287, %swap3A_288], %gather3A_283 {strides = array<i32>} : memref<2x32x2x128xf32, #tpu.memory_space<vmem>>, vector<16xf32>,
        %add3A_290 = arith.constant 1 : i32
        %add3A_291 = vector.broadcast %add3A_290 : i32 to vector<16xi32>
        %add3A_292 = arith.addi %mul3A_282, %add3A_291 : vector<16xi32>
        %gather3A_293 = tpu.vector_load_idx %arg13[%add3A_292] : memref<16xf32, #tpu.memory_space<vmem>>[vector<16xi32>], vector<16xf32>,
        %swap3A_294 = arith.constant 1 : i32
        %swap3A_295 = arith.index_cast %rem3A_159 : i32 to index
        %swap3A_296 = arith.index_cast %add3A_228 : i32 to index
        %swap3A_297 = arith.index_cast %swap3A_294 : i32 to index
        %swap3A_298 = arith.constant 32 : index
        %swap3A_299 = tpu.vector_load %arg11[%swap3A_295, %swap3A_296, %swap3A_297, %swap3A_298] {strides = array<i32>} : memref<2x32x2x128xf32, #tpu.memory_space<vmem>>, vector<16xf32>,
        tpu.vector_store %arg11[%swap3A_295, %swap3A_296, %swap3A_297, %swap3A_298], %gather3A_293 {strides = array<i32>} : memref<2x32x2x128xf32, #tpu.memory_space<vmem>>, vector<16xf32>,
        %get3A_300 = arith.index_cast %rem3A_159 : i32 to index
        %get3A_301 = arith.index_cast %add3A_228 : i32 to index
        %get3A_302 = arith.constant 48 : index
        %get3A_303 = tpu.vector_load %arg10[%get3A_300, %get3A_301, %get3A_302] {strides = array<i32>} : memref<2x32x128xi32, #tpu.memory_space<vmem>>, vector<16xi32>,
        %mul3A_304 = arith.constant 2 : i32
        %mul3A_305 = vector.broadcast %mul3A_304 : i32 to vector<16xi32>
        %mul3A_306 = arith.muli %get3A_303, %mul3A_305 : vector<16xi32>
        %gather3A_307 = tpu.vector_load_idx %arg13[%mul3A_306] : memref<16xf32, #tpu.memory_space<vmem>>[vector<16xi32>], vector<16xf32>,
        %swap3A_308 = arith.constant 0 : i32
        %swap3A_309 = arith.index_cast %rem3A_159 : i32 to index
        %swap3A_310 = arith.index_cast %add3A_228 : i32 to index
        %swap3A_311 = arith.index_cast %swap3A_308 : i32 to index
        %swap3A_312 = arith.constant 48 : index
        %swap3A_313 = tpu.vector_load %arg11[%swap3A_309, %swap3A_310, %swap3A_311, %swap3A_312] {strides = array<i32>} : memref<2x32x2x128xf32, #tpu.memory_space<vmem>>, vector<16xf32>,
        tpu.vector_store %arg11[%swap3A_309, %swap3A_310, %swap3A_311, %swap3A_312], %gather3A_307 {strides = array<i32>} : memref<2x32x2x128xf32, #tpu.memory_space<vmem>>, vector<16xf32>,
        %add3A_314 = arith.constant 1 : i32
        %add3A_315 = vector.broadcast %add3A_314 : i32 to vector<16xi32>
        %add3A_316 = arith.addi %mul3A_306, %add3A_315 : vector<16xi32>
        %gather3A_317 = tpu.vector_load_idx %arg13[%add3A_316] : memref<16xf32, #tpu.memory_space<vmem>>[vector<16xi32>], vector<16xf32>,
        %swap3A_318 = arith.constant 1 : i32
        %swap3A_319 = arith.index_cast %rem3A_159 : i32 to index
        %swap3A_320 = arith.index_cast %add3A_228 : i32 to index
        %swap3A_321 = arith.index_cast %swap3A_318 : i32 to index
        %swap3A_322 = arith.constant 48 : index
        %swap3A_323 = tpu.vector_load %arg11[%swap3A_319, %swap3A_320, %swap3A_321, %swap3A_322] {strides = array<i32>} : memref<2x32x2x128xf32, #tpu.memory_space<vmem>>, vector<16xf32>,
        tpu.vector_store %arg11[%swap3A_319, %swap3A_320, %swap3A_321, %swap3A_322], %gather3A_317 {strides = array<i32>} : memref<2x32x2x128xf32, #tpu.memory_space<vmem>>, vector<16xf32>,
        %get3A_324 = arith.index_cast %rem3A_159 : i32 to index
        %get3A_325 = arith.index_cast %add3A_228 : i32 to index
        %get3A_326 = arith.constant 64 : index
        %get3A_327 = tpu.vector_load %arg10[%get3A_324, %get3A_325, %get3A_326] {strides = array<i32>} : memref<2x32x128xi32, #tpu.memory_space<vmem>>, vector<16xi32>,
        %mul3A_328 = arith.constant 2 : i32
        %mul3A_329 = vector.broadcast %mul3A_328 : i32 to vector<16xi32>
        %mul3A_330 = arith.muli %get3A_327, %mul3A_329 : vector<16xi32>
        %gather3A_331 = tpu.vector_load_idx %arg13[%mul3A_330] : memref<16xf32, #tpu.memory_space<vmem>>[vector<16xi32>], vector<16xf32>,
        %swap3A_332 = arith.constant 0 : i32
        %swap3A_333 = arith.index_cast %rem3A_159 : i32 to index
        %swap3A_334 = arith.index_cast %add3A_228 : i32 to index
        %swap3A_335 = arith.index_cast %swap3A_332 : i32 to index
        %swap3A_336 = arith.constant 64 : index
        %swap3A_337 = tpu.vector_load %arg11[%swap3A_333, %swap3A_334, %swap3A_335, %swap3A_336] {strides = array<i32>} : memref<2x32x2x128xf32, #tpu.memory_space<vmem>>, vector<16xf32>,
        tpu.vector_store %arg11[%swap3A_333, %swap3A_334, %swap3A_335, %swap3A_336], %gather3A_331 {strides = array<i32>} : memref<2x32x2x128xf32, #tpu.memory_space<vmem>>, vector<16xf32>,
        %add3A_338 = arith.constant 1 : i32
        %add3A_339 = vector.broadcast %add3A_338 : i32 to vector<16xi32>
        %add3A_340 = arith.addi %mul3A_330, %add3A_339 : vector<16xi32>
        %gather3A_341 = tpu.vector_load_idx %arg13[%add3A_340] : memref<16xf32, #tpu.memory_space<vmem>>[vector<16xi32>], vector<16xf32>,
        %swap3A_342 = arith.constant 1 : i32
        %swap3A_343 = arith.index_cast %rem3A_159 : i32 to index
        %swap3A_344 = arith.index_cast %add3A_228 : i32 to index
        %swap3A_345 = arith.index_cast %swap3A_342 : i32 to index
        %swap3A_346 = arith.constant 64 : index
        %swap3A_347 = tpu.vector_load %arg11[%swap3A_343, %swap3A_344, %swap3A_345, %swap3A_346] {strides = array<i32>} : memref<2x32x2x128xf32, #tpu.memory_space<vmem>>, vector<16xf32>,
        tpu.vector_store %arg11[%swap3A_343, %swap3A_344, %swap3A_345, %swap3A_346], %gather3A_341 {strides = array<i32>} : memref<2x32x2x128xf32, #tpu.memory_space<vmem>>, vector<16xf32>,
        %get3A_348 = arith.index_cast %rem3A_159 : i32 to index
        %get3A_349 = arith.index_cast %add3A_228 : i32 to index
        %get3A_350 = arith.constant 80 : index
        %get3A_351 = tpu.vector_load %arg10[%get3A_348, %get3A_349, %get3A_350] {strides = array<i32>} : memref<2x32x128xi32, #tpu.memory_space<vmem>>, vector<16xi32>,
        %mul3A_352 = arith.constant 2 : i32
        %mul3A_353 = vector.broadcast %mul3A_352 : i32 to vector<16xi32>
        %mul3A_354 = arith.muli %get3A_351, %mul3A_353 : vector<16xi32>
        %gather3A_355 = tpu.vector_load_idx %arg13[%mul3A_354] : memref<16xf32, #tpu.memory_space<vmem>>[vector<16xi32>], vector<16xf32>,
        %swap3A_356 = arith.constant 0 : i32
        %swap3A_357 = arith.index_cast %rem3A_159 : i32 to index
        %swap3A_358 = arith.index_cast %add3A_228 : i32 to index
        %swap3A_359 = arith.index_cast %swap3A_356 : i32 to index
        %swap3A_360 = arith.constant 80 : index
        %swap3A_361 = tpu.vector_load %arg11[%swap3A_357, %swap3A_358, %swap3A_359, %swap3A_360] {strides = array<i32>} : memref<2x32x2x128xf32, #tpu.memory_space<vmem>>, vector<16xf32>,
        tpu.vector_store %arg11[%swap3A_357, %swap3A_358, %swap3A_359, %swap3A_360], %gather3A_355 {strides = array<i32>} : memref<2x32x2x128xf32, #tpu.memory_space<vmem>>, vector<16xf32>,
        %add3A_362 = arith.constant 1 : i32
        %add3A_363 = vector.broadcast %add3A_362 : i32 to vector<16xi32>
        %add3A_364 = arith.addi %mul3A_354, %add3A_363 : vector<16xi32>
        %gather3A_365 = tpu.vector_load_idx %arg13[%add3A_364] : memref<16xf32, #tpu.memory_space<vmem>>[vector<16xi32>], vector<16xf32>,
        %swap3A_366 = arith.constant 1 : i32
        %swap3A_367 = arith.index_cast %rem3A_159 : i32 to index
        %swap3A_368 = arith.index_cast %add3A_228 : i32 to index
        %swap3A_369 = arith.index_cast %swap3A_366 : i32 to index
        %swap3A_370 = arith.constant 80 : index
        %swap3A_371 = tpu.vector_load %arg11[%swap3A_367, %swap3A_368, %swap3A_369, %swap3A_370] {strides = array<i32>} : memref<2x32x2x128xf32, #tpu.memory_space<vmem>>, vector<16xf32>,
        tpu.vector_store %arg11[%swap3A_367, %swap3A_368, %swap3A_369, %swap3A_370], %gather3A_365 {strides = array<i32>} : memref<2x32x2x128xf32, #tpu.memory_space<vmem>>, vector<16xf32>,
        %get3A_372 = arith.index_cast %rem3A_159 : i32 to index
        %get3A_373 = arith.index_cast %add3A_228 : i32 to index
        %get3A_374 = arith.constant 96 : index
        %get3A_375 = tpu.vector_load %arg10[%get3A_372, %get3A_373, %get3A_374] {strides = array<i32>} : memref<2x32x128xi32, #tpu.memory_space<vmem>>, vector<16xi32>,
        %mul3A_376 = arith.constant 2 : i32
        %mul3A_377 = vector.broadcast %mul3A_376 : i32 to vector<16xi32>
        %mul3A_378 = arith.muli %get3A_375, %mul3A_377 : vector<16xi32>
        %gather3A_379 = tpu.vector_load_idx %arg13[%mul3A_378] : memref<16xf32, #tpu.memory_space<vmem>>[vector<16xi32>], vector<16xf32>,
        %swap3A_380 = arith.constant 0 : i32
        %swap3A_381 = arith.index_cast %rem3A_159 : i32 to index
        %swap3A_382 = arith.index_cast %add3A_228 : i32 to index
        %swap3A_383 = arith.index_cast %swap3A_380 : i32 to index
        %swap3A_384 = arith.constant 96 : index
        %swap3A_385 = tpu.vector_load %arg11[%swap3A_381, %swap3A_382, %swap3A_383, %swap3A_384] {strides = array<i32>} : memref<2x32x2x128xf32, #tpu.memory_space<vmem>>, vector<16xf32>,
        tpu.vector_store %arg11[%swap3A_381, %swap3A_382, %swap3A_383, %swap3A_384], %gather3A_379 {strides = array<i32>} : memref<2x32x2x128xf32, #tpu.memory_space<vmem>>, vector<16xf32>,
        %add3A_386 = arith.constant 1 : i32
        %add3A_387 = vector.broadcast %add3A_386 : i32 to vector<16xi32>
        %add3A_388 = arith.addi %mul3A_378, %add3A_387 : vector<16xi32>
        %gather3A_389 = tpu.vector_load_idx %arg13[%add3A_388] : memref<16xf32, #tpu.memory_space<vmem>>[vector<16xi32>], vector<16xf32>,
        %swap3A_390 = arith.constant 1 : i32
        %swap3A_391 = arith.index_cast %rem3A_159 : i32 to index
        %swap3A_392 = arith.index_cast %add3A_228 : i32 to index
        %swap3A_393 = arith.index_cast %swap3A_390 : i32 to index
        %swap3A_394 = arith.constant 96 : index
        %swap3A_395 = tpu.vector_load %arg11[%swap3A_391, %swap3A_392, %swap3A_393, %swap3A_394] {strides = array<i32>} : memref<2x32x2x128xf32, #tpu.memory_space<vmem>>, vector<16xf32>,
        tpu.vector_store %arg11[%swap3A_391, %swap3A_392, %swap3A_393, %swap3A_394], %gather3A_389 {strides = array<i32>} : memref<2x32x2x128xf32, #tpu.memory_space<vmem>>, vector<16xf32>,
        %get3A_396 = arith.index_cast %rem3A_159 : i32 to index
        %get3A_397 = arith.index_cast %add3A_228 : i32 to index
        %get3A_398 = arith.constant 112 : index
        %get3A_399 = tpu.vector_load %arg10[%get3A_396, %get3A_397, %get3A_398] {strides = array<i32>} : memref<2x32x128xi32, #tpu.memory_space<vmem>>, vector<16xi32>,
        %mul3A_400 = arith.constant 2 : i32
        %mul3A_401 = vector.broadcast %mul3A_400 : i32 to vector<16xi32>
        %mul3A_402 = arith.muli %get3A_399, %mul3A_401 : vector<16xi32>
        %gather3A_403 = tpu.vector_load_idx %arg13[%mul3A_402] : memref<16xf32, #tpu.memory_space<vmem>>[vector<16xi32>], vector<16xf32>,
        %swap3A_404 = arith.constant 0 : i32
        %swap3A_405 = arith.index_cast %rem3A_159 : i32 to index
        %swap3A_406 = arith.index_cast %add3A_228 : i32 to index
        %swap3A_407 = arith.index_cast %swap3A_404 : i32 to index
        %swap3A_408 = arith.constant 112 : index
        %swap3A_409 = tpu.vector_load %arg11[%swap3A_405, %swap3A_406, %swap3A_407, %swap3A_408] {strides = array<i32>} : memref<2x32x2x128xf32, #tpu.memory_space<vmem>>, vector<16xf32>,
        tpu.vector_store %arg11[%swap3A_405, %swap3A_406, %swap3A_407, %swap3A_408], %gather3A_403 {strides = array<i32>} : memref<2x32x2x128xf32, #tpu.memory_space<vmem>>, vector<16xf32>,
        %add3A_410 = arith.constant 1 : i32
        %add3A_411 = vector.broadcast %add3A_410 : i32 to vector<16xi32>
        %add3A_412 = arith.addi %mul3A_402, %add3A_411 : vector<16xi32>
        %gather3A_413 = tpu.vector_load_idx %arg13[%add3A_412] : memref<16xf32, #tpu.memory_space<vmem>>[vector<16xi32>], vector<16xf32>,
        %swap3A_414 = arith.constant 1 : i32
        %swap3A_415 = arith.index_cast %rem3A_159 : i32 to index
        %swap3A_416 = arith.index_cast %add3A_228 : i32 to index
        %swap3A_417 = arith.index_cast %swap3A_414 : i32 to index
        %swap3A_418 = arith.constant 112 : index
        %swap3A_419 = tpu.vector_load %arg11[%swap3A_415, %swap3A_416, %swap3A_417, %swap3A_418] {strides = array<i32>} : memref<2x32x2x128xf32, #tpu.memory_space<vmem>>, vector<16xf32>,
        tpu.vector_store %arg11[%swap3A_415, %swap3A_416, %swap3A_417, %swap3A_418], %gather3A_413 {strides = array<i32>} : memref<2x32x2x128xf32, #tpu.memory_space<vmem>>, vector<16xf32>,
      }
      %scan3A_198 = arith.constant 32 : i32
      %shift_right_arithmetic3A_199 = arith.constant 2 : i32
      %shift_right_arithmetic3A_200 = arith.shrsi %add3A_157, %shift_right_arithmetic3A_199 : i32
      %and3A_201 = arith.constant 3 : i32
      %and3A_202 = arith.andi %add3A_157, %and3A_201 : i32
      %mul3A_203 = arith.constant 128 : i32
      %mul3A_204 = arith.muli %shift_right_arithmetic3A_200, %mul3A_203 : i32
      %mul3A_205 = arith.constant 32 : i32
      %mul3A_206 = arith.muli %and3A_202, %mul3A_205 : i32
      %add3A_207 = arith.addi %mul3A_204, %mul3A_206 : i32
      %dma_start3A_208 = arith.constant 0 : i32
      %dma_start3A_209 = arith.constant 0 : i32
      %dma_start3A_210 = arith.constant 0 : i32
      %dma_start3A_211 = tpu.memref_slice %arg11[%rem3A_159, %dma_start3A_208, %dma_start3A_209, %dma_start3A_210] : memref<2x32x2x128xf32, #tpu.memory_space<vmem>> -> memref<1x32x2x128xf32, #tpu.memory_space<vmem>>
      %dma_start3A_212 = tpu.memref_squeeze %dma_start3A_211 : memref<1x32x2x128xf32, #tpu.memory_space<vmem>> -> memref<32x2x128xf32, #tpu.memory_space<vmem>>
      %dma_start3A_213 = arith.constant 0 : i32
      %dma_start3A_214 = arith.constant 0 : i32
      %dma_start3A_215 = tpu.memref_slice %arg7[%add3A_207, %dma_start3A_213, %dma_start3A_214] : memref<25600x2x128xf32, #tpu.memory_space<hbm>> -> memref<32x2x128xf32, #tpu.memory_space<hbm>>
      %dma_start3A_216 = arith.constant 0 : i32
      %dma_start3A_217 = arith.constant 0 : i32
      %dma_start3A_218 = tpu.memref_slice %arg7[%add3A_207, %dma_start3A_216, %dma_start3A_217] : memref<25600x2x128xf32, #tpu.memory_space<hbm>> -> memref<32x2x128xf32, #tpu.memory_space<hbm>>
      %dma_start3A_219 = arith.constant 0 : i32
      %dma_start3A_220 = arith.constant 0 : i32
      %dma_start3A_221 = arith.constant 0 : i32
      %dma_start3A_222 = tpu.memref_slice %arg11[%rem3A_159, %dma_start3A_219, %dma_start3A_220, %dma_start3A_221] : memref<2x32x2x128xf32, #tpu.memory_space<vmem>> -> memref<1x32x2x128xf32, #tpu.memory_space<vmem>>
      %dma_start3A_223 = tpu.memref_squeeze %dma_start3A_222 : memref<1x32x2x128xf32, #tpu.memory_space<vmem>> -> memref<32x2x128xf32, #tpu.memory_space<vmem>>
      tpu.enqueue_dma source(%dma_start3A_223 : memref<32x2x128xf32, #tpu.memory_space<vmem>>) target(%dma_start3A_218 : memref<32x2x128xf32, #tpu.memory_space<hbm>>) target_semaphore(%arg16 : memref<!tpu.dma_semaphore, #tpu.memory_space<semaphore_mem>>)
    }
    %scan3A_119 = arith.constant 25 : i32
    %rem3A_120 = arith.constant 24 : i32
    %rem3A_121 = arith.constant 2 : i32
    %rem3A_122 = arith.remsi %rem3A_120, %rem3A_121 : i32
    %add3A_123 = arith.constant 25 : i32
    %add3A_124 = arith.addi %mul3A_90, %add3A_123 : i32
    %sub3A_125 = arith.constant 1 : i32
    %sub3A_126 = arith.subi %add3A_124, %sub3A_125 : i32
    %shift_right_arithmetic3A_127 = arith.constant 2 : i32
    %shift_right_arithmetic3A_128 = arith.shrsi %sub3A_126, %shift_right_arithmetic3A_127 : i32
    %and3A_129 = arith.constant 3 : i32
    %and3A_130 = arith.andi %sub3A_126, %and3A_129 : i32
    %mul3A_131 = arith.constant 128 : i32
    %mul3A_132 = arith.muli %shift_right_arithmetic3A_128, %mul3A_131 : i32
    %mul3A_133 = arith.constant 32 : i32
    %mul3A_134 = arith.muli %and3A_130, %mul3A_133 : i32
    %add3A_135 = arith.addi %mul3A_132, %mul3A_134 : i32
    %dma_wait3A_136 = arith.constant 0 : i32
    %dma_wait3A_137 = arith.constant 0 : i32
    %dma_wait3A_138 = arith.constant 0 : i32
    %dma_wait3A_139 = tpu.memref_slice %arg11[%rem3A_122, %dma_wait3A_136, %dma_wait3A_137, %dma_wait3A_138] : memref<2x32x2x128xf32, #tpu.memory_space<vmem>> -> memref<1x32x2x128xf32, #tpu.memory_space<vmem>>
    %dma_wait3A_140 = tpu.memref_squeeze %dma_wait3A_139 : memref<1x32x2x128xf32, #tpu.memory_space<vmem>> -> memref<32x2x128xf32, #tpu.memory_space<vmem>>
    %dma_wait3A_141 = arith.constant 0 : i32
    %dma_wait3A_142 = arith.constant 0 : i32
    %dma_wait3A_143 = tpu.memref_slice %arg7[%add3A_135, %dma_wait3A_141, %dma_wait3A_142] : memref<25600x2x128xf32, #tpu.memory_space<hbm>> -> memref<32x2x128xf32, #tpu.memory_space<hbm>>
    %dma_wait3A_144 = arith.constant 0 : i32
    %dma_wait3A_145 = arith.constant 0 : i32
    %dma_wait3A_146 = tpu.memref_slice %arg7[%add3A_135, %dma_wait3A_144, %dma_wait3A_145] : memref<25600x2x128xf32, #tpu.memory_space<hbm>> -> memref<32x2x128xf32, #tpu.memory_space<hbm>>
    %dma_wait3A_147 = arith.constant 0 : i32
    %dma_wait3A_148 = arith.constant 0 : i32
    %dma_wait3A_149 = arith.constant 0 : i32
    %dma_wait3A_150 = tpu.memref_slice %arg11[%rem3A_122, %dma_wait3A_147, %dma_wait3A_148, %dma_wait3A_149] : memref<2x32x2x128xf32, #tpu.memory_space<vmem>> -> memref<1x32x2x128xf32, #tpu.memory_space<vmem>>
    %dma_wait3A_151 = tpu.memref_squeeze %dma_wait3A_150 : memref<1x32x2x128xf32, #tpu.memory_space<vmem>> -> memref<32x2x128xf32, #tpu.memory_space<vmem>>
    tpu.wait_dma2 semaphore(%arg16 : memref<!tpu.dma_semaphore, #tpu.memory_space<semaphore_mem>>) src(%dma_wait3A_151 : memref<32x2x128xf32, #tpu.memory_space<vmem>>) dst(%dma_wait3A_146 : memref<32x2x128xf32, #tpu.memory_space<hbm>>)
    return
  }
}

</mosaic_0001>

<sc_bundles>
// kernel: _run.3.cloned.1.call-start
scs
__scs_entry_jumppad:
0x0: {  	(pc) =	sbr.rel $0x88, $3  }
0x1: {  	(tag) =	ssettag $0x0;
	lr =	simm.s32 $0x1  }
0x2: {  	[smem:$0x3F9D] =	sst lr;
	_ =	strace $0xD0000000  }
0x3: {  	_ = 	snop  }
0x4: {  	_ = 	snop  }
0x5: {  	_ = 	snop  }
0x6: {  	_ = 	snop  }
0x7: {  	_ = 	snop  }
__scs_overlays_trampoline_lowered:
0x8: {  	[smem:$0x3FAC] =	sst s0  }
0x9: {  	[smem:$0x3FAD] =	sst s1  }
0xa: {  	[smem:$0x3FAE] =	sst s2  }
0xb: {  	[smem:$0x3FAF] =	sst s3  }
0xc: {  	[smem:$0x3FB0] =	sst s4  }
0xd: {  	[smem:$0x3FB1] =	sst s5  }
0xe: {  	[smem:$0x3FB2] =	sst s6  }
0xf: {  	[smem:$0x3FB3] =	sst s7  }
0x10: {  	[smem:$0x3FB4] =	sst s8  }
0x11: {  	[smem:$0x3FB5] =	sst s9;
	s0 =	simm.s32 @!p0 $0x0  }
0x12: {  	s1 =	sld [smem:$0x3F9B];
	s0 =	simm.s32 @p0 $0x1  }
0x13: {  	[smem:$0x3FB6] =	sst s0;
	s0 =	simm.s32 @!p1 $0x0  }
0x14: {  	s2 =	sld [smem:$0x3F9A];
	s0 =	simm.s32 @p1 $0x1  }
0x15: {  	[smem:$0x3FB7] =	sst s0;
	s0 =	simm.s32 @!p2 $0x0  }
0x16: {  	s3 =	sld [smem:$0x3FDB];
	s0 =	simm.s32 @p2 $0x1  }
0x17: {  	s4 =	simm.s32 $0x1BF5;
	[smem:$0x3FB9] =	sst s0  }
0x18: {  	s0 =	sld [smem:$0x3F9C];
	_ =	swait.ge [sflag:s4], $0x0  }
0x19: {  	s7 =	sld [smem:$0x3F9D]  }
0x1a: {  	s8 =	sadd.s32 $0xFFFFE003, lr  }
0x1b: {  	s9 =	sadd.s32 $0xFFFFFEF7, lr;
	s5 =	simm.s32 $0xFFFFFFFF;
	p2 =	slt.u32 s8, $0xFFFFF086  }
0x1c: {  	p1 =	slt.u32 s9, $0xF7A;
	s5 =	simm.s32 @!p2 $0x0  }
0x1d: {  	s5 =	simm.s32 @p1 $0x1;
	p0 =	seq.s32 s7, s2  }
0x1e: {  	s7 =	smul.u32 @!p0 $0xF7A, s2;
	p2 =	seq.s32 @!p0 s5, $0x0  }
0x1f: {  	s9 =	smul.u32 $0xF7A, s1;
	s8 =	simm.s32 @!p0 $0x1BF5;
	p2 =	por !p2, p0  }
0x20: {  	[sflag:s8] =	ssyncset.s32 @!p0 $0xFFFFF086;
	s6 =	sadd.s32 @!p0 s3, s7;
	s7 =	simm.s32 @!p0 $0x108  }
0x21: {  	s3 =	sadd.s32 s3, s9;
	s6 =	sadd.s32 @!p0 $0x88, s6;
	s7 =	simm.s32 @p2 $0x1082  }
0x22: {  	[simem:s7], [sflag:s8] =	dma.local @!p0 [hbm:s6], $0xF7A  }
0x23: {  	s9 =	sor.u32 $0xD0000000, s2;
	s6 =	simm.s32 $0x108;
	_ =	swait.ge @!p0 [sflag:s8], $0x0  }
0x24: {  	s3 =	sadd.s32 $0x88, s3;
	s6 =	simm.s32 @!p1 $0x1082;
	[sflag:s4] =	ssyncset.s32 $0xFFFFF086  }
0x25: {  	[simem:s6], [sflag:s4] =	dma.local [hbm:s3], $0xF7A  }
0x26: {  	[smem:$0x3F9D] =	sst s1;
	(tag) =	ssettag s2;
	_ =	strace s9  }
0x27: {  	s1 =	sld [smem:$0x3FAD]  }
0x28: {  	s2 =	sld [smem:$0x3FAE]  }
0x29: {  	s4 =	sld [smem:$0x3FB0]  }
0x2a: {  	p0 =	seq.s32 s5, $0x0;
	s5 =	sld [smem:$0x3FB1]  }
0x2b: {  	s6 =	sld [smem:$0x3FB2]  }
0x2c: {  	s7 =	sld [smem:$0x3FB3]  }
0x2d: {  	s3 =	simm.s32 $0x108;
	s8 =	sld [smem:$0x3FB4]  }
0x2e: {  	s3 =	simm.s32 @!p0 $0x1082;
	s9 =	sld [smem:$0x3FB5]  }
0x2f: {  	lr =	sadd.s32 s0, s3;
	s0 =	sld [smem:$0x3FAC]  }
0x30: {  	s3 =	sld [smem:$0x3FAF]  }
0x31: {  	[smem:$0x3FB8] =	sst s10  }
0x32: {  	s10 =	sld [smem:$0x3FB6];
	_ =	sdelay $0x3  }
0x33: {  	p0 =	seq.s32 s10, $0x1;
	s10 =	sld [smem:$0x3FB8];
	_ =	sdelay $0x3  }
0x34: {  	[smem:$0x3FB8] =	sst s10  }
0x35: {  	s10 =	sld [smem:$0x3FB7];
	_ =	sdelay $0x3  }
0x36: {  	p1 =	seq.s32 s10, $0x1;
	s10 =	sld [smem:$0x3FB8];
	_ =	sdelay $0x3  }
0x37: {  	[smem:$0x3FB8] =	sst s10  }
0x38: {  	s10 =	sld [smem:$0x3FB9]  }
0x39: {  	_ = 	snop;
	(pc) =	sbr.ind lr, $3  }
0x3a: {  	_ = 	snop  }
0x3b: {  	_ = 	snop  }
0x3c: {  	p2 =	seq.s32 s10, $0x1;
	s10 =	sld [smem:$0x3FB8]  }
0x3d: {  	_ =	shalt  }
0x3e: {  	_ =	shalt  }
0x3f: {  	_ =	shalt  }
0x40: {  	_ =	shalt  }
0x41: {  	_ =	shalt  }
0x42: {  	_ =	shalt  }
0x43: {  	_ =	shalt  }
0x44: {  	_ =	shalt  }
0x45: {  	_ =	shalt  }
0x46: {  	_ =	shalt  }
0x47: {  	_ =	shalt  }
0x48: {  	_ =	shalt  }
0x49: {  	_ =	shalt  }
0x4a: {  	_ =	shalt  }
0x4b: {  	_ =	shalt  }
0x4c: {  	_ =	shalt  }
0x4d: {  	_ =	shalt  }
0x4e: {  	_ =	shalt  }
0x4f: {  	_ =	shalt  }
0x50: {  	_ =	shalt  }
0x51: {  	_ =	shalt  }
0x52: {  	_ =	shalt  }
0x53: {  	_ =	shalt  }
0x54: {  	_ =	shalt  }
0x55: {  	_ =	shalt  }
0x56: {  	_ =	shalt  }
0x57: {  	_ =	shalt  }
0x58: {  	_ =	shalt  }
0x59: {  	_ =	shalt  }
0x5a: {  	_ =	shalt  }
0x5b: {  	_ =	shalt  }
0x5c: {  	_ =	shalt  }
0x5d: {  	_ =	shalt  }
0x5e: {  	_ =	shalt  }
0x5f: {  	_ =	shalt  }
0x60: {  	_ =	shalt  }
0x61: {  	_ =	shalt  }
0x62: {  	_ =	shalt  }
0x63: {  	_ =	shalt  }
0x64: {  	_ =	shalt  }
0x65: {  	_ =	shalt  }
0x66: {  	_ =	shalt  }
0x67: {  	_ =	shalt  }
0x68: {  	_ =	shalt  }
0x69: {  	_ =	shalt  }
0x6a: {  	_ =	shalt  }
0x6b: {  	_ =	shalt  }
0x6c: {  	_ =	shalt  }
0x6d: {  	_ =	shalt  }
0x6e: {  	_ =	shalt  }
0x6f: {  	_ =	shalt  }
0x70: {  	_ =	shalt  }
0x71: {  	_ =	shalt  }
0x72: {  	_ =	shalt  }
0x73: {  	_ =	shalt  }
0x74: {  	_ =	shalt  }
0x75: {  	_ =	shalt  }
0x76: {  	_ =	shalt  }
0x77: {  	_ =	shalt  }
0x78: {  	_ =	shalt  }
0x79: {  	_ =	shalt  }
0x7a: {  	_ =	shalt  }
0x7b: {  	_ =	shalt  }
0x7c: {  	_ =	shalt  }
0x7d: {  	_ =	shalt  }
0x7e: {  	_ =	shalt  }
0x7f: {  	_ =	shalt  }
0x80: {  	_ =	shalt  }
0x81: {  	_ =	shalt  }
0x82: {  	_ =	shalt  }
0x83: {  	_ =	shalt  }
0x84: {  	_ =	shalt  }
0x85: {  	_ =	shalt  }
0x86: {  	_ =	shalt  }
0x87: {  	_ =	shalt  }
.Lfunc_end0:
.L_simem_size_0:
called_computation.1_lowered:
.L_overlay_start_0:
0x88: {  	s2 =	sld [smem:$0x3FD9]  }
0x89: {  	s3 =	sld [smem:$0x3FFE];
	_ =	sdelay $0x1  }
0x8a: {  	s1 =	srdreg.scid  }
0x8b: {  	s0 =	sand.u32 $0x1, s1  }
0x8c: {  	s14 =	sshll.u32 s0, $0xA;
	s2 =	sadd.s32 s3, s2  }
0x8d: {  	s2 =	sadd.s32 s2, s14  }
0x8e: {  	[smem:$0x3FC4] =	sst s2  }
0x8f: {  	_ = 	snop  }
0x90: {  	s2 =	sld [smem:$0x3FD0]  }
0x91: {  	s15 =	sld [smem:$0x3FC9]  }
0x92: {  	s4 =	sld [smem:$0x3FC8]  }
0x93: {  	s6 =	simm.s32 $0xA;
	s7 =	simm.s32 $0x10;
	s5 =	sld [smem:$0x3FC6]  }
0x94: {  	[smem:s7], [sflag:s6] =	dma.local [hbm:s2], $0x1  }
0x95: {  	_ =	swait.eq [sflag:s6], $0x1  }
0x96: {  	[sflag:s6] =	ssyncset.done $0x0  }
0x97: {  	s16 =	sld [smem:$0x10];
	[sflag:s6] =	ssyncadd.s32 $0xFFFFFFFF  }
0x98: {  	s17 =	sld [smem:$0x11];
	(tm) =	ssettm $0x1  }
0x99: {  	s18 =	sld [smem:$0x3FFB];
	_ =	sdelay $0x3  }
0x9a: {  	_ =	strace s18  }
0x9b: {  	s7 =	sld [smem:$0x3FFC];
	_ =	sdelay $0x3  }
0x9c: {  	_ =	strace s7  }
0x9d: {  	s7 =	sld [smem:$0x3FFD];
	_ =	sdelay $0x3  }
0x9e: {  	_ =	strace s7  }
0x9f: {  	_ =	strace $0x8FFFFFFF  }
0xa0: {  	s19 =	sld [smem:$0x3FDB];
	_ =	sdelay $0x1  }
0xa1: {  	s8 =	simm.s32 $_scs_section_size  }
0xa2: {  	s9 =	simm.s32 $_size__tile_overlayer_lowered;
	s10 =	simm.s32 $_tile_overlayer_lowered  }
0xa3: {  	s22 =	simm.s32 $0x1BFF;
	s21 =	sshll.u32 s10, $0x1;
	s7 =	sadd.s32 s8, s19  }
0xa4: {  	s11 =	simm.s32 $0x0;
	s20 =	sshll.u32 s9, $0x1;
	s9 =	sadd.s32 s21, s7  }
0xa5: {  	[timem:s11], [sflag:s22] =	dma.local [hbm:s9], s20  }
0xa6: {  	_ =	swait.ge [sflag:s22], s20  }
0xa7: {  	s8 =	ssub.s32 $0x0, s20;
	[sflag:s22] =	ssyncset.done $0x0  }
0xa8: {  	[sflag:s22] =	ssyncadd.s32 s8;
	_ =	sdelay $0x1  }
0xa9: {  	s23 =	simm.s32 $0x1B8B  }
0xaa: {  	_ =	swait.ge [sflag:s23], $0x1  }
0xab: {  	[sflag:s23] =	ssyncset.done $0x0  }
0xac: {  	s25 =	simm.s32 $0x1B8E;
	s24 =	sld [smem:$0x3FFE];
	[sflag:s23] =	ssyncadd.s32 $0xFFFFFFFF  }
0xad: {  	s26 =	simm.s32 $execute0_lowered;
	[smem:$0x3FD2] =	sst s25  }
0xae: {  	s9 =	sshll.u32 s26, $0x1;
	_ =	strace $0x80000046;
	[dreg:$0x1] =	wrdreg $0xFFFFFFFF  }
0xaf: {  	s28 =	simm.s32 $_size_execute0_lowered;
	s7 =	sadd.s32 s7, s9;
	[dreg:$0x0] =	wrdreg $0x0  }
0xb0: {  	s9 =	sshll.u32 s28, $0x1;
	[dreg:$0x2] =	wrdreg s7  }
0xb1: {  	[dreg:$0x3] =	wrdreg s9  }
0xb2: {  	[dreg:$0x4] =	wrdreg $0xC0  }
0xb3: {  	_ =	task [dreg:s11], $0x5FFFF  }
0xb4: {  	[dreg:$0x1] =	wrdreg $0xFFFFFFFF  }
0xb5: {  	[dreg:$0x0] =	wrdreg $0x60  }
0xb6: {  	[dreg:$0x2] =	wrdreg s15  }
0xb7: {  	[dreg:$0x3] =	wrdreg s4  }
0xb8: {  	[dreg:$0x4] =	wrdreg s24  }
0xb9: {  	[dreg:$0x5] =	wrdreg s5  }
0xba: {  	[dreg:$0x6] =	wrdreg s16  }
0xbb: {  	[dreg:$0x7] =	wrdreg s17  }
0xbc: {  	[dreg:$0x8] =	wrdreg $0x9  }
0xbd: {  	_ =	task.clear_ibuf [dreg:s11], $0x9FFFF;
	_ =	strace $0x90000046  }
0xbe: {  	s29 =	simm.s32 $0x9;
	_ =	strace $0x80000048  }
0xbf: {  	_ =	swait.ge [sflag:s29], $0x1  }
0xc0: {  	[sflag:s29] =	ssyncadd.s32 $0xFFFFFFFF  }
0xc1: {  	_ =	strace $0x90000048  }
0xc2: {  	_ =	sfence  }
0xc3: {  	s30 =	sld [smem:$0x0];
	_ =	sdelay $0x2  }
0xc4: {  	s31 =	sshll.u32 s1, $0xD;
	s1 =	sshrl.u32 s1, $0x2  }
0xc5: {  	s3 =	sand.u32 $0x4000, s31;
	s1 =	sadd.s32 s1, s30  }
0xc6: {  	s0 =	sor.u32 s3, s0;
	s1 =	sshll.u32 s1, $0x11  }
0xc7: {  	s0 =	sor.u32 s1, s0  }
0xc8: {  	s0 =	sadd.s32 $0x8F2B, s0  }
0xc9: {  	[sflag:s0] =	ssyncadd.remote.s32 $0x1  }
0xca: {  	_ =	sfence.sel $0xFFFF  }
0xcb: {  	[dreg:$0x0] =	wrdreg $0xFFFFFFFF;
	(pc) =	sbr.abs _section_cstart, $3  }
0xcc: {  	[dreg:$0x1] =	wrdreg $0xFFFFFFFF  }
0xcd: {  	_ =	task.clear_ibuf [dreg:s11], $0x2FFFF;
	_ =	strace $0x9FFFFFFF  }
0xce: {  	(tm) =	ssettm $0x7FFFFFFF  }
0xcf: {  	_ =	shalt  }
tec
execute0_lowered:
.L_overlay_start_1:
0x0: {  	(tag) =	ssettag $0x1  }
0x1: {  	s1 =	rddreg [dreg:$0x0]  }
0x2: {  	s2 =	rddreg [dreg:$0x1]  }
0x3: {  	s0 =	rddreg [dreg:$0x2]  }
0x4: {  	s5 =	rddreg [dreg:$0x4]  }
0x5: {  	s6 =	rddreg [dreg:$0x5];
	s3 =	srdreg.scid  }
0x6: {  	s4 =	stileid.u32;
	s7 =	simm.s32 $0x0;
	s16 =	simm.s32 $0x4  }
0x7: {  	s17 =	simm.s32 $0x80;
	s18 =	simm.s32 $0x400;
	s21 =	simm.s32 $0x4400  }
0x8: {  	s22 =	simm.s32 $0x180;
	s23 =	simm.s32 $0x6400;
	s24 =	simm.s32 $0x1  }
0x9: {  	s25 =	simm.s32 $0x2;
	s26 =	simm.s32 $0x10400;
	s28 =	simm.s32 $0x3  }
0xa: {  	s29 =	simm.s32 $0x16410;
	s3 =	sand.u32 $0x1, s3;
	s4 =	sshll.u32 s4, $0x1  }
0xb: {  	s30 =	simm.s32 $0x0;
	[smem:$0x7FF] =	sst s7;
	s4 =	sor.u32 s3, s4  }
0xc: {  	s8 =	sadd.s32 $0xF43000, s0;
	_ =	strace $0x80000047;
	s31 =	smul.u32 $0x19000, s4  }
0xd: {  	s3 =	ssub.s32 $0x2, s3;
	s9 =	sshll.u32 s4, $0xF;
	s10 =	smul.u32 $0x320, s4  }
0xe: {  	s11 =	sshrl.u32 s3, $0x1;
	s9 =	sand.u32 $0x18000, s9;
	s0 =	sand.u32 $0x3E0000, s31  }
0xf: {  	s12 =	smul.u32 $0x680, s4;
	s10 =	sand.u32 $0x380, s10;
	s0 =	sor.u32 s9, s0  }
0x10: {  	s3 =	ssub.s32 s3, s11;
	s11 =	smul.u32 $0xD0000, s4;
	s0 =	sor.u32 s10, s0  }
0x11: {  	s14 =	smax.u32 s3, $0x1;
	s9 =	smul.u32 $0x3400, s4;
	s0 =	sshrl.u32 s0, $0x3  }
0x12: {  	s10 =	sadd.s32 s1, s12;
	s12 =	smul.u32 $0x19, s4;
	s13 =	sadd.s32 s2, s0  }
.LBB2_1:
0x13: {  	s0 =	rddreg [dreg:$0x3];
	s3 =	simm.s32 $0x16400  }
0x14: {  	[tilespmem:s3], [sflag:$0x4] =	stream.linear.gather [hbm4b:s0+s7], $0x10, $0x38;
	[tilespmem:$0x16420] =	vst v63  }
0x15: {  	_ =	swait.ge [sflag:s16], $0x10  }
0x16: {  	[sflag:s16] =	ssyncset.done $0x0  }
0x17: {  	[sflag:s16] =	ssyncadd.s32 $0xFFFFFFF0  }
0x18: {  	v0 =	vld [tilespmem:$0x16400];
	_ =	sdelay $0x4  }
0x19: {  	v1 =	vand.u32 $0x7FFFFFFF, v0  }
0x1a: {  	v1 =	vmul.f32 $-2.000000000e+00, v1;
	_ =	sdelay $0x1  }
0x1b: {  	v1 =	vmul.f32 $1.442695020e+00, v1;
	_ =	sdelay $0x1  }
0x1c: {  	(erf) = vpow2.f32 v1;
	_ =	sdelay $0x8  }
0x1d: {  	v1 =	vpop (erf)  }
0x1e: {  	v2 =	vadd.f32 $1.000000000e+00, v1;
	_ =	sdelay $0x1  }
0x1f: {  	(erf) = vrcp.f32 v2;
	_ =	sdelay $0x7  }
0x20: {  	v1 =	vsub.f32 $1.000000000e+00, v1  }
0x21: {  	v2 =	vpop (erf)  }
0x22: {  	v1 =	vmul.f32 v2, v1  }
0x23: {  	v0 =	vand.u32 $0x80000000, v0  }
0x24: {  	v0 =	vor.u32 v1, v0  }
0x25: {  	[tilespmem:$0x16410] =	vst v0  }
0x26: {  	[tilespmem:s7], [sflag:$0x4] =	stream.linear.gather [hbm4b:s10+s7], $0x200, $0x38;
	[tilespmem:$0x16420] =	vst v63  }
0x27: {  	_ =	swait.ge [sflag:s16], $0x200  }
0x28: {  	[sflag:s16] =	ssyncset.done $0x0  }
0x29: {  	[sflag:s16] =	ssyncadd.s32 $0xFFFFFE00  }
0x2a: {  	[tilespmem:s18], [sflag:$0x1] =	stream.indirect.gather [hbm4b:s8+s17], $0x40, s7, s17, $0xb8;
	[tilespmem:$0x16420] =	vst v63  }
0x2b: {  	s19 =	simm.s32 $0x2400  }
0x2c: {  	[tilespmem:s19], [sflag:$0x1] =	stream.indirect.gather [hbm4b:s8+s17], $0x40, s17, s17, $0xb8;
	[tilespmem:$0x16420] =	vst v63  }
0x2d: {  	s20 =	simm.s32 $0x100  }
0x2e: {  	[tilespmem:s21], [sflag:$0x1] =	stream.indirect.gather [hbm4b:s8+s17], $0x40, s20, s17, $0xb8;
	[tilespmem:$0x16420] =	vst v63  }
0x2f: {  	s31 =	simm.s32 $0x0  }
0x30: {  	[tilespmem:s23], [sflag:$0x1] =	stream.indirect.gather [hbm4b:s8+s17], $0x40, s22, s17, $0xb8;
	[tilespmem:$0x16420] =	vst v63  }
.LBB2_2:
0x31: {  	p0 =	seq.s32 s31, $0x0  }
0x32: {  	p1 =	seq.s32 @!p0 s31, $0x19  }
0x33: {  	p1 =	por p0, !p1  }
.Ltmp0:
0x34: {  	_ = 	snop;
	(pc) =	sbr.rel @!p1 .LBB2_4-.Ltmp0, $4  }
0x35: {  	s0 =	simm.s32 @!p0 $0x2  }
0x36: {  	_ =	swait.ge @!p0 [sflag:s0], $0x8000  }
0x37: {  	[sflag:s0] =	ssyncset.done @!p0 $0x0  }
0x38: {  	s3 =	sand.u32 $0x1, s31;
	[sflag:s0] =	ssyncadd.s32 @!p0 $0xFFFF8000;
	s0 =	simm.s32 @!p0 $0x1A  }
0x39: {  	s0 =	sadd.s32 @!p0 $0x1, s31  }
0x3a: {  	s0 =	simm.s32 @p0 $0x1  }
0x3b: {  	s4 =	sshll.u32 s0, $0x9  }
0x3c: {  	s4 =	sadd.s32 s9, s4  }
0x3d: {  	s15 =	sxor.u32 $0x1, s3;
	s4 =	sshrl.u32 s4, $0x3  }
0x3e: {  	s19 =	sshll.u32 s15, $0x9;
	s4 =	sadd.s32 s1, s4  }
0x3f: {  	[tilespmem:s19], [sflag:$0x4] =	stream.linear.gather [hbm4b:s4+s7], $0x200, $0x38;
	[tilespmem:$0x16420] =	vst v63  }
0x40: {  	_ =	swait.ge [sflag:s16], $0x200  }
0x41: {  	s4 =	sshll.u32 s15, $0xF;
	[sflag:s16] =	ssyncset.done $0x0  }
0x42: {  	s15 =	sor.u32 $0x400, s4;
	[sflag:s16] =	ssyncadd.s32 $0xFFFFFE00  }
0x43: {  	[tilespmem:s15], [sflag:$0x1] =	stream.indirect.gather [hbm4b:s8+s17], $0x40, s19, s17, $0xb8;
	[tilespmem:$0x16420] =	vst v63  }
0x44: {  	s20 =	sor.u32 $0x80, s19;
	s15 =	sor.u32 $0x2400, s4  }
0x45: {  	[tilespmem:s15], [sflag:$0x1] =	stream.indirect.gather [hbm4b:s8+s17], $0x40, s20, s17, $0xb8;
	[tilespmem:$0x16420] =	vst v63  }
0x46: {  	s15 =	sor.u32 $0x4400, s4;
	s20 =	sor.u32 $0x100, s19  }
0x47: {  	[tilespmem:s15], [sflag:$0x1] =	stream.indirect.gather [hbm4b:s8+s17], $0x40, s20, s17, $0xb8;
	[tilespmem:$0x16420] =	vst v63  }
0x48: {  	s4 =	sor.u32 $0x6400, s4;
	s20 =	sor.u32 $0x180, s19  }
0x49: {  	[tilespmem:s4], [sflag:$0x1] =	stream.indirect.gather [hbm4b:s8+s17], $0x40, s20, s17, $0xb8;
	[tilespmem:$0x16420] =	vst v63  }
.LBB2_4:
0x4a: {  	_ =	swait.ge [sflag:s24], $0x2000  }
0x4b: {  	[sflag:s24] =	ssyncset.done $0x0  }
0x4c: {  	[sflag:s24] =	ssyncadd.s32 $0xFFFFE000  }
0x4d: {  	_ =	swait.ge [sflag:s24], $0x2000  }
0x4e: {  	[sflag:s24] =	ssyncset.done $0x0  }
0x4f: {  	[sflag:s24] =	ssyncadd.s32 $0xFFFFE000  }
0x50: {  	_ =	swait.ge [sflag:s24], $0x2000  }
0x51: {  	[sflag:s24] =	ssyncset.done $0x0  }
0x52: {  	[sflag:s24] =	ssyncadd.s32 $0xFFFFE000  }
0x53: {  	_ =	swait.ge [sflag:s24], $0x2000  }
0x54: {  	s3 =	sshll.u32 s3, $0xF;
	[sflag:s24] =	ssyncset.done $0x0  }
0x55: {  	s4 =	sor.u32 $0x500, s3;
	[sflag:s24] =	ssyncadd.s32 $0xFFFFE000  }
0x56: {  	v2 =	vld [tilespmem:s4+$0xFFFFFF00]  }
0x57: {  	v3 =	vld [tilespmem:s4+$0xFFFFFF10]  }
0x58: {  	v10 =	vld [tilespmem:s4+$0xFFFFFF20];
	_ =	sdelay $0x2  }
0x59: {  	v0 =	vand.u32 $0x7FFFFFFF, v2  }
0x5a: {  	v1 =	vand.u32 $0x7FFFFFFF, v3;
	v0 =	vmul.f32 $-2.000000000e+00, v0  }
0x5b: {  	v5 =	vld [tilespmem:s4+$0xFFFFFFF0];
	v4 =	vand.u32 $0x7FFFFFFF, v10;
	v1 =	vmul.f32 $-2.000000000e+00, v1  }
0x5c: {  	v4 =	vmul.f32 $-2.000000000e+00, v4;
	v0 =	vmul.f32 $1.442695020e+00, v0  }
0x5d: {  	v12 =	vld [tilespmem:s4+$0xFFFFFF30];
	v1 =	vmul.f32 $1.442695020e+00, v1  }
0x5e: {  	v4 =	vmul.f32 $1.442695020e+00, v4;
	(erf) = vpow2.f32 v0  }
0x5f: {  	(erf) = vpow2.f32 v1  }
0x60: {  	v0 =	vand.u32 $0x7FFFFFFF, v5;
	(erf) = vpow2.f32 v4  }
0x61: {  	v0 =	vmul.f32 $-2.000000000e+00, v0  }
0x62: {  	v1 =	vand.u32 $0x7FFFFFFF, v12  }
0x63: {  	v17 =	vld [tilespmem:s4+$0xFFFFFF40];
	v1 =	vmul.f32 $-2.000000000e+00, v1;
	v0 =	vmul.f32 $1.442695020e+00, v0;
	_ =	sdelay $0x1  }
0x64: {  	v1 =	vmul.f32 $1.442695020e+00, v1  }
0x65: {  	v15 =	vld [tilespmem:s4+$0xFFFFFF50];
	(erf) = vpow2.f32 v0  }
0x66: {  	v16 =	vld [tilespmem:s4+$0xFFFFFF60];
	(erf) = vpow2.f32 v1;
	v0 =	vpop (erf)  }
0x67: {  	v13 =	vld [tilespmem:s4+$0xFFFFFF70];
	v6 =	vand.u32 $0x7FFFFFFF, v17;
	v4 =	vadd.f32 $1.000000000e+00, v0;
	v7 =	vpop (erf)  }
0x68: {  	v14 =	vld [tilespmem:s4+$0xFFFFFF80];
	v6 =	vmul.f32 $-2.000000000e+00, v6;
	v1 =	vadd.f32 $1.000000000e+00, v7;
	v11 =	vpop (erf)  }
0x69: {  	v8 =	vadd.f32 $1.000000000e+00, v11;
	(erf) = vrcp.f32 v4  }
0x6a: {  	v6 =	vmul.f32 $1.442695020e+00, v6;
	v4 =	vand.u32 $0x7FFFFFFF, v15;
	(erf) = vrcp.f32 v1  }
0x6b: {  	v9 =	vand.u32 $0x7FFFFFFF, v16;
	v1 =	vmul.f32 $-2.000000000e+00, v4;
	(erf) = vrcp.f32 v8  }
0x6c: {  	v4 =	vld [tilespmem:s4+$0xFFFFFF90];
	v8 =	vmul.f32 $-2.000000000e+00, v9;
	v9 =	vand.u32 $0x7FFFFFFF, v13;
	(erf) = vpow2.f32 v6  }
0x6d: {  	v1 =	vmul.f32 $1.442695020e+00, v1;
	v6 =	vmul.f32 $-2.000000000e+00, v9;
	v9 =	vand.u32 $0x7FFFFFFF, v14  }
0x6e: {  	v18 =	vpop (erf);
	v8 =	vmul.f32 $1.442695020e+00, v8;
	v9 =	vmul.f32 $-2.000000000e+00, v9  }
0x6f: {  	v19 =	vpop (erf);
	v6 =	vmul.f32 $1.442695020e+00, v6;
	(erf) = vpow2.f32 v1  }
0x70: {  	v1 =	vmul.f32 $1.442695020e+00, v9;
	(erf) = vpow2.f32 v8;
	v8 =	vadd.f32 $1.000000000e+00, v19  }
0x71: {  	v9 =	vand.u32 $0x7FFFFFFF, v4;
	(erf) = vpow2.f32 v6;
	v6 =	vadd.f32 $1.000000000e+00, v18  }
0x72: {  	v9 =	vmul.f32 $-2.000000000e+00, v9  }
0x73: {  	v22 =	vld [tilespmem:s4+$0xFFFFFFD0];
	v2 =	vand.u32 $0x80000000, v2;
	(erf) = vpow2.f32 v1  }
0x74: {  	v3 =	vand.u32 $0x80000000, v3;
	v1 =	vmul.f32 $1.442695020e+00, v9;
	(erf) = vrcp.f32 v8;
	v8 =	vpop (erf)  }
0x75: {  	v7 =	vsub.f32 $1.000000000e+00, v7;
	v9 =	vsub.f32 $1.000000000e+00, v0;
	(erf) = vrcp.f32 v6;
	v6 =	vpop (erf)  }
0x76: {  	v10 =	vand.u32 $0x80000000, v10;
	v0 =	vand.u32 $0x80000000, v5;
	(erf) = vpow2.f32 v1;
	v20 =	vpop (erf)  }
0x77: {  	v1 =	vsub.f32 $1.000000000e+00, v18;
	v5 =	vmul.f32 v8, v9;
	v6 =	vmul.f32 v6, v7;
	v18 =	vpop (erf)  }
0x78: {  	v62 =	vand.u32 $0x7FFFFFFF, v22;
	v17 =	vand.u32 $0x80000000, v17;
	v7 =	vld [tilespmem:s4+$0xFFFFFFA0];
	v21 =	vadd.f32 $1.000000000e+00, v18;
	v24 =	vpop (erf)  }
0x79: {  	v9 =	vor.u32 v5, v2;
	v5 =	vld [tilespmem:s4+$0xFFFFFFC0];
	v8 =	vor.u32 v6, v3;
	v2 =	vadd.f32 $1.000000000e+00, v24;
	v25 =	vpop (erf)  }
0x7a: {  	v6 =	vld [tilespmem:s4+$0xFFFFFFB0];
	v3 =	vsub.f32 $1.000000000e+00, v11;
	v11 =	vadd.f32 $1.000000000e+00, v25;
	(erf) = vrcp.f32 v21;
	v59 =	vpop (erf)  }
0x7b: {  	v16 =	vand.u32 $0x80000000, v16;
	v23 =	vadd.f32 $1.000000000e+00, v59;
	(erf) = vrcp.f32 v2  }
0x7c: {  	v19 =	vsub.f32 $1.000000000e+00, v19;
	v20 =	vmul.f32 v20, v3;
	v26 =	vpop (erf);
	(erf) = vrcp.f32 v11  }
0x7d: {  	v3 =	vadd.f32 $1.000000000e+00, v26;
	v11 =	vand.u32 $0x7FFFFFFF, v7;
	v2 =	vpop (erf);
	(erf) = vrcp.f32 v23  }
0x7e: {  	v30 =	vand.u32 $0x7FFFFFFF, v5;
	v11 =	vmul.f32 $-2.000000000e+00, v11;
	v23 =	vld [tilespmem:s4+$0xFFFFFFE0];
	v19 =	vmul.f32 v2, v19;
	v2 =	vpop (erf)  }
0x7f: {  	v27 =	vand.u32 $0x7FFFFFFF, v6;
	v30 =	vmul.f32 $-2.000000000e+00, v30;
	(erf) = vrcp.f32 v3;
	v3 =	vld [tilespmem:s4+$0x0];
	v28 =	vpop (erf)  }
0x80: {  	v27 =	vmul.f32 $-2.000000000e+00, v27;
	v31 =	vmul.f32 $1.442695020e+00, v11;
	v11 =	vld [tilespmem:s4+$0x10];
	v29 =	vadd.f32 $1.000000000e+00, v28  }
0x81: {  	v50 =	vand.u32 $0x80000000, v14;
	v12 =	vand.u32 $0x80000000, v12;
	v61 =	vmul.f32 $1.442695020e+00, v30  }
0x82: {  	v25 =	vsub.f32 $1.000000000e+00, v25;
	v60 =	vmul.f32 $1.442695020e+00, v27;
	(erf) = vrcp.f32 v29  }
0x83: {  	v29 =	vmul.f32 $-2.000000000e+00, v62;
	v63 =	vand.u32 $0x7FFFFFFF, v23;
	(erf) = vpow2.f32 v31  }
0x84: {  	v33 =	vmul.f32 $-2.000000000e+00, v63;
	v34 =	vand.u32 $0x7FFFFFFF, v3;
	(erf) = vpow2.f32 v60  }
0x85: {  	v35 =	vmul.f32 $1.442695020e+00, v29;
	v36 =	vmul.f32 $-2.000000000e+00, v34;
	v37 =	vand.u32 $0x7FFFFFFF, v11  }
0x86: {  	v10 =	vor.u32 v20, v10;
	v38 =	vpop (erf);
	(erf) = vpow2.f32 v61;
	v30 =	vmul.f32 $-2.000000000e+00, v37  }
0x87: {  	v12 =	vor.u32 v19, v12;
	v39 =	vpop (erf);
	v20 =	vmul.f32 $1.442695020e+00, v33;
	v19 =	vmul.f32 $1.442695020e+00, v36  }
0x88: {  	v14 =	vld [tilespmem:s4+$0x40];
	v24 =	vsub.f32 $1.000000000e+00, v24;
	v41 =	vpop (erf);
	(erf) = vpow2.f32 v35;
	v40 =	vmul.f32 $1.442695020e+00, v30  }
0x89: {  	v15 =	vand.u32 $0x80000000, v15;
	(erf) = vpow2.f32 v20;
	v20 =	vmul.f32 v41, v25  }
0x8a: {  	v21 =	vsub.f32 $1.000000000e+00, v59;
	v42 =	vpop (erf);
	(erf) = vpow2.f32 v19;
	v19 =	vmul.f32 v39, v24  }
0x8b: {  	v13 =	vand.u32 $0x80000000, v13;
	v18 =	vsub.f32 $1.000000000e+00, v18;
	v43 =	vpop (erf);
	v16 =	vor.u32 v20, v16;
	v20 =	vld [tilespmem:s4+$0x20]  }
0x8c: {  	(erf) = vpow2.f32 v40;
	v19 =	vor.u32 v19, v15;
	v15 =	vmul.f32 v42, v21;
	v21 =	vld [tilespmem:s4+$0x30];
	v44 =	vpop (erf)  }
0x8d: {  	v4 =	vand.u32 $0x80000000, v4;
	v59 =	vand.u32 $0x7FFFFFFF, v14;
	v18 =	vmul.f32 v38, v18;
	v45 =	vpop (erf)  }
0x8e: {  	v47 =	vsub.f32 $1.000000000e+00, v26;
	v7 =	vand.u32 $0x80000000, v7;
	v46 =	vpop (erf);
	v48 =	vadd.f32 $1.000000000e+00, v45  }
0x8f: {  	v18 =	vor.u32 v18, v17;
	v17 =	vor.u32 v15, v13;
	v15 =	vld [tilespmem:s4+$0x50];
	v49 =	vpop (erf);
	v13 =	vadd.f32 $1.000000000e+00, v46  }
0x90: {  	v51 =	vsub.f32 $1.000000000e+00, v28;
	v32 =	vadd.f32 $1.000000000e+00, v49;
	(erf) = vrcp.f32 v48  }
0x91: {  	v33 =	vpop (erf);
	v57 =	vand.u32 $0x7FFFFFFF, v21;
	(erf) = vrcp.f32 v13;
	v13 =	vand.u32 $0x7FFFFFFF, v20  }
0x92: {  	v52 =	vadd.f32 $1.000000000e+00, v33;
	v34 =	vpop (erf);
	v58 =	vmul.f32 $-2.000000000e+00, v57;
	v37 =	vmul.f32 $-2.000000000e+00, v13;
	v13 =	vld [tilespmem:s4+$0x60]  }
0x93: {  	v24 =	vmul.f32 v44, v51;
	v35 =	vadd.f32 $1.000000000e+00, v34;
	(erf) = vrcp.f32 v32  }
0x94: {  	v53 =	vpop (erf);
	v60 =	vand.u32 $0x7FFFFFFF, v15;
	(erf) = vrcp.f32 v52;
	v61 =	vmul.f32 $1.442695020e+00, v58  }
0x95: {  	v36 =	vadd.f32 $1.000000000e+00, v53;
	v54 =	vpop (erf);
	v62 =	vmul.f32 $-2.000000000e+00, v60;
	(erf) = vrcp.f32 v35  }
0x96: {  	v55 =	vadd.f32 $1.000000000e+00, v54;
	v56 =	vmul.f32 $1.442695020e+00, v37;
	v37 =	vmul.f32 $-2.000000000e+00, v59  }
0x97: {  	(erf) = vrcp.f32 v36;
	v36 =	vmul.f32 $1.442695020e+00, v62;
	v38 =	vand.u32 $0x7FFFFFFF, v13  }
0x98: {  	v5 =	vand.u32 $0x80000000, v5;
	(erf) = vrcp.f32 v55;
	v40 =	vmul.f32 $-2.000000000e+00, v38  }
0x99: {  	v25 =	vsub.f32 $1.000000000e+00, v45;
	v63 =	vmul.f32 $1.442695020e+00, v37;
	(erf) = vpow2.f32 v56  }
0x9a: {  	v27 =	vor.u32 v24, v4;
	(erf) = vpow2.f32 v61;
	v4 =	vmul.f32 $1.442695020e+00, v40  }
0x9b: {  	v6 =	vand.u32 $0x80000000, v6;
	v29 =	vmul.f32 v43, v47;
	v41 =	vpop (erf);
	(erf) = vpow2.f32 v63  }
0x9c: {  	v31 =	vsub.f32 $1.000000000e+00, v49;
	v42 =	vpop (erf);
	(erf) = vpow2.f32 v36;
	v25 =	vmul.f32 v41, v25  }
0x9d: {  	v43 =	vsub.f32 $1.000000000e+00, v46;
	v46 =	vsub.f32 $1.000000000e+00, v33;
	v44 =	vpop (erf);
	(erf) = vpow2.f32 v4  }
0x9e: {  	v47 =	vsub.f32 $1.000000000e+00, v34;
	v30 =	vmul.f32 v44, v31;
	v35 =	vor.u32 v25, v7;
	v25 =	vld [tilespmem:s4+$0x70];
	v4 =	vpop (erf)  }
0x9f: {  	v26 =	vor.u32 v29, v50;
	v49 =	vand.u32 $0x80000000, v23;
	v24 =	vmul.f32 v42, v43;
	v45 =	vpop (erf)  }
0xa0: {  	v23 =	vld [tilespmem:s4+$0x80];
	v30 =	vor.u32 v30, v5;
	v4 =	vmul.f32 v4, v46;
	v48 =	vpop (erf);
	v5 =	vmul.f32 v45, v47  }
0xa1: {  	v50 =	vsub.f32 $1.000000000e+00, v53;
	v36 =	vor.u32 v24, v6;
	v6 =	vand.u32 $0x80000000, v22;
	v7 =	vpop (erf)  }
0xa2: {  	v31 =	vor.u32 v4, v6;
	v29 =	vpop (erf);
	v32 =	vor.u32 v5, v49;
	v5 =	vsub.f32 $1.000000000e+00, v54  }
0xa3: {  	v24 =	vld [tilespmem:s4+$0x90];
	v34 =	vmul.f32 v48, v50;
	v6 =	vand.u32 $0x7FFFFFFF, v25;
	v4 =	vadd.f32 $1.000000000e+00, v29;
	v33 =	vpop (erf)  }
0xa4: {  	v40 =	vmul.f32 $-2.000000000e+00, v6;
	v6 =	vld [tilespmem:s4+$0xB0];
	v51 =	vadd.f32 $1.000000000e+00, v33;
	v37 =	vpop (erf);
	v41 =	vmul.f32 v7, v5  }
0xa5: {  	v22 =	vld [tilespmem:s4+$0xA0];
	v7 =	vand.u32 $0x7FFFFFFF, v23;
	v52 =	vadd.f32 $1.000000000e+00, v37;
	(erf) = vrcp.f32 v4;
	v39 =	vpop (erf)  }
0xa6: {  	v54 =	vmul.f32 $-2.000000000e+00, v7;
	v4 =	vadd.f32 $1.000000000e+00, v39;
	(erf) = vrcp.f32 v51;
	v28 =	vpop (erf)  }
0xa7: {  	v53 =	vmul.f32 $1.442695020e+00, v40;
	v7 =	vld [tilespmem:s4+$0xC0];
	v5 =	vadd.f32 $1.000000000e+00, v28;
	(erf) = vrcp.f32 v52  }
0xa8: {  	v44 =	vand.u32 $0x80000000, v3;
	v3 =	vld [tilespmem:s4+$0xF0];
	v55 =	vmul.f32 $1.442695020e+00, v54;
	(erf) = vrcp.f32 v4  }
0xa9: {  	v43 =	vand.u32 $0x7FFFFFFF, v6;
	v4 =	vand.u32 $0x7FFFFFFF, v24;
	(erf) = vrcp.f32 v5  }
0xaa: {  	v43 =	vmul.f32 $-2.000000000e+00, v43;
	v42 =	vmul.f32 $-2.000000000e+00, v4;
	v5 =	vand.u32 $0x7FFFFFFF, v22;
	v4 =	vld [tilespmem:s4+$0xD0]  }
0xab: {  	(erf) = vpow2.f32 v53;
	v56 =	vmul.f32 $-2.000000000e+00, v5;
	v5 =	vld [tilespmem:s4+$0xE0]  }
0xac: {  	v57 =	vmul.f32 $1.442695020e+00, v43;
	v58 =	vand.u32 $0x7FFFFFFF, v7;
	(erf) = vpow2.f32 v55  }
0xad: {  	v48 =	vand.u32 $0x7FFFFFFF, v3;
	v42 =	vmul.f32 $1.442695020e+00, v42;
	v43 =	vmul.f32 $-2.000000000e+00, v58  }
0xae: {  	v49 =	vmul.f32 $-2.000000000e+00, v48;
	v34 =	vor.u32 v34, v44;
	v40 =	vmul.f32 $1.442695020e+00, v56;
	v59 =	vpop (erf)  }
0xaf: {  	[tilespmem:s4+$0xFFFFFF00] =	vst v9;
	(erf) = vpow2.f32 v42;
	v9 =	vmul.f32 $1.442695020e+00, v43;
	v60 =	vand.u32 $0x7FFFFFFF, v4;
	v61 =	vpop (erf)  }
0xb0: {  	(erf) = vpow2.f32 v40;
	v44 =	vmul.f32 $-2.000000000e+00, v60;
	v45 =	vand.u32 $0x7FFFFFFF, v5;
	v62 =	vpop (erf)  }
0xb1: {  	(erf) = vpow2.f32 v57;
	v63 =	vmul.f32 $-2.000000000e+00, v45;
	v46 =	vpop (erf)  }
0xb2: {  	[tilespmem:s4+$0xFFFFFF10] =	vst v8;
	v8 =	vand.u32 $0x80000000, v11;
	v11 =	vmul.f32 $1.442695020e+00, v44;
	v50 =	vpop (erf);
	(erf) = vpow2.f32 v9  }
0xb3: {  	[tilespmem:s4+$0xFFFFFF20] =	vst v10;
	v10 =	vmul.f32 $1.442695020e+00, v63  }
0xb4: {  	[tilespmem:s4+$0xFFFFFF30] =	vst v12;
	v12 =	vmul.f32 $1.442695020e+00, v49;
	v51 =	vpop (erf);
	(erf) = vpow2.f32 v11  }
0xb5: {  	[tilespmem:s4+$0xFFFFFF50] =	vst v19;
	v9 =	vsub.f32 $1.000000000e+00, v29;
	(erf) = vpow2.f32 v10;
	v19 =	vpop (erf)  }
0xb6: {  	[tilespmem:s4+$0xFFFFFF40] =	vst v18;
	v18 =	vadd.f32 $1.000000000e+00, v51;
	(erf) = vpow2.f32 v12;
	v12 =	vadd.f32 $1.000000000e+00, v19  }
0xb7: {  	[tilespmem:s4+$0xFFFFFF70] =	vst v17;
	v17 =	vand.u32 $0x80000000, v21;
	v11 =	vsub.f32 $1.000000000e+00, v33;
	v9 =	vmul.f32 v59, v9  }
0xb8: {  	[tilespmem:s4+$0xFFFFFF60] =	vst v16;
	v10 =	vand.u32 $0x80000000, v20;
	(erf) = vrcp.f32 v18;
	v16 =	vpop (erf);
	v18 =	vsub.f32 $1.000000000e+00, v37  }
0xb9: {  	v11 =	vmul.f32 v61, v11;
	v54 =	vor.u32 v9, v10;
	v52 =	vadd.f32 $1.000000000e+00, v16;
	v53 =	vpop (erf)  }
0xba: {  	[tilespmem:s4+$0xFFFFFF80] =	vst v26;
	(erf) = vrcp.f32 v12;
	v9 =	vmul.f32 v62, v18;
	v10 =	vadd.f32 $1.000000000e+00, v53;
	v12 =	vpop (erf)  }
0xbb: {  	[tilespmem:s4+$0xFFFFFF90] =	vst v27;
	v17 =	vor.u32 v11, v17;
	v11 =	vand.u32 $0x80000000, v14;
	(erf) = vrcp.f32 v52;
	v56 =	vpop (erf)  }
0xbc: {  	[tilespmem:s4+$0xFFFFFFA0] =	vst v35;
	v18 =	vadd.f32 $1.000000000e+00, v12;
	(erf) = vrcp.f32 v10;
	v10 =	vadd.f32 $1.000000000e+00, v56  }
0xbd: {  	v15 =	vand.u32 $0x80000000, v15;
	v13 =	vand.u32 $0x80000000, v13;
	[tilespmem:s4+$0xFFFFFFB0] =	vst v36;
	v25 =	vand.u32 $0x80000000, v25  }
0xbe: {  	[tilespmem:s4+$0xFFFFFFC0] =	vst v30;
	v58 =	vsub.f32 $1.000000000e+00, v51;
	v55 =	vor.u32 v9, v11;
	(erf) = vrcp.f32 v18;
	v9 =	vpop (erf)  }
0xbf: {  	[tilespmem:s4+$0xFFFFFFD0] =	vst v31;
	v8 =	vor.u32 v41, v8;
	v14 =	vsub.f32 $1.000000000e+00, v39;
	v57 =	vadd.f32 $1.000000000e+00, v9;
	v11 =	vpop (erf)  }
0xc0: {  	[tilespmem:s4+$0xFFFFFFE0] =	vst v32;
	v18 =	vsub.f32 $1.000000000e+00, v28;
	v59 =	vadd.f32 $1.000000000e+00, v11;
	(erf) = vrcp.f32 v10;
	v10 =	vpop (erf)  }
0xc1: {  	[tilespmem:s4+$0x0] =	vst v34;
	v14 =	vmul.f32 v46, v14;
	(erf) = vrcp.f32 v57;
	v60 =	vadd.f32 $1.000000000e+00, v10  }
0xc2: {  	[tilespmem:s4+$0x10] =	vst v8;
	v19 =	vsub.f32 $1.000000000e+00, v19;
	v18 =	vmul.f32 v50, v18;
	(erf) = vrcp.f32 v59;
	v61 =	vpop (erf)  }
0xc3: {  	[tilespmem:s4+$0x20] =	vst v54;
	v16 =	vsub.f32 $1.000000000e+00, v16;
	v14 =	vor.u32 v14, v15;
	v62 =	vpop (erf);
	(erf) = vrcp.f32 v60  }
0xc4: {  	[tilespmem:s4+$0x50] =	vst v14;
	v14 =	vand.u32 $0x80000000, v23;
	v13 =	vor.u32 v18, v13;
	v8 =	vmul.f32 v61, v58;
	v15 =	vpop (erf)  }
0xc5: {  	[tilespmem:s4+$0x30] =	vst v17;
	v17 =	vmul.f32 v62, v19;
	v15 =	vmul.f32 v15, v16;
	v16 =	vsub.f32 $1.000000000e+00, v53  }
0xc6: {  	[tilespmem:s4+$0x40] =	vst v55;
	v18 =	vand.u32 $0x80000000, v24;
	v19 =	vsub.f32 $1.000000000e+00, v12;
	v8 =	vor.u32 v8, v25;
	v63 =	vpop (erf)  }
0xc7: {  	[tilespmem:s4+$0x60] =	vst v13;
	v13 =	vor.u32 v17, v14;
	v14 =	vpop (erf);
	v17 =	vand.u32 $0x80000000, v22;
	v16 =	vmul.f32 v63, v16  }
0xc8: {  	s15 =	simm.s32 $0x0;
	s3 =	sor.u32 $0x400, s3;
	s19 =	sadd.s32 $0x200, s4;
	[tilespmem:s4+$0x70] =	vst v8;
	v12 =	vor.u32 v15, v18;
	v14 =	vmul.f32 v14, v19;
	v15 =	vsub.f32 $1.000000000e+00, v56  }
.LBB2_5:
0xc9: {  	v8 =	vld [tilespmem:s19+$0xFFFFFF00];
	[tilespmem:s4+$0x80] =	vst v13;
	v13 =	vor.u32 v16, v17;
	v6 =	vand.u32 $0x80000000, v6;
	v16 =	vsub.f32 $1.000000000e+00, v9;
	v17 =	vpop (erf)  }
0xca: {  	v11 =	vsub.f32 $1.000000000e+00, v11;
	v9 =	vld [tilespmem:s19+$0xFFFFFF10];
	[tilespmem:s4+$0x90] =	vst v12;
	v18 =	vor.u32 v14, v6;
	v14 =	vmul.f32 v17, v15;
	v15 =	vpop (erf)  }
0xcb: {  	v7 =	vand.u32 $0x80000000, v7;
	v10 =	vsub.f32 $1.000000000e+00, v10;
	v6 =	vld [tilespmem:s19+$0xFFFFFF20];
	[tilespmem:s4+$0xA0] =	vst v13;
	v13 =	vmul.f32 v15, v16;
	v15 =	vpop (erf)  }
0xcc: {  	v4 =	vand.u32 $0x80000000, v4;
	v16 =	vld [tilespmem:s19+$0xFFFFFFF0];
	[tilespmem:s4+$0xB0] =	vst v18;
	v7 =	vor.u32 v14, v7;
	v11 =	vmul.f32 v15, v11;
	v12 =	vpop (erf)  }
0xcd: {  	v5 =	vand.u32 $0x80000000, v5;
	[tilespmem:s4+$0xC0] =	vst v7;
	v4 =	vor.u32 v13, v4;
	v7 =	vmul.f32 v12, v10  }
0xce: {  	v3 =	vand.u32 $0x80000000, v3;
	v10 =	vand.u32 $0x7FFFFFFF, v8;
	[tilespmem:s4+$0xD0] =	vst v4;
	v4 =	vor.u32 v11, v5  }
0xcf: {  	v5 =	vmul.f32 $-2.000000000e+00, v10;
	v10 =	vand.u32 $0x7FFFFFFF, v9;
	[tilespmem:s4+$0xE0] =	vst v4;
	v3 =	vor.u32 v7, v3  }
0xd0: {  	v1 =	vmul.f32 v2, v1;
	v4 =	vmul.f32 $-2.000000000e+00, v10;
	v7 =	vand.u32 $0x7FFFFFFF, v6;
	[tilespmem:s4+$0xF0] =	vst v3  }
0xd1: {  	v2 =	vmul.f32 $1.442695020e+00, v5;
	v3 =	vmul.f32 $-2.000000000e+00, v7;
	v5 =	vand.u32 $0x7FFFFFFF, v16  }
0xd2: {  	v7 =	vand.u32 $0x80000000, v16;
	v4 =	vmul.f32 $1.442695020e+00, v4;
	v5 =	vmul.f32 $-2.000000000e+00, v5  }
0xd3: {  	v1 =	vor.u32 v1, v0;
	v0 =	vmovc v7;
	v3 =	vmul.f32 $1.442695020e+00, v3;
	v12 =	vld [tilespmem:s19+$0xFFFFFF30];
	(erf) = vpow2.f32 v2  }
0xd4: {  	v2 =	vmul.f32 $1.442695020e+00, v5;
	(erf) = vpow2.f32 v4;
	[tilespmem:s4+$0xFFFFFFF0] =	vst v1;
	s4 =	smov.u32 s19  }
0xd5: {  	(erf) = vpow2.f32 v3  }
0xd6: {  	(erf) = vpow2.f32 v2;
	_ =	sdelay $0x1  }
0xd7: {  	v1 =	vand.u32 $0x7FFFFFFF, v12;
	v17 =	vld [tilespmem:s19+$0xFFFFFF40]  }
0xd8: {  	v1 =	vmul.f32 $-2.000000000e+00, v1;
	_ =	sdelay $0x1  }
0xd9: {  	v1 =	vmul.f32 $1.442695020e+00, v1;
	v15 =	vld [tilespmem:s19+$0xFFFFFF50]  }
0xda: {  	v16 =	vld [tilespmem:s19+$0xFFFFFF60];
	v2 =	vpop (erf)  }
0xdb: {  	v11 =	vadd.f32 $1.000000000e+00, v2;
	v4 =	vand.u32 $0x7FFFFFFF, v17;
	v13 =	vld [tilespmem:s19+$0xFFFFFF70];
	v5 =	vpop (erf);
	(erf) = vpow2.f32 v1  }
0xdc: {  	v1 =	vadd.f32 $1.000000000e+00, v5;
	v4 =	vmul.f32 $-2.000000000e+00, v4;
	v14 =	vld [tilespmem:s19+$0xFFFFFF80];
	v10 =	vpop (erf)  }
0xdd: {  	v7 =	vadd.f32 $1.000000000e+00, v10;
	(erf) = vrcp.f32 v11;
	v3 =	vpop (erf)  }
0xde: {  	v11 =	vmul.f32 $1.442695020e+00, v4;
	v4 =	vand.u32 $0x7FFFFFFF, v15;
	(erf) = vrcp.f32 v1  }
0xdf: {  	v1 =	vmul.f32 $-2.000000000e+00, v4;
	v18 =	vand.u32 $0x7FFFFFFF, v16;
	v4 =	vld [tilespmem:s19+$0xFFFFFF90];
	(erf) = vrcp.f32 v7  }
0xe0: {  	v7 =	vmul.f32 $-2.000000000e+00, v18;
	v18 =	vand.u32 $0x7FFFFFFF, v13;
	(erf) = vpow2.f32 v11  }
0xe1: {  	v11 =	vmul.f32 $1.442695020e+00, v1;
	v1 =	vmul.f32 $-2.000000000e+00, v18;
	v18 =	vand.u32 $0x7FFFFFFF, v14  }
0xe2: {  	v19 =	vadd.f32 $1.000000000e+00, v3;
	v7 =	vmul.f32 $1.442695020e+00, v7;
	v21 =	vmul.f32 $-2.000000000e+00, v18  }
0xe3: {  	v22 =	vmul.f32 $1.442695020e+00, v1;
	v1 =	vsub.f32 $1.000000000e+00, v3;
	(erf) = vpow2.f32 v11  }
0xe4: {  	v3 =	vmul.f32 $1.442695020e+00, v21;
	v11 =	vand.u32 $0x7FFFFFFF, v4;
	v18 =	vpop (erf);
	(erf) = vpow2.f32 v7  }
0xe5: {  	v7 =	vadd.f32 $1.000000000e+00, v18;
	v23 =	vmul.f32 $-2.000000000e+00, v11;
	(erf) = vpow2.f32 v22  }
0xe6: {  	v20 =	vpop (erf);
	(erf) = vpow2.f32 v3  }
0xe7: {  	v3 =	vmul.f32 $1.442695020e+00, v23;
	v11 =	vpop (erf);
	(erf) = vrcp.f32 v7  }
0xe8: {  	v21 =	vpop (erf);
	(erf) = vrcp.f32 v19  }
0xe9: {  	v2 =	vsub.f32 $1.000000000e+00, v2;
	v5 =	vsub.f32 $1.000000000e+00, v5;
	v19 =	vpop (erf);
	(erf) = vpow2.f32 v3;
	_ =	sdelay $0x1  }
0xea: {  	v2 =	vmul.f32 v20, v2;
	v3 =	vmul.f32 v11, v5  }
0xeb: {  	v7 =	vand.u32 $0x80000000, v9;
	v5 =	vand.u32 $0x80000000, v8;
	v11 =	vadd.f32 $1.000000000e+00, v19;
	v22 =	vld [tilespmem:s19+$0xFFFFFFA0];
	v20 =	vpop (erf)  }
0xec: {  	v9 =	vor.u32 v2, v5;
	v8 =	vor.u32 v3, v7;
	v23 =	vadd.f32 $1.000000000e+00, v20;
	v7 =	vld [tilespmem:s19+$0xFFFFFFB0];
	v25 =	vpop (erf)  }
0xed: {  	v3 =	vsub.f32 $1.000000000e+00, v10;
	v10 =	vadd.f32 $1.000000000e+00, v25;
	v5 =	vld [tilespmem:s19+$0xFFFFFFC0];
	(erf) = vrcp.f32 v11;
	v26 =	vpop (erf)  }
0xee: {  	v11 =	vsub.f32 $1.000000000e+00, v18;
	v18 =	vadd.f32 $1.000000000e+00, v26;
	(erf) = vrcp.f32 v23;
	v27 =	vpop (erf)  }
0xef: {  	v21 =	vmul.f32 v21, v3;
	v3 =	vadd.f32 $1.000000000e+00, v27;
	v2 =	vpop (erf);
	(erf) = vrcp.f32 v10  }
0xf0: {  	v28 =	vmul.f32 v2, v11;
	v10 =	vand.u32 $0x7FFFFFFF, v22;
	v23 =	vld [tilespmem:s19+$0xFFFFFFD0];
	(erf) = vrcp.f32 v18;
	v2 =	vpop (erf)  }
0xf1: {  	v10 =	vmul.f32 $-2.000000000e+00, v10;
	v11 =	vand.u32 $0x7FFFFFFF, v7;
	v24 =	vld [tilespmem:s19+$0xFFFFFFE0];
	(erf) = vrcp.f32 v3;
	v29 =	vpop (erf)  }
0xf2: {  	v18 =	vadd.f32 $1.000000000e+00, v29;
	v30 =	vmul.f32 $-2.000000000e+00, v11;
	v11 =	vand.u32 $0x7FFFFFFF, v5;
	v3 =	vld [tilespmem:s19+$0x0]  }
0xf3: {  	v6 =	vand.u32 $0x80000000, v6;
	v33 =	vmul.f32 $1.442695020e+00, v10;
	v32 =	vmul.f32 $-2.000000000e+00, v11;
	v11 =	vld [tilespmem:s19+$0x10]  }
0xf4: {  	v10 =	vor.u32 v21, v6;
	v6 =	vmul.f32 $1.442695020e+00, v30;
	(erf) = vrcp.f32 v18  }
0xf5: {  	v18 =	vmul.f32 $1.442695020e+00, v32;
	v21 =	vand.u32 $0x7FFFFFFF, v23;
	(erf) = vpow2.f32 v33  }
0xf6: {  	v21 =	vmul.f32 $-2.000000000e+00, v21;
	v30 =	vand.u32 $0x7FFFFFFF, v24;
	v31 =	vpop (erf);
	(erf) = vpow2.f32 v6  }
0xf7: {  	v6 =	vmul.f32 $-2.000000000e+00, v30;
	v30 =	vand.u32 $0x7FFFFFFF, v3;
	v32 =	vpop (erf);
	(erf) = vpow2.f32 v18  }
0xf8: {  	v18 =	vmul.f32 $1.442695020e+00, v21;
	v21 =	vmul.f32 $-2.000000000e+00, v30;
	v30 =	vand.u32 $0x7FFFFFFF, v11;
	v33 =	vpop (erf)  }
0xf9: {  	v12 =	vand.u32 $0x80000000, v12;
	v6 =	vmul.f32 $1.442695020e+00, v6;
	v30 =	vmul.f32 $-2.000000000e+00, v30;
	v34 =	vpop (erf)  }
0xfa: {  	v12 =	vor.u32 v28, v12;
	v21 =	vmul.f32 $1.442695020e+00, v21;
	v28 =	vpop (erf);
	(erf) = vpow2.f32 v18  }
0xfb: {  	v18 =	vsub.f32 $1.000000000e+00, v19;
	v19 =	vmul.f32 $1.442695020e+00, v30;
	(erf) = vpow2.f32 v6  }
0xfc: {  	v6 =	vsub.f32 $1.000000000e+00, v20;
	v20 =	vsub.f32 $1.000000000e+00, v25;
	(erf) = vpow2.f32 v21  }
0xfd: {  	v17 =	vand.u32 $0x80000000, v17;
	v18 =	vmul.f32 v31, v18;
	v25 =	vpop (erf);
	(erf) = vpow2.f32 v19  }
0xfe: {  	v21 =	vsub.f32 $1.000000000e+00, v26;
	v6 =	vmul.f32 v32, v6;
	v20 =	vmul.f32 v33, v20;
	v30 =	vpop (erf)  }
0xff: {  	v15 =	vand.u32 $0x80000000, v15;
	v16 =	vand.u32 $0x80000000, v16;
	v18 =	vor.u32 v18, v17;
	v31 =	vpop (erf)  }
0x100: {  	v19 =	vor.u32 v6, v15;
	v16 =	vor.u32 v20, v16;
	v6 =	vmul.f32 v34, v21;
	v20 =	vld [tilespmem:s19+$0x20];
	v32 =	vpop (erf)  }
0x101: {  	v13 =	vand.u32 $0x80000000, v13;
	v15 =	vsub.f32 $1.000000000e+00, v27;
	v26 =	vadd.f32 $1.000000000e+00, v30  }
0x102: {  	v17 =	vor.u32 v6, v13;
	v6 =	vand.u32 $0x80000000, v14;
	v13 =	vadd.f32 $1.000000000e+00, v31  }
0x103: {  	v27 =	vmul.f32 v28, v15;
	v36 =	vadd.f32 $1.000000000e+00, v32;
	v21 =	vld [tilespmem:s19+$0x30];
	(erf) = vrcp.f32 v26;
	v33 =	vpop (erf)  }
0x104: {  	v26 =	vsub.f32 $1.000000000e+00, v29;
	v29 =	vadd.f32 $1.000000000e+00, v33;
	v14 =	vld [tilespmem:s19+$0x40];
	(erf) = vrcp.f32 v13;
	v34 =	vpop (erf)  }
0x105: {  	v35 =	vadd.f32 $1.000000000e+00, v34;
	v13 =	vand.u32 $0x7FFFFFFF, v20;
	v15 =	vld [tilespmem:s19+$0x50];
	(erf) = vrcp.f32 v36;
	v28 =	vpop (erf)  }
0x106: {  	v36 =	vadd.f32 $1.000000000e+00, v28;
	v37 =	vmul.f32 $-2.000000000e+00, v13;
	v13 =	vld [tilespmem:s19+$0x60];
	(erf) = vrcp.f32 v29;
	v38 =	vpop (erf)  }
0x107: {  	v25 =	vmul.f32 v25, v26;
	v26 =	vadd.f32 $1.000000000e+00, v38;
	(erf) = vrcp.f32 v35  }
0x108: {  	v29 =	vmul.f32 $1.442695020e+00, v37;
	v35 =	vand.u32 $0x7FFFFFFF, v21;
	(erf) = vrcp.f32 v36  }
0x109: {  	v35 =	vmul.f32 $-2.000000000e+00, v35;
	v36 =	vand.u32 $0x7FFFFFFF, v14;
	(erf) = vrcp.f32 v26  }
0x10a: {  	v36 =	vmul.f32 $-2.000000000e+00, v36;
	v26 =	vand.u32 $0x7FFFFFFF, v15;
	(erf) = vpow2.f32 v29  }
0x10b: {  	v29 =	vmul.f32 $1.442695020e+00, v35;
	v35 =	vmul.f32 $-2.000000000e+00, v26;
	v41 =	vand.u32 $0x7FFFFFFF, v13  }
0x10c: {  	v26 =	vor.u32 v27, v6;
	v6 =	vmul.f32 $1.442695020e+00, v36;
	v36 =	vmul.f32 $-2.000000000e+00, v41;
	v37 =	vpop (erf)  }
0x10d: {  	v4 =	vand.u32 $0x80000000, v4;
	v40 =	vmul.f32 $1.442695020e+00, v35;
	v39 =	vpop (erf);
	(erf) = vpow2.f32 v29  }
0x10e: {  	v27 =	vor.u32 v25, v4;
	v4 =	vmul.f32 $1.442695020e+00, v36;
	v25 =	vpop (erf);
	(erf) = vpow2.f32 v6  }
0x10f: {  	v29 =	vsub.f32 $1.000000000e+00, v31;
	v6 =	vsub.f32 $1.000000000e+00, v30;
	v31 =	vpop (erf);
	(erf) = vpow2.f32 v40  }
0x110: {  	v22 =	vand.u32 $0x80000000, v22;
	v30 =	vsub.f32 $1.000000000e+00, v32;
	v35 =	vpop (erf);
	(erf) = vpow2.f32 v4  }
0x111: {  	v7 =	vand.u32 $0x80000000, v7;
	v4 =	vmul.f32 v37, v6;
	v6 =	vmul.f32 v39, v29;
	v36 =	vpop (erf)  }
0x112: {  	v33 =	vsub.f32 $1.000000000e+00, v33;
	v34 =	vsub.f32 $1.000000000e+00, v34;
	v29 =	vmul.f32 v25, v30;
	v37 =	vpop (erf)  }
0x113: {  	v32 =	vor.u32 v4, v22;
	v30 =	vor.u32 v6, v7;
	v4 =	vand.u32 $0x80000000, v5;
	v25 =	vld [tilespmem:s19+$0x70];
	v39 =	vpop (erf)  }
0x114: {  	v5 =	vmul.f32 v35, v34;
	v29 =	vor.u32 v29, v4;
	v4 =	vmul.f32 v31, v33  }
0x115: {  	v6 =	vand.u32 $0x80000000, v23;
	v7 =	vand.u32 $0x80000000, v24;
	v22 =	vsub.f32 $1.000000000e+00, v28  }
0x116: {  	v28 =	vor.u32 v5, v7;
	v31 =	vor.u32 v4, v6;
	v4 =	vadd.f32 $1.000000000e+00, v39;
	v23 =	vld [tilespmem:s19+$0x80];
	v33 =	vpop (erf)  }
0x117: {  	v34 =	vmul.f32 v36, v22;
	v5 =	vsub.f32 $1.000000000e+00, v38;
	v7 =	vadd.f32 $1.000000000e+00, v33;
	v24 =	vld [tilespmem:s19+$0x90];
	v35 =	vpop (erf)  }
0x118: {  	v36 =	vadd.f32 $1.000000000e+00, v35;
	v6 =	vand.u32 $0x7FFFFFFF, v25;
	v22 =	vld [tilespmem:s19+$0xA0];
	(erf) = vrcp.f32 v4;
	v38 =	vpop (erf)  }
0x119: {  	v4 =	vadd.f32 $1.000000000e+00, v38;
	v40 =	vmul.f32 $-2.000000000e+00, v6;
	v6 =	vld [tilespmem:s19+$0xB0];
	(erf) = vrcp.f32 v7;
	v41 =	vpop (erf)  }
0x11a: {  	v37 =	vmul.f32 v37, v5;
	v5 =	vadd.f32 $1.000000000e+00, v41;
	(erf) = vrcp.f32 v36  }
0x11b: {  	v36 =	vmul.f32 $1.442695020e+00, v40;
	v7 =	vand.u32 $0x7FFFFFFF, v23;
	(erf) = vrcp.f32 v4  }
0x11c: {  	v40 =	vmul.f32 $-2.000000000e+00, v7;
	v4 =	vand.u32 $0x7FFFFFFF, v24;
	v7 =	vld [tilespmem:s19+$0xC0];
	(erf) = vrcp.f32 v5  }
0x11d: {  	v42 =	vmul.f32 $-2.000000000e+00, v4;
	v5 =	vand.u32 $0x7FFFFFFF, v22;
	v4 =	vld [tilespmem:s19+$0xD0];
	(erf) = vpow2.f32 v36  }
0x11e: {  	v36 =	vmul.f32 $1.442695020e+00, v40;
	v40 =	vmul.f32 $-2.000000000e+00, v5;
	v43 =	vand.u32 $0x7FFFFFFF, v6;
	v5 =	vld [tilespmem:s19+$0xE0]  }
0x11f: {  	s15 =	sadd.s32 $0x8, s15;
	v45 =	vand.u32 $0x80000000, v3;
	v42 =	vmul.f32 $1.442695020e+00, v42;
	v43 =	vmul.f32 $-2.000000000e+00, v43;
	v3 =	vld [tilespmem:s19+$0xF0]  }
0x120: {  	p0 =	slt.u32 s15, $0x1F8;
	v34 =	vor.u32 v34, v45;
	v40 =	vmul.f32 $1.442695020e+00, v40;
	(erf) = vpow2.f32 v36  }
0x121: {  	v36 =	vmul.f32 $1.442695020e+00, v43;
	v43 =	vand.u32 $0x7FFFFFFF, v7;
	v44 =	vpop (erf);
	(erf) = vpow2.f32 v42  }
0x122: {  	v50 =	vmul.f32 $-2.000000000e+00, v43;
	v49 =	vand.u32 $0x7FFFFFFF, v4;
	v45 =	vpop (erf);
	(erf) = vpow2.f32 v40  }
0x123: {  	v40 =	vmul.f32 $-2.000000000e+00, v49;
	v47 =	vand.u32 $0x7FFFFFFF, v5;
	v46 =	vpop (erf);
	(erf) = vpow2.f32 v36  }
0x124: {  	[tilespmem:s19+$0xFFFFFF00] =	vst v9;
	v9 =	vmul.f32 $1.442695020e+00, v50;
	v48 =	vmul.f32 $-2.000000000e+00, v47;
	v47 =	vand.u32 $0x7FFFFFFF, v3;
	v43 =	vpop (erf)  }
0x125: {  	[tilespmem:s19+$0xFFFFFF10] =	vst v8;
	v8 =	vand.u32 $0x80000000, v11;
	v11 =	vmul.f32 $1.442695020e+00, v40;
	v40 =	vmul.f32 $-2.000000000e+00, v47;
	v42 =	vpop (erf)  }
0x126: {  	[tilespmem:s19+$0xFFFFFF20] =	vst v10;
	v8 =	vor.u32 v37, v8;
	v10 =	vmul.f32 $1.442695020e+00, v48;
	v36 =	vpop (erf);
	(erf) = vpow2.f32 v9  }
0x127: {  	v9 =	vsub.f32 $1.000000000e+00, v39;
	[tilespmem:s19+$0xFFFFFF30] =	vst v12;
	v12 =	vmul.f32 $1.442695020e+00, v40;
	(erf) = vpow2.f32 v11  }
0x128: {  	v11 =	vsub.f32 $1.000000000e+00, v33;
	[tilespmem:s19+$0xFFFFFF40] =	vst v18;
	v18 =	vadd.f32 $1.000000000e+00, v36;
	(erf) = vpow2.f32 v10  }
0x129: {  	v9 =	vmul.f32 v44, v9;
	v10 =	vand.u32 $0x80000000, v20;
	[tilespmem:s19+$0xFFFFFF50] =	vst v19;
	v19 =	vpop (erf);
	(erf) = vpow2.f32 v12  }
0x12a: {  	v11 =	vmul.f32 v45, v11;
	[tilespmem:s19+$0xFFFFFF60] =	vst v16;
	v33 =	vadd.f32 $1.000000000e+00, v19;
	(erf) = vrcp.f32 v18;
	v16 =	vpop (erf)  }
0x12b: {  	v18 =	vsub.f32 $1.000000000e+00, v35;
	[tilespmem:s19+$0xFFFFFF70] =	vst v17;
	v17 =	vand.u32 $0x80000000, v21;
	v20 =	vadd.f32 $1.000000000e+00, v16;
	v21 =	vpop (erf)  }
0x12c: {  	[tilespmem:s19+$0xFFFFFF80] =	vst v26;
	v26 =	vor.u32 v9, v10;
	v17 =	vor.u32 v11, v17;
	(erf) = vrcp.f32 v33;
	v12 =	vpop (erf)  }
0x12d: {  	v33 =	vmul.f32 v46, v18;
	v10 =	vadd.f32 $1.000000000e+00, v21;
	[tilespmem:s19+$0xFFFFFF90] =	vst v27;
	(erf) = vrcp.f32 v20  }
0x12e: {  	v11 =	vand.u32 $0x80000000, v14;
	v14 =	vsub.f32 $1.000000000e+00, v38;
	v18 =	vadd.f32 $1.000000000e+00, v12;
	[tilespmem:s19+$0xFFFFFFA0] =	vst v32  }
0x12f: {  	v15 =	vand.u32 $0x80000000, v15;
	v20 =	vor.u32 v33, v11;
	[tilespmem:s19+$0xFFFFFFB0] =	vst v30;
	(erf) = vrcp.f32 v10;
	v27 =	vpop (erf)  }
0x130: {  	v14 =	vmul.f32 v43, v14;
	[tilespmem:s19+$0xFFFFFFC0] =	vst v29;
	v33 =	vadd.f32 $1.000000000e+00, v27;
	(erf) = vrcp.f32 v18;
	v9 =	vpop (erf)  }
0x131: {  	v13 =	vand.u32 $0x80000000, v13;
	v18 =	vsub.f32 $1.000000000e+00, v41;
	[tilespmem:s19+$0xFFFFFFD0] =	vst v31;
	v29 =	vadd.f32 $1.000000000e+00, v9;
	v11 =	vpop (erf)  }
0x132: {  	[tilespmem:s19+$0xFFFFFFE0] =	vst v28;
	v28 =	vsub.f32 $1.000000000e+00, v36;
	v30 =	vadd.f32 $1.000000000e+00, v11;
	(erf) = vrcp.f32 v33;
	v10 =	vpop (erf)  }
0x133: {  	v18 =	vmul.f32 v42, v18;
	[tilespmem:s19+$0x0] =	vst v34;
	v31 =	vadd.f32 $1.000000000e+00, v10;
	v32 =	vpop (erf);
	(erf) = vrcp.f32 v29  }
0x134: {  	v25 =	vand.u32 $0x80000000, v25;
	[tilespmem:s19+$0x10] =	vst v8;
	v8 =	vmul.f32 v32, v28;
	(erf) = vrcp.f32 v30  }
0x135: {  	v19 =	vsub.f32 $1.000000000e+00, v19;
	v16 =	vsub.f32 $1.000000000e+00, v16;
	[tilespmem:s19+$0x20] =	vst v26;
	v26 =	vpop (erf);
	(erf) = vrcp.f32 v31  }
.Ltmp1:
0x136: {  	v14 =	vor.u32 v14, v15;
	v13 =	vor.u32 v18, v13;
	[tilespmem:s19+$0x30] =	vst v17;
	v8 =	vor.u32 v8, v25;
	v15 =	vpop (erf);
	(pc) =	sbr.rel @p0 .LBB2_5-.Ltmp1, $4  }
0x137: {  	v17 =	vmul.f32 v26, v19;
	[tilespmem:s19+$0x40] =	vst v20;
	v15 =	vmul.f32 v15, v16;
	v16 =	vsub.f32 $1.000000000e+00, v21  }
0x138: {  	v18 =	vand.u32 $0x80000000, v24;
	v19 =	vsub.f32 $1.000000000e+00, v12;
	v21 =	vand.u32 $0x80000000, v23;
	[tilespmem:s19+$0x50] =	vst v14;
	v20 =	vpop (erf)  }
0x139: {  	[tilespmem:s19+$0x60] =	vst v13;
	v13 =	vor.u32 v17, v21;
	v12 =	vor.u32 v15, v18;
	v16 =	vmul.f32 v20, v16;
	v14 =	vpop (erf)  }
0x13a: {  	v17 =	vand.u32 $0x80000000, v22;
	v15 =	vsub.f32 $1.000000000e+00, v27;
	s19 =	sadd.s32 $0x200, s19;
	[tilespmem:s4+$0x70] =	vst v8;
	v14 =	vmul.f32 v14, v19  }
0x13b: {  	[tilespmem:s4+$0x80] =	vst v13;
	v8 =	vor.u32 v16, v17;
	v6 =	vand.u32 $0x80000000, v6  }
0x13c: {  	v9 =	vsub.f32 $1.000000000e+00, v9;
	v52 =	vpop (erf);
	[tilespmem:s4+$0x90] =	vst v12;
	v11 =	vsub.f32 $1.000000000e+00, v11;
	v1 =	vmul.f32 v2, v1  }
0x13d: {  	v7 =	vand.u32 $0x80000000, v7;
	v6 =	vor.u32 v14, v6;
	v53 =	vmul.f32 v52, v15;
	v54 =	vpop (erf);
	[tilespmem:s4+$0xA0] =	vst v8  }
0x13e: {  	v56 =	vsub.f32 $1.000000000e+00, v10;
	v55 =	vmul.f32 v54, v9;
	v57 =	vpop (erf);
	[tilespmem:s4+$0xB0] =	vst v6;
	v0 =	vor.u32 v1, v0  }
0x13f: {  	v4 =	vand.u32 $0x80000000, v4;
	p0 =	slt.u32 s0, $0x1A;
	v58 =	vor.u32 v53, v7;
	v59 =	vmul.f32 v57, v11;
	v60 =	vpop (erf);
	[tilespmem:s4+$0xFFFFFFF0] =	vst v0  }
.Ltmp2:
0x140: {  	v5 =	vand.u32 $0x80000000, v5;
	s15 =	sshll.u32 s31, $0xF;
	[tilespmem:s4+$0xC0] =	vst v58;
	v4 =	vor.u32 v55, v4;
	v61 =	vmul.f32 v60, v56;
	(pc) =	sbr.rel @p0 .LBB2_2-.Ltmp2, $4  }
0x141: {  	v3 =	vand.u32 $0x80000000, v3;
	s15 =	sadd.s32 s11, s15;
	[tilespmem:s4+$0xD0] =	vst v4;
	v62 =	vor.u32 v59, v5  }
0x142: {  	s15 =	sshrl.u32 s15, $0x3;
	[tilespmem:s4+$0xE0] =	vst v62;
	v63 =	vor.u32 v61, v3  }
0x143: {  	s31 =	smov.u32 s0;
	s20 =	sadd.s32 s5, s15;
	[tilespmem:s4+$0xF0] =	vst v63  }
0x144: {  	[hbm4b:s20+s7] =	stream.linear.scatter [tilespmem:s3], [sflag:$0x2], $0x8000, $0x38;
	[tilespmem:$0x16420] =	vst v63  }
0x145: {  	_ =	swait.ge [sflag:s25], $0x8000  }
0x146: {  	[sflag:s25] =	ssyncset.done $0x0  }
0x147: {  	s4 =	simm.s32 $0x0;
	[sflag:s25] =	ssyncadd.s32 $0xFFFF8000  }
0x148: {  	[tilespmem:s26], [sflag:$0x3] =	stream.strided.gather [hbm4b:s13+s17], $0x1000, s18, s17, $0x38;
	[tilespmem:$0x16420] =	vst v63  }
.LBB2_8:
0x149: {  	p0 =	seq.s32 s4, $0x0  }
0x14a: {  	p1 =	seq.s32 @!p0 s4, $0x18  }
0x14b: {  	p1 =	por p0, !p1  }
.Ltmp3:
0x14c: {  	_ = 	snop;
	(pc) =	sbr.rel @!p1 .LBB2_10-.Ltmp3, $4  }
0x14d: {  	s3 =	simm.s32 @!p0 $0x3  }
0x14e: {  	_ =	swait.ge @!p0 [sflag:s3], $0x2000  }
0x14f: {  	s0 =	sadd.s32 s12, s4;
	[sflag:s3] =	ssyncset.done @!p0 $0x0  }
0x150: {  	s15 =	sand.u32 $0x1, s4;
	[sflag:s3] =	ssyncadd.s32 @!p0 $0xFFFFE000;
	s3 =	simm.s32 @!p0 $0x19  }
0x151: {  	s3 =	sadd.s32 $0x1, s0  }
0x152: {  	s19 =	sshll.u32 s3, $0x9;
	s20 =	sshll.u32 s3, $0xC;
	s3 =	sshll.u32 s3, $0x2  }
0x153: {  	s19 =	sand.u32 $0xFFFC000, s19;
	s20 =	sand.u32 $0x3000, s20;
	s3 =	sand.u32 $0x70, s3  }
0x154: {  	s31 =	sshll.u32 s15, $0xC;
	s19 =	sor.u32 s20, s19;
	s3 =	sadd.s32 s2, s3  }
0x155: {  	s20 =	sxor.u32 $0x11400, s31;
	s3 =	sadd.s32 s19, s3  }
0x156: {  	[tilespmem:s20], [sflag:$0x3] =	stream.strided.gather [hbm4b:s3+s17], $0x1000, s18, s17, $0x38;
	[tilespmem:$0x16420] =	vst v63  }
0x157: {  	s3 =	sadd.s32 @!p0 $0x1, s4  }
0x158: {  	s3 =	simm.s32 @p0 $0x1  }
.LBB2_10:
0x159: {  	s4 =	sshll.u32 s15, $0xC  }
0x15a: {  	s20 =	sor.u32 $0x10440, s4  }
0x15b: {  	v0 =	vmov s20  }
0x15c: {  	_ =	swait.ge [sflag:s28], $0x1000  }
0x15d: {  	s31 =	sshll.u32 s15, $0xD;
	s19 =	simm.s32 $0x0;
	[sflag:s28] =	ssyncset.done $0x0  }
0x15e: {  	s4 =	sadd.s32 $0x12400, s31;
	s15 =	sadd.s32 $0x12480, s31;
	[sflag:s28] =	ssyncadd.s32 $0xFFFFF000  }
.LBB2_11:
0x15f: {  	s20 =	sshra.s32 s19, $0x2  }
0x160: {  	v1 =	vld.idx.msk [tilespmem:v0+s20+$0xFFFFFFC0 ss:$0x1], $0xffff;
	_ =	sdelay $0x4  }
0x161: {  	v1 =	vshll.u32 v1, $0x1;
	_ =	sdelay $0x4  }
0x162: {  	v2 =	vld.idx.msk [tilespmem:v1+s29+$0x0], $0xffff  }
0x163: {  	v1 =	vor.u32 $0x1, v1;
	_ =	sdelay $0x3  }
0x164: {  	[tilespmem:s15+$0xFFFFFF80] =	vst v2  }
0x165: {  	v1 =	vld.idx.msk [tilespmem:v1+s29+$0x0], $0xffff;
	_ =	sdelay $0x4  }
0x166: {  	[tilespmem:s15+$0x0] =	vst v1  }
0x167: {  	v1 =	vld.idx.msk [tilespmem:v0+s20+$0xFFFFFFD0 ss:$0x1], $0xffff;
	_ =	sdelay $0x4  }
0x168: {  	v1 =	vshll.u32 v1, $0x1;
	_ =	sdelay $0x4  }
0x169: {  	v2 =	vld.idx.msk [tilespmem:v1+s29+$0x0], $0xffff  }
0x16a: {  	v1 =	vor.u32 $0x1, v1;
	_ =	sdelay $0x3  }
0x16b: {  	[tilespmem:s15+$0xFFFFFF90] =	vst v2  }
0x16c: {  	v1 =	vld.idx.msk [tilespmem:v1+s29+$0x0], $0xffff;
	_ =	sdelay $0x4  }
0x16d: {  	[tilespmem:s15+$0x10] =	vst v1  }
0x16e: {  	v1 =	vld.idx.msk [tilespmem:v0+s20+$0xFFFFFFE0 ss:$0x1], $0xffff;
	_ =	sdelay $0x4  }
0x16f: {  	v1 =	vshll.u32 v1, $0x1;
	_ =	sdelay $0x4  }
0x170: {  	v2 =	vld.idx.msk [tilespmem:v1+s29+$0x0], $0xffff  }
0x171: {  	v1 =	vor.u32 $0x1, v1;
	_ =	sdelay $0x3  }
0x172: {  	[tilespmem:s15+$0xFFFFFFA0] =	vst v2  }
0x173: {  	v1 =	vld.idx.msk [tilespmem:v1+s29+$0x0], $0xffff;
	_ =	sdelay $0x4  }
0x174: {  	[tilespmem:s15+$0x20] =	vst v1  }
0x175: {  	v1 =	vld.idx.msk [tilespmem:v0+s20+$0xFFFFFFF0 ss:$0x1], $0xffff;
	_ =	sdelay $0x4  }
0x176: {  	v1 =	vshll.u32 v1, $0x1;
	_ =	sdelay $0x4  }
0x177: {  	v2 =	vld.idx.msk [tilespmem:v1+s29+$0x0], $0xffff  }
0x178: {  	v1 =	vor.u32 $0x1, v1;
	_ =	sdelay $0x3  }
0x179: {  	[tilespmem:s15+$0xFFFFFFB0] =	vst v2  }
0x17a: {  	v1 =	vld.idx.msk [tilespmem:v1+s29+$0x0], $0xffff;
	_ =	sdelay $0x4  }
0x17b: {  	[tilespmem:s15+$0x30] =	vst v1  }
0x17c: {  	v1 =	vld.idx.msk [tilespmem:v0+s20+$0x0 ss:$0x1], $0xffff;
	_ =	sdelay $0x4  }
0x17d: {  	v1 =	vshll.u32 v1, $0x1;
	_ =	sdelay $0x4  }
0x17e: {  	v2 =	vld.idx.msk [tilespmem:v1+s29+$0x0], $0xffff  }
0x17f: {  	v1 =	vor.u32 $0x1, v1;
	_ =	sdelay $0x3  }
0x180: {  	[tilespmem:s15+$0xFFFFFFC0] =	vst v2  }
0x181: {  	v1 =	vld.idx.msk [tilespmem:v1+s29+$0x0], $0xffff;
	_ =	sdelay $0x4  }
0x182: {  	[tilespmem:s15+$0x40] =	vst v1  }
0x183: {  	v1 =	vld.idx.msk [tilespmem:v0+s20+$0x10 ss:$0x1], $0xffff;
	_ =	sdelay $0x4  }
0x184: {  	v1 =	vshll.u32 v1, $0x1;
	_ =	sdelay $0x4  }
0x185: {  	v2 =	vld.idx.msk [tilespmem:v1+s29+$0x0], $0xffff  }
0x186: {  	v1 =	vor.u32 $0x1, v1;
	_ =	sdelay $0x3  }
0x187: {  	[tilespmem:s15+$0xFFFFFFD0] =	vst v2  }
0x188: {  	v1 =	vld.idx.msk [tilespmem:v1+s29+$0x0], $0xffff;
	_ =	sdelay $0x4  }
0x189: {  	[tilespmem:s15+$0x50] =	vst v1  }
0x18a: {  	v1 =	vld.idx.msk [tilespmem:v0+s20+$0x20 ss:$0x1], $0xffff;
	_ =	sdelay $0x4  }
0x18b: {  	v1 =	vshll.u32 v1, $0x1;
	_ =	sdelay $0x4  }
0x18c: {  	v2 =	vld.idx.msk [tilespmem:v1+s29+$0x0], $0xffff  }
0x18d: {  	v1 =	vor.u32 $0x1, v1;
	_ =	sdelay $0x3  }
0x18e: {  	[tilespmem:s15+$0xFFFFFFE0] =	vst v2  }
0x18f: {  	v1 =	vld.idx.msk [tilespmem:v1+s29+$0x0], $0xffff;
	_ =	sdelay $0x4  }
0x190: {  	[tilespmem:s15+$0x60] =	vst v1  }
0x191: {  	v1 =	vld.idx.msk [tilespmem:v0+s20+$0x30 ss:$0x1], $0xffff;
	_ =	sdelay $0x4  }
0x192: {  	v1 =	vshll.u32 v1, $0x1;
	_ =	sdelay $0x4  }
0x193: {  	v2 =	vld.idx.msk [tilespmem:v1+s29+$0x0], $0xffff  }
0x194: {  	v1 =	vor.u32 $0x1, v1;
	_ =	sdelay $0x3  }
0x195: {  	[tilespmem:s15+$0xFFFFFFF0] =	vst v2  }
0x196: {  	p0 =	sne.s32 s19, $0x3E00;
	v1 =	vld.idx.msk [tilespmem:v1+s29+$0x0], $0xffff  }
.Ltmp4:
0x197: {  	_ = 	snop;
	(pc) =	sbr.rel @p0 .LBB2_11-.Ltmp4, $2  }
0x198: {  	_ =	sdelay $0x2  }
0x199: {  	s19 =	sadd.s32 $0x200, s19;
	[tilespmem:s15+$0x70] =	vst v1;
	s15 =	sadd.s32 $0x100, s15  }
0x19a: {  	p0 =	slt.u32 s3, $0x19  }
.Ltmp5:
0x19b: {  	s0 =	sshll.u32 s0, $0xA;
	(pc) =	sbr.rel @p0 .LBB2_8-.Ltmp5, $4  }
0x19c: {  	s0 =	sand.u32 $0xFFFFC00, s0  }
0x19d: {  	s0 =	sadd.s32 s6, s0  }
0x19e: {  	[hbm4b:s0+s7] =	stream.linear.scatter [tilespmem:s4], [sflag:$0x3], $0x2000, $0x38;
	[tilespmem:$0x16420] =	vst v63  }
0x19f: {  	s4 =	smov.u32 s3  }
0x1a0: {  	s30 =	sadd.s32 $0x1, s30  }
0x1a1: {  	p0 =	sne.s32 s30, s14  }
.Ltmp6:
0x1a2: {  	_ = 	snop;
	(pc) =	sbr.rel @p0 .LBB2_1-.Ltmp6, $4  }
0x1a3: {  	_ = 	snop  }
0x1a4: {  	_ =	swait.ge [sflag:s28], $0x2000  }
0x1a5: {  	[sflag:s28] =	ssyncset.done $0x0  }
0x1a6: {  	[sflag:s28] =	ssyncadd.s32 $0xFFFFE000  }
0x1a7: {  	_ =	sfence.sel $0x180000  }
0x1a8: {  	[bflag:$0x0] =	sbarrier.arrive $0xFFFF  }
0x1a9: {  	_ =	strace $0x90000047  }
0x1aa: {  	s0 =	stileid.u32;
	[bflag:$0x2] =	sbarrier.arrive $0xFFFF  }
0x1ab: {  	p0 =	sne.s32 s0, $0x0;
	s0 =	rddreg [dreg:$0x6]  }
0x1ac: {  	s0 =	sadd.s32 @!p0 $0x100000, s0  }
0x1ad: {  	[sflag:s0] =	ssyncadd.tile.s32 @!p0 $0x1;
	_ =	shalt  }
.Lfunc_end2:
_tile_overlayer_lowered:
.L_overlay_start_2:
0x1ae: {  	(tag) =	ssettag $0x2  }
0x1af: {  	s0 =	rddreg [dreg:$0x0];
	s2 =	stileid.u32  }
0x1b0: {  	s1 =	rddreg [dreg:$0x1];
	p0 =	sne.s32 s2, $0x0  }
0x1b1: {  	s3 =	rddreg [dreg:$0x2];
	[bflag:$0x3] =	sbarrier.arrive $0xFFFF;
	s2 =	simm.s32 @!p0 $0x1C04  }
0x1b2: {  	[timem:s3], [sflag:s2] =	dma.local @!p0 [hbm:s0], s1  }
0x1b3: {  	s0 =	simm.s32 @!p0 $0x4  }
0x1b4: {  	_ =	swait.ge @!p0 [sflag:s0], s1  }
0x1b5: {  	s1 =	ssub.s32 @!p0 $0x0, s1;
	[sflag:s0] =	ssyncset.done @!p0 $0x0  }
0x1b6: {  	[sflag:s0] =	ssyncadd.s32 @!p0 s1  }
0x1b7: {  	[bflag:$0x3] =	sbarrier.arrive $0xFFFF  }
0x1b8: {  	_ =	shalt  }

// kernel: sparse-core-data-format-call.cloned.1.call-start
scs
called_computation_lowered:
.L_overlay_start_0:
0x0: {  	s2 =	sld [smem:$0x3FD9]  }
0x1: {  	s3 =	sld [smem:$0x3FFE];
	_ =	sdelay $0x1  }
0x2: {  	s1 =	srdreg.scid  }
0x3: {  	s0 =	sand.u32 $0x1, s1  }
0x4: {  	s15 =	sshll.u32 s0, $0xA;
	s2 =	sadd.s32 s3, s2  }
0x5: {  	s2 =	sadd.s32 s2, s15  }
0x6: {  	[smem:$0x3FC4] =	sst s2  }
0x7: {  	_ = 	snop  }
0x8: {  	s2 =	sld [smem:$0x3FD0];
	_ =	sdelay $0x2  }
0x9: {  	s16 =	simm.s32 $0xA;
	s4 =	simm.s32 $0x10  }
0xa: {  	[smem:s4], [sflag:s16] =	dma.local [hbm:s2], $0x1  }
0xb: {  	_ =	swait.eq [sflag:s16], $0x1  }
0xc: {  	[sflag:s16] =	ssyncset.done $0x0  }
0xd: {  	[sflag:s16] =	ssyncadd.s32 $0xFFFFFFFF  }
0xe: {  	s17 =	sld [smem:$0x10];
	(tm) =	ssettm $0x1  }
0xf: {  	s18 =	sld [smem:$0x3FFB];
	_ =	sdelay $0x3  }
0x10: {  	_ =	strace s18  }
0x11: {  	s3 =	sld [smem:$0x3FFC];
	_ =	sdelay $0x3  }
0x12: {  	_ =	strace s3  }
0x13: {  	s3 =	sld [smem:$0x3FFD];
	_ =	sdelay $0x3  }
0x14: {  	_ =	strace s3  }
0x15: {  	_ =	strace $0x8FFFFFFF  }
0x16: {  	s19 =	sld [smem:$0x3FDB];
	_ =	sdelay $0x1  }
0x17: {  	s20 =	simm.s32 $_scs_section_size  }
0x18: {  	s5 =	simm.s32 $_size__tile_overlayer_lowered;
	s6 =	simm.s32 $_tile_overlayer_lowered  }
0x19: {  	s23 =	simm.s32 $0x1BFF;
	s22 =	sshll.u32 s6, $0x1;
	s3 =	sadd.s32 s20, s19  }
0x1a: {  	s7 =	simm.s32 $0x0;
	s21 =	sshll.u32 s5, $0x1;
	s5 =	sadd.s32 s22, s3  }
0x1b: {  	[timem:s7], [sflag:s23] =	dma.local [hbm:s5], s21  }
0x1c: {  	_ =	swait.ge [sflag:s23], s21  }
0x1d: {  	s4 =	ssub.s32 $0x0, s21;
	[sflag:s23] =	ssyncset.done $0x0  }
0x1e: {  	[sflag:s23] =	ssyncadd.s32 s4;
	_ =	sdelay $0x1  }
0x1f: {  	s24 =	simm.s32 $0x1B8B  }
0x20: {  	_ =	swait.ge [sflag:s24], $0x1  }
0x21: {  	[sflag:s24] =	ssyncset.done $0x0  }
0x22: {  	s26 =	simm.s32 $0x1B8E;
	s25 =	sld [smem:$0x3FFE];
	[sflag:s24] =	ssyncadd.s32 $0xFFFFFFFF  }
0x23: {  	s27 =	simm.s32 $execute0_lowered;
	[smem:$0x3FD2] =	sst s26  }
0x24: {  	s5 =	sshll.u32 s27, $0x1;
	_ =	strace $0x80000049;
	[dreg:$0x1] =	wrdreg $0xFFFFFFFF  }
0x25: {  	s28 =	simm.s32 $_size_execute0_lowered;
	s3 =	sadd.s32 s3, s5;
	[dreg:$0x0] =	wrdreg $0x0  }
0x26: {  	s5 =	sshll.u32 s28, $0x1;
	[dreg:$0x2] =	wrdreg s3  }
0x27: {  	[dreg:$0x3] =	wrdreg s5  }
0x28: {  	[dreg:$0x4] =	wrdreg $0xC0  }
0x29: {  	_ =	task [dreg:s7], $0x5FFFF  }
0x2a: {  	[dreg:$0x1] =	wrdreg $0xFFFFFFFF  }
0x2b: {  	[dreg:$0x0] =	wrdreg $0x60  }
0x2c: {  	[dreg:$0x2] =	wrdreg s25  }
0x2d: {  	[dreg:$0x3] =	wrdreg s17  }
0x2e: {  	[dreg:$0x4] =	wrdreg $0x9  }
0x2f: {  	_ =	task.clear_ibuf [dreg:s7], $0x5FFFF;
	_ =	strace $0x90000049  }
0x30: {  	s29 =	simm.s32 $0x9;
	_ =	strace $0x8000004B  }
0x31: {  	_ =	swait.ge [sflag:s29], $0x1  }
0x32: {  	[sflag:s29] =	ssyncadd.s32 $0xFFFFFFFF  }
0x33: {  	_ =	strace $0x9000004B  }
0x34: {  	_ =	sfence  }
0x35: {  	s30 =	sld [smem:$0x0];
	_ =	sdelay $0x2  }
0x36: {  	s31 =	sshll.u32 s1, $0xD;
	s1 =	sshrl.u32 s1, $0x2  }
0x37: {  	s3 =	sand.u32 $0x4000, s31;
	s1 =	sadd.s32 s1, s30  }
0x38: {  	s0 =	sor.u32 s3, s0;
	s1 =	sshll.u32 s1, $0x11  }
0x39: {  	s0 =	sor.u32 s1, s0  }
0x3a: {  	s0 =	sadd.s32 $0x8F2B, s0  }
0x3b: {  	[sflag:s0] =	ssyncadd.remote.s32 $0x1  }
0x3c: {  	_ =	sfence.sel $0xFFFF  }
0x3d: {  	[dreg:$0x0] =	wrdreg $0xFFFFFFFF;
	(pc) =	sbr.abs _section_cstart, $3  }
0x3e: {  	[dreg:$0x1] =	wrdreg $0xFFFFFFFF  }
0x3f: {  	_ =	task.clear_ibuf [dreg:s7], $0x2FFFF;
	_ =	strace $0x9FFFFFFF  }
0x40: {  	(tm) =	ssettm $0x7FFFFFFF  }
0x41: {  	_ =	shalt  }
tec
execute0_lowered:
.L_overlay_start_1:
0x0: {  	(tag) =	ssettag $0x1  }
0x1: {  	s0 =	srdreg.scid  }
0x2: {  	s1 =	sshll.u32 s0, $0x4  }
0x3: {  	s4 =	rddreg [dreg:$0x0];
	s0 =	stileid.u32;
	s1 =	sand.u32 $0x10, s1  }
0x4: {  	s2 =	rddreg [dreg:$0x1];
	s7 =	simm.s32 $0x1;
	s1 =	sor.u32 s0, s1  }
0x5: {  	s8 =	simm.s32 $0x2;
	s11 =	simm.s32 $0x0;
	s3 =	sshll.u32 s1, $0x7  }
0x6: {  	s10 =	simm.s32 $0x0;
	s4 =	sadd.s32 $0xC00, s4;
	s6 =	ssub.s32 $0x68000, s3  }
.Ltmp0:
0x7: {  	s1 =	rddreg [dreg:$0x2];
	s5 =	sand.u32 $0xF80, s6;
	(pc) =	sbr.rel .LBB1_1-.Ltmp0, $4  }
0x8: {  	_ =	strace $0x8000004A;
	s9 =	smov.u32 s3;
	p0 =	sne.s32 s5, $0x0  }
0x9: {  	s6 =	sshrl.u32 s6, $0xC;
	s5 =	simm.s32 $0x1;
	s7 =	simm.s32 @!p0 $0x0  }
0xa: {  	[sflag:s5] =	ssyncpa.u1 $0x0;
	p0 =	por $0x0, $0x0;
	s6 =	sadd.s32 s7, s6  }
0xb: {  	[sflag:s8] =	ssyncpa.u1 $0x0;
	s8 =	simm.s32 $0x340000;
	s7 =	sadd.s32 $0x1, s6  }
.LBB1_4:
0xc: {  	s14 =	sshll.u32 s11, $0x3  }
0xd: {  	s30 =	sand.u32 $0x7F, s11;
	s15 =	sand.u32 $0xFFFFFC00, s14  }
0xe: {  	s11 =	sor.u32 s30, s15  }
0xf: {  	s15 =	smulhi.u32 $0x4EC4EC4F, s11  }
0x10: {  	s14 =	smulhi.u32 $0x4EC4EC4F, s14  }
0x11: {  	s15 =	sshrl.u32 s15, $0x11  }
0x12: {  	s14 =	sshrl.u32 s14, $0x11;
	s15 =	smul.u32 $0x68000, s15  }
0x13: {  	s14 =	sand.u32 $0x3F, s14  }
0x14: {  	s14 =	smul.u32 $0xD000, s14;
	s11 =	ssub.s32 s11, s15  }
0x15: {  	[tilespmem:s13+$0x810 ss:$0x81] =	vst.msk $0xffff, v2;
	s15 =	sand.u32 $0x7, s11  }
0x16: {  	[tilespmem:s13+$0x1020 ss:$0x81] =	vst.msk $0xffff, v0;
	s14 =	sadd.s32 s2, s14;
	s11 =	sshrl.u32 s11, $0x3;
	s15 =	sshll.u32 s15, $0x12  }
0x17: {  	[tilespmem:s13+$0x0 ss:$0x81] =	vst.msk $0xffff, v1;
	s11 =	sadd.s32 s11, s14;
	s31 =	sor.u32 $0x400, s15  }
0x18: {  	[hbm4b:s11+s31] =	stream.strided.scatter [tilespmem:s12], [sflag:$0x2], $0x2000, s8, s31, $0x20;
	[tilespmem:$0x8080] =	vst v63  }
.LBB1_5:
0x19: {  	s13 =	sadd.s32 $0x1000, s9  }
0x1a: {  	p2 =	sgt.s32 s13, $0x67FFF  }
0x1b: {  	s13 =	smov.u32 @p2 s3;
	p2 =	sne.s32 s10, s7  }
.Ltmp1:
0x1c: {  	p1 =	slt.u32 s10, $0x2;
	(pc) =	sbr.rel @!p2 .LBB1_6-.Ltmp1, $4  }
0x1d: {  	s12 =	simm.s32 @!p1 $0x2  }
0x1e: {  	s14 =	sadd.s32 $0x1, s10;
	_ =	swait.ge @!p1 [sflag:s12], $0x2000  }
0x1f: {  	s11 =	smov.u32 s9;
	p0 =	por !p0, !p0;
	[sflag:s12] =	ssyncset.done @!p1 $0x0  }
0x20: {  	s10 =	smov.u32 s14;
	s9 =	smov.u32 s13;
	[sflag:s12] =	ssyncadd.s32 @!p1 $0xFFFFE000  }
.LBB1_1:
0x21: {  	p1 =	sge.u32 s10, s6  }
0x22: {  	s12 =	sand.u32 @!p1 $0x1FFFFFF, s9  }
0x23: {  	s13 =	smulhi.u32 @!p1 $0x2762763, s12;
	_ =	sdelay $0x1  }
0x24: {  	s13 =	sshrl.u32 @!p1 s13, $0xC  }
0x25: {  	s13 =	smul.u32 @!p1 $0x68000, s13;
	_ =	sdelay $0x1  }
0x26: {  	s31 =	sadd.s32 $0xFFFFFFFF, s10;
	s14 =	sxor.u32 @!p1 $0xFFFFFFFF, s10;
	s12 =	ssub.s32 @!p1 s12, s13  }
0x27: {  	s15 =	simm.s32 @!p1 $0x80;
	s14 =	sshll.u32 @!p1 s14, $0xD;
	s12 =	sshll.u32 @!p1 s12, $0x4  }
0x28: {  	s13 =	sand.u32 @!p1 $0x2000, s14;
	s14 =	simm.s32 @!p1 $0x40;
	s12 =	sadd.s32 @!p1 s4, s12  }
0x29: {  	[tilespmem:s13], [sflag:$0x1] =	stream.strided.gather @!p1 [hbm4b:s12+s14], $0x2000, s15, s14, $0x38;
	[tilespmem:$0x8080] =	vst v63  }
0x2a: {  	p1 =	sge.u32 s31, s6  }
.Ltmp2:
0x2b: {  	_ = 	snop;
	(pc) =	sbr.rel @p1 .LBB1_5-.Ltmp2, $1  }
0x2c: {  	_ =	sdelay $0x3  }
0x2d: {  	s12 =	simm.s32 $0x1  }
0x2e: {  	_ =	swait.ge [sflag:s5], $0x2000;
	s12 =	simm.s32 @!p0 $0x0  }
0x2f: {  	[sflag:s5] =	ssyncset.done $0x0;
	s13 =	sshll.u32 s12, $0xD  }
0x30: {  	[sflag:s5] =	ssyncadd.s32 $0xFFFFE000;
	s16 =	sor.u32 $0x20, s13  }
0x31: {  	s12 =	smul.u32 $0x8100, s12;
	v3 =	vld [tilespmem:s16+$0x10]  }
0x32: {  	s30 =	sand.u32 $0x1, s10;
	v2 =	vld [tilespmem:s16+$0xFFFFFFF0]  }
0x33: {  	s13 =	smul.u32 $0x8100, s30;
	s12 =	sshrl.u32 s12, $0x2;
	v0 =	vld [tilespmem:s16+$0x0]  }
0x34: {  	v1 =	vld [tilespmem:s16+$0xFFFFFFE0];
	s14 =	sor.u32 $0x4000, s12  }
0x35: {  	s31 =	sshrl.u32 s13, $0x2;
	s13 =	sadd.s32 $0x0, s14  }
0x36: {  	s15 =	simm.s32 $0x4;
	s16 =	sadd.s32 $0x40, s16;
	s12 =	sor.u32 $0x4000, s31;
	[tilespmem:s13+$0x1830 ss:$0x81] =	vst.msk $0xffff, v3  }
.LBB1_3:
0x37: {  	v3 =	vld [tilespmem:s16+$0x10];
	p1 =	sne.s32 s15, $0x1FC;
	[tilespmem:s13+$0x810 ss:$0x81] =	vst.msk $0xffff, v2;
	s17 =	smov.u32 s15;
	s15 =	sadd.s32 $0x4, s15  }
.Ltmp3:
0x38: {  	v2 =	vld [tilespmem:s16+$0xFFFFFFF0];
	[tilespmem:s13+$0x1020 ss:$0x81] =	vst.msk $0xffff, v0;
	(pc) =	sbr.rel @p1 .LBB1_3-.Ltmp3, $4  }
0x39: {  	v0 =	vld [tilespmem:s16+$0x0];
	[tilespmem:s13+$0x0 ss:$0x81] =	vst.msk $0xffff, v1  }
0x3a: {  	s13 =	sshra.s32 s17, $0x2;
	v1 =	vld [tilespmem:s16+$0xFFFFFFE0]  }
0x3b: {  	s13 =	sadd.s32 s13, s14  }
0x3c: {  	s16 =	sadd.s32 $0x40, s16;
	[tilespmem:s13+$0x1830 ss:$0x81] =	vst.msk $0xffff, v3  }
.Ltmp4:
0x3d: {  	_ = 	snop;
	(pc) =	sbr.rel .LBB1_4-.Ltmp4, $1  }
0x3e: {  	_ =	sdelay $0x3  }
.LBB1_6:
0x3f: {  	_ =	sfence.sel $0x180000  }
0x40: {  	s2 =	simm.s32 $0x1;
	[bflag:$0x0] =	sbarrier.arrive $0xFFFF  }
0x41: {  	s31 =	simm.s32 $0x2;
	[sflag:s2] =	ssyncpa.u1 $0x1  }
0x42: {  	[sflag:s31] =	ssyncpa.u1 $0x1  }
0x43: {  	p0 =	sne.s32 s0, $0x0;
	_ =	strace $0x9000004A  }
0x44: {  	s0 =	sadd.s32 @!p0 $0x100000, s1;
	[bflag:$0x2] =	sbarrier.arrive $0xFFFF  }
0x45: {  	[sflag:s0] =	ssyncadd.tile.s32 @!p0 $0x1;
	_ =	shalt  }
.Lfunc_end1:
_tile_overlayer_lowered:
.L_overlay_start_2:
0x46: {  	(tag) =	ssettag $0x2  }
0x47: {  	s0 =	rddreg [dreg:$0x0];
	s2 =	stileid.u32  }
0x48: {  	s1 =	rddreg [dreg:$0x1];
	p0 =	sne.s32 s2, $0x0  }
0x49: {  	s3 =	rddreg [dreg:$0x2];
	[bflag:$0x3] =	sbarrier.arrive $0xFFFF;
	s2 =	simm.s32 @!p0 $0x1C01  }
0x4a: {  	[timem:s3], [sflag:s2] =	dma.local @!p0 [hbm:s0], s1  }
0x4b: {  	s0 =	simm.s32 @!p0 $0x1  }
0x4c: {  	_ =	swait.ge @!p0 [sflag:s0], s1  }
0x4d: {  	s1 =	ssub.s32 @!p0 $0x0, s1;
	[sflag:s0] =	ssyncset.done @!p0 $0x0  }
0x4e: {  	[sflag:s0] =	ssyncadd.s32 @!p0 s1  }
0x4f: {  	[bflag:$0x3] =	sbarrier.arrive $0xFFFF  }
0x50: {  	_ =	shalt  }

</sc_bundles>
